<compile_context>
chip_gen: v7x
topology: tpu7x:2x2x1
jax: 0.10.2.dev20260603
libtpu: 0.0.44.dev20260713+nightly
codegen_flags: <defaults>
</compile_context>

<pallas_src>
import functools

import jax
import jax.numpy as jnp
from jax import lax
from jax.experimental import pallas as pl
from jax.experimental.pallas import tpu as pltpu
from jax.experimental.pallas import tpu_sc as plsc

N = 100000
F = 128
C = 16
E = 3200000
NC = 2
NS = 16
NW = NC * NS
SB = 128
NSUB = 4
EB = SB * NSUB
NB = 196
EPAD = NW * NB * EB
NP = 100096
RPS = NP // NS

_mesh = plsc.VectorSubcoreMesh(core_axis_name="c", subcore_axis_name="s")
_sc_params = pltpu.CompilerParams(use_tc_tiling_on_sc=False)
_f32 = jnp.float32


CH = C // 2
NBT = EPAD // EB
NBC = NBT // NS


def _sc_propagate(g, rows4, cols4, zeros):

    @functools.partial(
        pl.kernel,
        out_type=[jax.ShapeDtypeStruct((NP, C), _f32)] * 2,
        mesh=_mesh,
        scratch_types=[
            pltpu.VMEM((2, EB), jnp.int32),
            pltpu.VMEM((2, EB), jnp.int32),
            pltpu.VMEM((2, EB, CH), _f32),
            pltpu.VMEM_SHARED((NP, CH), _f32),
            pltpu.VMEM_SHARED((NP, CH), _f32),
            pltpu.SemaphoreType.DMA,
            pltpu.SemaphoreType.DMA,
            pltpu.SemaphoreType.DMA,
            pltpu.SemaphoreType.DMA,
        ],
        compiler_params=_sc_params,
    )
    def k(g_hbm, row_hbm, col_hbm, z_hbm, oa_hbm, ob_hbm, ridx, cidx, buf,
          gst, acc, irs, ics, gs, ss):
        cid = lax.axis_index("c")
        sid = lax.axis_index("s")
        sl = pl.ds(sid * RPS, RPS)
        pltpu.sync_copy(g_hbm.at[sl, pl.ds(cid * CH, CH)], gst.at[sl])
        pltpu.sync_copy(z_hbm.at[sl, pl.ds(0, CH)], acc.at[sl])
        plsc.subcore_barrier()

        def drain(sem):
            pltpu.make_async_copy(z_hbm.at[pl.ds(0, EB), pl.ds(0, CH)],
                                  buf.at[0], sem).wait()

        def step(b, p):
            q = 1 - p
            drain(gs)

            @pl.when(b + 2 < NBC)
            def _():
                pltpu.async_copy(row_hbm.at[sid * NBC + b + 2], ridx.at[p],
                                 irs)

            @pl.when(b >= 1)
            def _():
                drain(ss)

            @pl.when(b + 1 < NBC)
            def _():
                pltpu.async_copy(col_hbm.at[sid * NBC + b + 1], cidx.at[q],
                                 ics)
                pltpu.make_async_copy(row_hbm.at[0], ridx.at[0],
                                      irs).wait()
                pltpu.async_copy(gst.at[ridx.at[q]], buf.at[q], gs)

            @pl.when(b >= 1)
            def _():
                pltpu.make_async_copy(col_hbm.at[0], cidx.at[0],
                                      ics).wait()

            pltpu.async_copy(buf.at[p], acc.at[cidx.at[p]], ss, add=True)

        pltpu.sync_copy(row_hbm.at[sid * NBC], ridx.at[0])
        pltpu.sync_copy(col_hbm.at[sid * NBC], cidx.at[0])
        pltpu.async_copy(gst.at[ridx.at[0]], buf.at[0], gs)
        pltpu.async_copy(row_hbm.at[sid * NBC + 1], ridx.at[1], irs)

        @pl.loop(0, NBC // 2)
        def _(t):
            step(2 * t, 0)
            step(2 * t + 1, 1)

        drain(ss)
        plsc.subcore_barrier()

        @pl.when(cid == 0)
        def _():
            pltpu.sync_copy(acc.at[sl], oa_hbm.at[sl, pl.ds(0, CH)])

        @pl.when(cid == 1)
        def _():
            pltpu.sync_copy(acc.at[sl], ob_hbm.at[sl, pl.ds(CH, CH)])

    return k(g, rows4, cols4, zeros)


def _sc_degree(rows4, ones, zeros1):

    @functools.partial(
        pl.kernel,
        out_type=[jax.ShapeDtypeStruct((NP, C), _f32)] * 2,
        mesh=_mesh,
        scratch_types=[
            pltpu.VMEM((2, EB), jnp.int32),
            pltpu.VMEM((EB,), _f32),
            pltpu.VMEM((RPS,), _f32),
            pltpu.VMEM((RPS, C), _f32),
            pltpu.VMEM_SHARED((NP,), _f32),
            pltpu.SemaphoreType.DMA,
            pltpu.SemaphoreType.DMA,
        ],
        compiler_params=_sc_params,
    )
    def k(row_hbm, ones_hbm, z_hbm, oa_hbm, ob_hbm, ridx, onesb, dbuf,
          rbuf, acc, irs, ss):
        cid = lax.axis_index("c")
        sid = lax.axis_index("s")
        wid = cid * NS + sid
        pltpu.sync_copy(ones_hbm, onesb)
        pltpu.sync_copy(z_hbm.at[pl.ds(sid * RPS, RPS)],
                        acc.at[pl.ds(sid * RPS, RPS)])
        plsc.subcore_barrier()

        def scat(p):
            pltpu.async_copy(onesb, acc.at[ridx.at[p]], ss, add=True)

        def drain_ss():
            pltpu.make_async_copy(ones_hbm, onesb, ss).wait()

        nbd = NBT // NW
        pltpu.sync_copy(row_hbm.at[wid * nbd], ridx.at[0])

        def stepd(b, p):
            q = 1 - p

            @pl.when(b >= 1)
            def _():
                pltpu.make_async_copy(row_hbm.at[0], ridx.at[0],
                                      irs).wait()

            scat(p)

            @pl.when(b >= 1)
            def _():
                drain_ss()

            @pl.when(b + 1 < nbd)
            def _():
                pltpu.async_copy(row_hbm.at[wid * nbd + b + 1], ridx.at[q],
                                 irs)

        @pl.loop(0, nbd // 2)
        def _(t):
            stepd(2 * t, 0)
            stepd(2 * t + 1, 1)

        drain_ss()
        plsc.subcore_barrier()
        sl = pl.ds(sid * RPS, RPS)
        pltpu.sync_copy(acc.at[sl], dbuf)

        @pl.loop(0, RPS // 16)
        def _(i):
            v = dbuf[pl.ds(i * 16, 16)]
            for kk in range(16):
                rbuf[i * 16 + kk, :] = jnp.broadcast_to(v[kk], (C,))

        @pl.when(cid == 0)
        def _():
            pltpu.sync_copy(rbuf, oa_hbm.at[sl])

        @pl.when(cid == 1)
        def _():
            pltpu.sync_copy(rbuf, ob_hbm.at[sl])

    return k(rows4, ones, zeros1)


def _tc_matmul(x, w):
    BM = 2000

    def body(x_ref, w_ref, o_ref):
        o_ref[...] = jnp.dot(x_ref[...], w_ref[...],
                             preferred_element_type=_f32)

    return pl.pallas_call(
        body,
        grid=(N // BM,),
        in_specs=[
            pl.BlockSpec((BM, F), lambda i: (i, 0)),
            pl.BlockSpec((F, C), lambda i: (0, 0)),
        ],
        out_specs=pl.BlockSpec((BM, C), lambda i: (i, 0)),
        out_shape=jax.ShapeDtypeStruct((NP, C), _f32),
    )(x, w)


_RF = NP * C // 128


def _flat(a):
    return a.reshape(_RF, 128)


def _tc_prep(dega, degb, h0):

    def body(da, db, h, g0_o, di_o, di2_o):
        deg = da[...] + db[...]
        pos = deg > 0.0
        di = jnp.where(pos, lax.rsqrt(deg), 0.0)
        di_o[...] = di
        di2_o[...] = jnp.where(pos, 1.0 / deg, 0.0)
        g0_o[...] = di * h[...]

    return pl.pallas_call(
        body,
        out_shape=[jax.ShapeDtypeStruct((_RF, 128), _f32)] * 3,
    )(_flat(dega), _flat(degb), _flat(h0))


def _tc_combine(sa, sb, scale):

    def body(a, b, s, o):
        lane = lax.broadcasted_iota(jnp.int32, (_RF, 128), 1)
        sel = lane % C < CH
        o[...] = s[...] * jnp.where(sel, a[...], b[...])

    return pl.pallas_call(
        body,
        out_shape=jax.ShapeDtypeStruct((_RF, 128), _f32),
    )(_flat(sa), _flat(sb), scale)


def kernel(x, edge_index, weight):
    row = edge_index[0].astype(jnp.int32)
    col = edge_index[1].astype(jnp.int32)
    padv = jnp.full((EPAD - E,), N, jnp.int32)
    rows4 = jnp.concatenate([row, padv]).reshape(NBT, EB)
    cols4 = jnp.concatenate([col, padv]).reshape(NBT, EB)
    zeros = jnp.zeros((NP, C), _f32)
    zeros1 = jnp.zeros((NP,), _f32)
    ones = jnp.ones((EB,), _f32)

    dega, degb = _sc_degree(rows4, ones, zeros1)
    h0 = _tc_matmul(x, weight)
    g0f, dinv, dinv2 = _tc_prep(dega, degb, h0)

    s1a, s1b = _sc_propagate(g0f.reshape(NP, C), rows4, cols4, zeros)
    g1f = _tc_combine(s1a, s1b, dinv2)

    s2a, s2b = _sc_propagate(g1f.reshape(NP, C), rows4, cols4, zeros)
    h2f = _tc_combine(s2a, s2b, dinv)
    return h2f.reshape(NP, C)[:N]

# --- scband reference (transcript-rebuilt; emitter-appended) ---
"""Pipeline reference for scband-simple-gcn-39788577030710 (READ-ONLY COPY).

The authoritative reference and input builder live on the scoring server;
editing this copy changes nothing except your own understanding.
"""

import jax, jax.numpy as jnp
import numpy as np

N_NODES = 100000
N_EDGES = 3200000
NUM_FEATS = 128
NUM_CLASSES = 16
NUM_LAYERS = 2


def setup_inputs(seed: int = 0) -> dict:
    key = jax.random.key(seed)
    k1, k2, k3 = jax.random.split(key, 3)
    x = jax.random.normal(k1, (N_NODES, NUM_FEATS), dtype=jnp.float32)
    edge_index = jax.random.randint(k2, (2, N_EDGES), 0, N_NODES, dtype=jnp.int64)
    # glorot(self.weight): uniform(-a, a) with a = sqrt(6 / (fan_in + fan_out))
    a = np.sqrt(6.0 / (NUM_FEATS + NUM_CLASSES))
    weight = jax.random.uniform(k3, (NUM_FEATS, NUM_CLASSES), dtype=jnp.float32, minval=-a, maxval=a)
    return {"x": x, "edge_index": edge_index, "weight": weight}


def reference(x, edge_index, weight):
    # simpleGCN forward, eval mode (dropout is identity), type_norm='None' -> batch_norm is identity,
    # with_ACM=False -> no RiemannAgg.
    row = edge_index[0]
    col = edge_index[1]
    n = x.shape[0]
    edge_weight = jnp.ones((edge_index.shape[1],), dtype=x.dtype)
    # deg = scatter_add(edge_weight, row, dim_size=N)
    deg = jnp.zeros((n,), dtype=x.dtype).at[row].add(edge_weight)
    deg_inv_sqrt = deg ** (-0.5)
    deg_inv_sqrt = jnp.where(jnp.isinf(deg_inv_sqrt), 0.0, deg_inv_sqrt)
    norm = (deg_inv_sqrt[row] * edge_weight * deg_inv_sqrt[col]).reshape(-1, 1)
    # x = dropout(x) -> identity in eval; x = x @ W
    h = x @ weight
    for _ in range(NUM_LAYERS):
        x_j = jnp.take(h, row, axis=0)  # gather source-node features
        msg = norm * x_j
        h = jnp.zeros((n, h.shape[1]), dtype=h.dtype).at[col].add(msg)  # scatter-add to dst
        # layers_bn[i] with type_norm='None' is identity
    return h

if __name__ == "__main__":
    import jax
    _d = setup_inputs()
    print(jax.jit(kernel)(*tuple(_d.values())))

</pallas_src>

<mosaic_0001>
#map = affine_map<(d0, d1) -> (0, 0)>
module attributes {stable_mosaic.version = 14 : i64} {
  func.func @k(%arg0: i32, %arg1: i32, %arg2: memref<100096x16xf32, #tpu.memory_space<hbm>>, %arg3: memref<6272x512xi32, #tpu.memory_space<hbm>>, %arg4: memref<6272x512xi32, #tpu.memory_space<hbm>>, %arg5: memref<100096x16xf32, #tpu.memory_space<hbm>>, %arg6: memref<100096x16xf32, #tpu.memory_space<hbm>>, %arg7: memref<100096x16xf32, #tpu.memory_space<hbm>>, %arg8: memref<2x512xi32, #tpu.memory_space<vmem>>, %arg9: memref<2x512xi32, #tpu.memory_space<vmem>>, %arg10: memref<2x512x8xf32, #tpu.memory_space<vmem>>, %arg11: memref<100096x8xf32, #tpu.memory_space<vmem_shared>>, %arg12: memref<100096x8xf32, #tpu.memory_space<vmem_shared>>, %arg13: memref<!tpu.dma_semaphore, #tpu.memory_space<semaphore_mem>>, %arg14: memref<!tpu.dma_semaphore, #tpu.memory_space<semaphore_mem>>, %arg15: memref<!tpu.dma_semaphore, #tpu.memory_space<semaphore_mem>>, %arg16: memref<!tpu.dma_semaphore, #tpu.memory_space<semaphore_mem>>) attributes {dimension_semantics = [#tpu.dimension_semantics<core_parallel>, #tpu.dimension_semantics<subcore_parallel>], iteration_bounds = array<i64: 2, 16>, scalar_prefetch = 0 : i64, scratch_operands = 9 : i64, tpu.core_type = #tpu.core_type<sc_vector_subcore>, window_params = [{transform_indices = #map}, {transform_indices = #map}, {transform_indices = #map}, {transform_indices = #map}, {transform_indices = #map}, {transform_indices = #map}]} {
    %mul3A = arith.constant 6256 : i32
    %mul3A_0 = arith.muli %arg1, %mul3A : i32
    %mul3A_1 = arith.constant 8 : i32
    %mul3A_2 = arith.muli %arg0, %mul3A_1 : i32
    "tpu.region"() ({
      %run_scoped3A_61 = tpu.sem_alloc : memref<!tpu.dma_semaphore, #tpu.memory_space<semaphore_mem>>
      %dma_start3A_62 = arith.constant 0 : i32
      %dma_start3A_63 = tpu.memref_slice %arg11[%mul3A_0, %dma_start3A_62] : memref<100096x8xf32, #tpu.memory_space<vmem_shared>> -> memref<6256x8xf32, #tpu.memory_space<vmem_shared>>
      %dma_start3A_64 = tpu.memref_slice %arg2[%mul3A_0, %mul3A_2] : memref<100096x16xf32, #tpu.memory_space<hbm>> -> memref<6256x8xf32, #tpu.memory_space<hbm>>
      tpu.enqueue_dma source(%dma_start3A_64 : memref<6256x8xf32, #tpu.memory_space<hbm>>) target(%dma_start3A_63 : memref<6256x8xf32, #tpu.memory_space<vmem_shared>>) target_semaphore(%run_scoped3A_61 : memref<!tpu.dma_semaphore, #tpu.memory_space<semaphore_mem>>)
      %dma_wait3A_65 = arith.constant 0 : i32
      %dma_wait3A_66 = tpu.memref_slice %arg11[%mul3A_0, %dma_wait3A_65] : memref<100096x8xf32, #tpu.memory_space<vmem_shared>> -> memref<6256x8xf32, #tpu.memory_space<vmem_shared>>
      %dma_wait3A_67 = tpu.memref_slice %arg2[%mul3A_0, %mul3A_2] : memref<100096x16xf32, #tpu.memory_space<hbm>> -> memref<6256x8xf32, #tpu.memory_space<hbm>>
      tpu.wait_dma2 semaphore(%run_scoped3A_61 : memref<!tpu.dma_semaphore, #tpu.memory_space<semaphore_mem>>) src(%dma_wait3A_67 : memref<6256x8xf32, #tpu.memory_space<hbm>>) dst(%dma_wait3A_66 : memref<6256x8xf32, #tpu.memory_space<vmem_shared>>)
      tpu.yield
    }) : () -> ()
    "tpu.region"() ({
      %run_scoped3A_61 = tpu.sem_alloc : memref<!tpu.dma_semaphore, #tpu.memory_space<semaphore_mem>>
      %dma_start3A_62 = arith.constant 0 : i32
      %dma_start3A_63 = tpu.memref_slice %arg12[%mul3A_0, %dma_start3A_62] : memref<100096x8xf32, #tpu.memory_space<vmem_shared>> -> memref<6256x8xf32, #tpu.memory_space<vmem_shared>>
      %dma_start3A_64 = arith.constant 0 : i32
      %dma_start3A_65 = tpu.memref_slice %arg5[%mul3A_0, %dma_start3A_64] : memref<100096x16xf32, #tpu.memory_space<hbm>> -> memref<6256x8xf32, #tpu.memory_space<hbm>>
      tpu.enqueue_dma source(%dma_start3A_65 : memref<6256x8xf32, #tpu.memory_space<hbm>>) target(%dma_start3A_63 : memref<6256x8xf32, #tpu.memory_space<vmem_shared>>) target_semaphore(%run_scoped3A_61 : memref<!tpu.dma_semaphore, #tpu.memory_space<semaphore_mem>>)
      %dma_wait3A_66 = arith.constant 0 : i32
      %dma_wait3A_67 = tpu.memref_slice %arg12[%mul3A_0, %dma_wait3A_66] : memref<100096x8xf32, #tpu.memory_space<vmem_shared>> -> memref<6256x8xf32, #tpu.memory_space<vmem_shared>>
      %dma_wait3A_68 = arith.constant 0 : i32
      %dma_wait3A_69 = tpu.memref_slice %arg5[%mul3A_0, %dma_wait3A_68] : memref<100096x16xf32, #tpu.memory_space<hbm>> -> memref<6256x8xf32, #tpu.memory_space<hbm>>
      tpu.wait_dma2 semaphore(%run_scoped3A_61 : memref<!tpu.dma_semaphore, #tpu.memory_space<semaphore_mem>>) src(%dma_wait3A_69 : memref<6256x8xf32, #tpu.memory_space<hbm>>) dst(%dma_wait3A_67 : memref<6256x8xf32, #tpu.memory_space<vmem_shared>>)
      tpu.yield
    }) : () -> ()
    %barrier3A = arith.constant 0 : index
    tpu.barrier barrier_id(%barrier3A)
    %mul3A_3 = arith.constant 392 : i32
    %mul3A_4 = arith.muli %arg1, %mul3A_3 : i32
    %run_scoped3A = arith.constant 0 : i32
    "tpu.region"() ({
      %run_scoped3A_61 = tpu.sem_alloc : memref<!tpu.dma_semaphore, #tpu.memory_space<semaphore_mem>>
      %dma_start3A_62 = arith.constant 0 : i32
      %dma_start3A_63 = tpu.memref_slice %arg8[%run_scoped3A, %dma_start3A_62] : memref<2x512xi32, #tpu.memory_space<vmem>> -> memref<1x512xi32, #tpu.memory_space<vmem>>
      %dma_start3A_64 = tpu.memref_squeeze %dma_start3A_63 : memref<1x512xi32, #tpu.memory_space<vmem>> -> memref<512xi32, #tpu.memory_space<vmem>>
      %dma_start3A_65 = arith.constant 0 : i32
      %dma_start3A_66 = tpu.memref_slice %arg3[%mul3A_4, %dma_start3A_65] : memref<6272x512xi32, #tpu.memory_space<hbm>> -> memref<1x512xi32, #tpu.memory_space<hbm>>
      %dma_start3A_67 = tpu.memref_squeeze %dma_start3A_66 : memref<1x512xi32, #tpu.memory_space<hbm>> -> memref<512xi32, #tpu.memory_space<hbm>>
      %dma_start3A_68 = arith.constant 0 : i32
      %dma_start3A_69 = tpu.memref_slice %arg8[%run_scoped3A, %dma_start3A_68] : memref<2x512xi32, #tpu.memory_space<vmem>> -> memref<1x512xi32, #tpu.memory_space<vmem>>
      %dma_start3A_70 = tpu.memref_squeeze %dma_start3A_69 : memref<1x512xi32, #tpu.memory_space<vmem>> -> memref<512xi32, #tpu.memory_space<vmem>>
      %dma_start3A_71 = arith.constant 0 : i32
      %dma_start3A_72 = tpu.memref_slice %arg3[%mul3A_4, %dma_start3A_71] : memref<6272x512xi32, #tpu.memory_space<hbm>> -> memref<1x512xi32, #tpu.memory_space<hbm>>
      %dma_start3A_73 = tpu.memref_squeeze %dma_start3A_72 : memref<1x512xi32, #tpu.memory_space<hbm>> -> memref<512xi32, #tpu.memory_space<hbm>>
      tpu.enqueue_dma source(%dma_start3A_73 : memref<512xi32, #tpu.memory_space<hbm>>) target(%dma_start3A_70 : memref<512xi32, #tpu.memory_space<vmem>>) target_semaphore(%run_scoped3A_61 : memref<!tpu.dma_semaphore, #tpu.memory_space<semaphore_mem>>)
      %dma_wait3A_74 = arith.constant 0 : i32
      %dma_wait3A_75 = tpu.memref_slice %arg8[%run_scoped3A, %dma_wait3A_74] : memref<2x512xi32, #tpu.memory_space<vmem>> -> memref<1x512xi32, #tpu.memory_space<vmem>>
      %dma_wait3A_76 = tpu.memref_squeeze %dma_wait3A_75 : memref<1x512xi32, #tpu.memory_space<vmem>> -> memref<512xi32, #tpu.memory_space<vmem>>
      %dma_wait3A_77 = arith.constant 0 : i32
      %dma_wait3A_78 = tpu.memref_slice %arg3[%mul3A_4, %dma_wait3A_77] : memref<6272x512xi32, #tpu.memory_space<hbm>> -> memref<1x512xi32, #tpu.memory_space<hbm>>
      %dma_wait3A_79 = tpu.memref_squeeze %dma_wait3A_78 : memref<1x512xi32, #tpu.memory_space<hbm>> -> memref<512xi32, #tpu.memory_space<hbm>>
      %dma_wait3A_80 = arith.constant 0 : i32
      %dma_wait3A_81 = tpu.memref_slice %arg8[%run_scoped3A, %dma_wait3A_80] : memref<2x512xi32, #tpu.memory_space<vmem>> -> memref<1x512xi32, #tpu.memory_space<vmem>>
      %dma_wait3A_82 = tpu.memref_squeeze %dma_wait3A_81 : memref<1x512xi32, #tpu.memory_space<vmem>> -> memref<512xi32, #tpu.memory_space<vmem>>
      %dma_wait3A_83 = arith.constant 0 : i32
      %dma_wait3A_84 = tpu.memref_slice %arg3[%mul3A_4, %dma_wait3A_83] : memref<6272x512xi32, #tpu.memory_space<hbm>> -> memref<1x512xi32, #tpu.memory_space<hbm>>
      %dma_wait3A_85 = tpu.memref_squeeze %dma_wait3A_84 : memref<1x512xi32, #tpu.memory_space<hbm>> -> memref<512xi32, #tpu.memory_space<hbm>>
      tpu.wait_dma2 semaphore(%run_scoped3A_61 : memref<!tpu.dma_semaphore, #tpu.memory_space<semaphore_mem>>) src(%dma_wait3A_85 : memref<512xi32, #tpu.memory_space<hbm>>) dst(%dma_wait3A_82 : memref<512xi32, #tpu.memory_space<vmem>>)
      tpu.yield
    }) : () -> ()
    %mul3A_5 = arith.constant 392 : i32
    %mul3A_6 = arith.muli %arg1, %mul3A_5 : i32
    %run_scoped3A_7 = arith.constant 0 : i32
    "tpu.region"() ({
      %run_scoped3A_61 = tpu.sem_alloc : memref<!tpu.dma_semaphore, #tpu.memory_space<semaphore_mem>>
      %dma_start3A_62 = arith.constant 0 : i32
      %dma_start3A_63 = tpu.memref_slice %arg9[%run_scoped3A_7, %dma_start3A_62] : memref<2x512xi32, #tpu.memory_space<vmem>> -> memref<1x512xi32, #tpu.memory_space<vmem>>
      %dma_start3A_64 = tpu.memref_squeeze %dma_start3A_63 : memref<1x512xi32, #tpu.memory_space<vmem>> -> memref<512xi32, #tpu.memory_space<vmem>>
      %dma_start3A_65 = arith.constant 0 : i32
      %dma_start3A_66 = tpu.memref_slice %arg4[%mul3A_6, %dma_start3A_65] : memref<6272x512xi32, #tpu.memory_space<hbm>> -> memref<1x512xi32, #tpu.memory_space<hbm>>
      %dma_start3A_67 = tpu.memref_squeeze %dma_start3A_66 : memref<1x512xi32, #tpu.memory_space<hbm>> -> memref<512xi32, #tpu.memory_space<hbm>>
      %dma_start3A_68 = arith.constant 0 : i32
      %dma_start3A_69 = tpu.memref_slice %arg9[%run_scoped3A_7, %dma_start3A_68] : memref<2x512xi32, #tpu.memory_space<vmem>> -> memref<1x512xi32, #tpu.memory_space<vmem>>
      %dma_start3A_70 = tpu.memref_squeeze %dma_start3A_69 : memref<1x512xi32, #tpu.memory_space<vmem>> -> memref<512xi32, #tpu.memory_space<vmem>>
      %dma_start3A_71 = arith.constant 0 : i32
      %dma_start3A_72 = tpu.memref_slice %arg4[%mul3A_6, %dma_start3A_71] : memref<6272x512xi32, #tpu.memory_space<hbm>> -> memref<1x512xi32, #tpu.memory_space<hbm>>
      %dma_start3A_73 = tpu.memref_squeeze %dma_start3A_72 : memref<1x512xi32, #tpu.memory_space<hbm>> -> memref<512xi32, #tpu.memory_space<hbm>>
      tpu.enqueue_dma source(%dma_start3A_73 : memref<512xi32, #tpu.memory_space<hbm>>) target(%dma_start3A_70 : memref<512xi32, #tpu.memory_space<vmem>>) target_semaphore(%run_scoped3A_61 : memref<!tpu.dma_semaphore, #tpu.memory_space<semaphore_mem>>)
      %dma_wait3A_74 = arith.constant 0 : i32
      %dma_wait3A_75 = tpu.memref_slice %arg9[%run_scoped3A_7, %dma_wait3A_74] : memref<2x512xi32, #tpu.memory_space<vmem>> -> memref<1x512xi32, #tpu.memory_space<vmem>>
      %dma_wait3A_76 = tpu.memref_squeeze %dma_wait3A_75 : memref<1x512xi32, #tpu.memory_space<vmem>> -> memref<512xi32, #tpu.memory_space<vmem>>
      %dma_wait3A_77 = arith.constant 0 : i32
      %dma_wait3A_78 = tpu.memref_slice %arg4[%mul3A_6, %dma_wait3A_77] : memref<6272x512xi32, #tpu.memory_space<hbm>> -> memref<1x512xi32, #tpu.memory_space<hbm>>
      %dma_wait3A_79 = tpu.memref_squeeze %dma_wait3A_78 : memref<1x512xi32, #tpu.memory_space<hbm>> -> memref<512xi32, #tpu.memory_space<hbm>>
      %dma_wait3A_80 = arith.constant 0 : i32
      %dma_wait3A_81 = tpu.memref_slice %arg9[%run_scoped3A_7, %dma_wait3A_80] : memref<2x512xi32, #tpu.memory_space<vmem>> -> memref<1x512xi32, #tpu.memory_space<vmem>>
      %dma_wait3A_82 = tpu.memref_squeeze %dma_wait3A_81 : memref<1x512xi32, #tpu.memory_space<vmem>> -> memref<512xi32, #tpu.memory_space<vmem>>
      %dma_wait3A_83 = arith.constant 0 : i32
      %dma_wait3A_84 = tpu.memref_slice %arg4[%mul3A_6, %dma_wait3A_83] : memref<6272x512xi32, #tpu.memory_space<hbm>> -> memref<1x512xi32, #tpu.memory_space<hbm>>
      %dma_wait3A_85 = tpu.memref_squeeze %dma_wait3A_84 : memref<1x512xi32, #tpu.memory_space<hbm>> -> memref<512xi32, #tpu.memory_space<hbm>>
      tpu.wait_dma2 semaphore(%run_scoped3A_61 : memref<!tpu.dma_semaphore, #tpu.memory_space<semaphore_mem>>) src(%dma_wait3A_85 : memref<512xi32, #tpu.memory_space<hbm>>) dst(%dma_wait3A_82 : memref<512xi32, #tpu.memory_space<vmem>>)
      tpu.yield
    }) : () -> ()
    %dma_start3A = arith.constant 0 : i32
    %dma_start3A_8 = arith.constant 0 : i32
    %dma_start3A_9 = arith.constant 0 : i32
    %dma_start3A_10 = arith.constant 0 : i32
    %dma_start3A_11 = tpu.memref_slice %arg10[%dma_start3A_8, %dma_start3A_9, %dma_start3A_10] : memref<2x512x8xf32, #tpu.memory_space<vmem>> -> memref<1x512x8xf32, #tpu.memory_space<vmem>>
    %dma_start3A_12 = tpu.memref_squeeze %dma_start3A_11 : memref<1x512x8xf32, #tpu.memory_space<vmem>> -> memref<512x8xf32, #tpu.memory_space<vmem>>
    %dma_start3A_13 = arith.constant 0 : i32
    %dma_start3A_14 = tpu.memref_slice %arg8[%dma_start3A, %dma_start3A_13] : memref<2x512xi32, #tpu.memory_space<vmem>> -> memref<1x512xi32, #tpu.memory_space<vmem>>
    %dma_start3A_15 = tpu.memref_squeeze %dma_start3A_14 : memref<1x512xi32, #tpu.memory_space<vmem>> -> memref<512xi32, #tpu.memory_space<vmem>>
    %dma_start3A_16 = arith.constant 0 : i32
    %dma_start3A_17 = arith.constant 0 : i32
    %dma_start3A_18 = tpu.memref_slice %arg11[%dma_start3A_16, %dma_start3A_17] : memref<100096x8xf32, #tpu.memory_space<vmem_shared>> -> memref<100096x8xf32, #tpu.memory_space<vmem_shared>>
    tpu.enqueue_indirect_dma source(%dma_start3A_18 : memref<100096x8xf32, #tpu.memory_space<vmem_shared>>) target(%dma_start3A_12 : memref<512x8xf32, #tpu.memory_space<vmem>>) offsets(%dma_start3A_15 : memref<512xi32, #tpu.memory_space<vmem>>) semaphore(%arg15 : memref<!tpu.dma_semaphore, #tpu.memory_space<semaphore_mem>>)
    %mul3A_19 = arith.constant 392 : i32
    %mul3A_20 = arith.muli %arg1, %mul3A_19 : i32
    %add3A = arith.constant 1 : i32
    %add3A_21 = arith.addi %mul3A_20, %add3A : i32
    %dma_start3A_22 = arith.constant 1 : i32
    %dma_start3A_23 = arith.constant 0 : i32
    %dma_start3A_24 = tpu.memref_slice %arg8[%dma_start3A_22, %dma_start3A_23] : memref<2x512xi32, #tpu.memory_space<vmem>> -> memref<1x512xi32, #tpu.memory_space<vmem>>
    %dma_start3A_25 = tpu.memref_squeeze %dma_start3A_24 : memref<1x512xi32, #tpu.memory_space<vmem>> -> memref<512xi32, #tpu.memory_space<vmem>>
    %dma_start3A_26 = arith.constant 0 : i32
    %dma_start3A_27 = tpu.memref_slice %arg3[%add3A_21, %dma_start3A_26] : memref<6272x512xi32, #tpu.memory_space<hbm>> -> memref<1x512xi32, #tpu.memory_space<hbm>>
    %dma_start3A_28 = tpu.memref_squeeze %dma_start3A_27 : memref<1x512xi32, #tpu.memory_space<hbm>> -> memref<512xi32, #tpu.memory_space<hbm>>
    %dma_start3A_29 = arith.constant 0 : i32
    %dma_start3A_30 = tpu.memref_slice %arg8[%dma_start3A_22, %dma_start3A_29] : memref<2x512xi32, #tpu.memory_space<vmem>> -> memref<1x512xi32, #tpu.memory_space<vmem>>
    %dma_start3A_31 = tpu.memref_squeeze %dma_start3A_30 : memref<1x512xi32, #tpu.memory_space<vmem>> -> memref<512xi32, #tpu.memory_space<vmem>>
    %dma_start3A_32 = arith.constant 0 : i32
    %dma_start3A_33 = tpu.memref_slice %arg3[%add3A_21, %dma_start3A_32] : memref<6272x512xi32, #tpu.memory_space<hbm>> -> memref<1x512xi32, #tpu.memory_space<hbm>>
    %dma_start3A_34 = tpu.memref_squeeze %dma_start3A_33 : memref<1x512xi32, #tpu.memory_space<hbm>> -> memref<512xi32, #tpu.memory_space<hbm>>
    tpu.enqueue_dma source(%dma_start3A_34 : memref<512xi32, #tpu.memory_space<hbm>>) target(%dma_start3A_31 : memref<512xi32, #tpu.memory_space<vmem>>) target_semaphore(%arg13 : memref<!tpu.dma_semaphore, #tpu.memory_space<semaphore_mem>>)
    %scan3A = arith.constant 0 : i32
    %scan3A_35 = arith.constant 196 : i32
    %scan3A_36 = arith.addi %scan3A, %scan3A_35 : i32
    %scan3A_37 = arith.constant 1 : i32
    scf.for %scan3A_61 = %scan3A to %scan3A_36 step %scan3A_37  : i32 {
      %mul3A_62 = arith.constant 1 : i32
      %mul3A_63 = arith.muli %scan3A_61, %mul3A_62 : i32
      %add3A_64 = arith.constant 0 : i32
      %add3A_65 = arith.addi %add3A_64, %mul3A_63 : i32
      %mul3A_66 = arith.constant 2 : i32
      %mul3A_67 = arith.muli %mul3A_66, %add3A_65 : i32
      %dma_wait3A_68 = arith.constant 0 : i32
      %dma_wait3A_69 = arith.constant 0 : i32
      %dma_wait3A_70 = arith.constant 0 : i32
      %dma_wait3A_71 = tpu.memref_slice %arg10[%dma_wait3A_68, %dma_wait3A_69, %dma_wait3A_70] : memref<2x512x8xf32, #tpu.memory_space<vmem>> -> memref<1x512x8xf32, #tpu.memory_space<vmem>>
      %dma_wait3A_72 = tpu.memref_squeeze %dma_wait3A_71 : memref<1x512x8xf32, #tpu.memory_space<vmem>> -> memref<512x8xf32, #tpu.memory_space<vmem>>
      %dma_wait3A_73 = arith.constant 0 : i32
      %dma_wait3A_74 = arith.constant 0 : i32
      %dma_wait3A_75 = tpu.memref_slice %arg5[%dma_wait3A_73, %dma_wait3A_74] : memref<100096x16xf32, #tpu.memory_space<hbm>> -> memref<512x8xf32, #tpu.memory_space<hbm>>
      %dma_wait3A_76 = arith.constant 0 : i32
      %dma_wait3A_77 = arith.constant 0 : i32
      %dma_wait3A_78 = tpu.memref_slice %arg10[%dma_wait3A_68, %dma_wait3A_76, %dma_wait3A_77] : memref<2x512x8xf32, #tpu.memory_space<vmem>> -> memref<1x512x8xf32, #tpu.memory_space<vmem>>
      %dma_wait3A_79 = tpu.memref_squeeze %dma_wait3A_78 : memref<1x512x8xf32, #tpu.memory_space<vmem>> -> memref<512x8xf32, #tpu.memory_space<vmem>>
      %dma_wait3A_80 = arith.constant 0 : i32
      %dma_wait3A_81 = arith.constant 0 : i32
      %dma_wait3A_82 = tpu.memref_slice %arg5[%dma_wait3A_80, %dma_wait3A_81] : memref<100096x16xf32, #tpu.memory_space<hbm>> -> memref<512x8xf32, #tpu.memory_space<hbm>>
      tpu.wait_dma2 semaphore(%arg15 : memref<!tpu.dma_semaphore, #tpu.memory_space<semaphore_mem>>) src(%dma_wait3A_82 : memref<512x8xf32, #tpu.memory_space<hbm>>) dst(%dma_wait3A_79 : memref<512x8xf32, #tpu.memory_space<vmem>>)
      %add3A_83 = arith.constant 2 : i32
      %add3A_84 = arith.addi %mul3A_67, %add3A_83 : i32
      %lt3A = arith.constant 392 : i32
      %lt3A_85 = arith.cmpi slt, %add3A_84, %lt3A : i32
      %convert_element_type3A_86 = arith.extui %lt3A_85 : i1 to i32
      %cond3A_87 = arith.constant 0 : i32
      %cond3A_88 = arith.cmpi ne, %convert_element_type3A_86, %cond3A_87 : i32
      scf.if %cond3A_88 {
        %mul3A_172 = arith.constant 392 : i32
        %mul3A_173 = arith.muli %arg1, %mul3A_172 : i32
        %add3A_174 = arith.addi %mul3A_173, %mul3A_67 : i32
        %add3A_175 = arith.constant 2 : i32
        %add3A_176 = arith.addi %add3A_174, %add3A_175 : i32
        %dma_start3A_177 = arith.constant 0 : i32
        %dma_start3A_178 = arith.constant 0 : i32
        %dma_start3A_179 = tpu.memref_slice %arg8[%dma_start3A_177, %dma_start3A_178] : memref<2x512xi32, #tpu.memory_space<vmem>> -> memref<1x512xi32, #tpu.memory_space<vmem>>
        %dma_start3A_180 = tpu.memref_squeeze %dma_start3A_179 : memref<1x512xi32, #tpu.memory_space<vmem>> -> memref<512xi32, #tpu.memory_space<vmem>>
        %dma_start3A_181 = arith.constant 0 : i32
        %dma_start3A_182 = tpu.memref_slice %arg3[%add3A_176, %dma_start3A_181] : memref<6272x512xi32, #tpu.memory_space<hbm>> -> memref<1x512xi32, #tpu.memory_space<hbm>>
        %dma_start3A_183 = tpu.memref_squeeze %dma_start3A_182 : memref<1x512xi32, #tpu.memory_space<hbm>> -> memref<512xi32, #tpu.memory_space<hbm>>
        %dma_start3A_184 = arith.constant 0 : i32
        %dma_start3A_185 = tpu.memref_slice %arg8[%dma_start3A_177, %dma_start3A_184] : memref<2x512xi32, #tpu.memory_space<vmem>> -> memref<1x512xi32, #tpu.memory_space<vmem>>
        %dma_start3A_186 = tpu.memref_squeeze %dma_start3A_185 : memref<1x512xi32, #tpu.memory_space<vmem>> -> memref<512xi32, #tpu.memory_space<vmem>>
        %dma_start3A_187 = arith.constant 0 : i32
        %dma_start3A_188 = tpu.memref_slice %arg3[%add3A_176, %dma_start3A_187] : memref<6272x512xi32, #tpu.memory_space<hbm>> -> memref<1x512xi32, #tpu.memory_space<hbm>>
        %dma_start3A_189 = tpu.memref_squeeze %dma_start3A_188 : memref<1x512xi32, #tpu.memory_space<hbm>> -> memref<512xi32, #tpu.memory_space<hbm>>
        tpu.enqueue_dma source(%dma_start3A_189 : memref<512xi32, #tpu.memory_space<hbm>>) target(%dma_start3A_186 : memref<512xi32, #tpu.memory_space<vmem>>) target_semaphore(%arg13 : memref<!tpu.dma_semaphore, #tpu.memory_space<semaphore_mem>>)
      } else {
      }
      %ge3A = arith.constant 1 : i32
      %ge3A_89 = arith.cmpi sge, %mul3A_67, %ge3A : i32
      %convert_element_type3A_90 = arith.extui %ge3A_89 : i1 to i32
      %cond3A_91 = arith.constant 0 : i32
      %cond3A_92 = arith.cmpi ne, %convert_element_type3A_90, %cond3A_91 : i32
      scf.if %cond3A_92 {
        %dma_wait3A_172 = arith.constant 0 : i32
        %dma_wait3A_173 = arith.constant 0 : i32
        %dma_wait3A_174 = arith.constant 0 : i32
        %dma_wait3A_175 = tpu.memref_slice %arg10[%dma_wait3A_172, %dma_wait3A_173, %dma_wait3A_174] : memref<2x512x8xf32, #tpu.memory_space<vmem>> -> memref<1x512x8xf32, #tpu.memory_space<vmem>>
        %dma_wait3A_176 = tpu.memref_squeeze %dma_wait3A_175 : memref<1x512x8xf32, #tpu.memory_space<vmem>> -> memref<512x8xf32, #tpu.memory_space<vmem>>
        %dma_wait3A_177 = arith.constant 0 : i32
        %dma_wait3A_178 = arith.constant 0 : i32
        %dma_wait3A_179 = tpu.memref_slice %arg5[%dma_wait3A_177, %dma_wait3A_178] : memref<100096x16xf32, #tpu.memory_space<hbm>> -> memref<512x8xf32, #tpu.memory_space<hbm>>
        %dma_wait3A_180 = arith.constant 0 : i32
        %dma_wait3A_181 = arith.constant 0 : i32
        %dma_wait3A_182 = tpu.memref_slice %arg10[%dma_wait3A_172, %dma_wait3A_180, %dma_wait3A_181] : memref<2x512x8xf32, #tpu.memory_space<vmem>> -> memref<1x512x8xf32, #tpu.memory_space<vmem>>
        %dma_wait3A_183 = tpu.memref_squeeze %dma_wait3A_182 : memref<1x512x8xf32, #tpu.memory_space<vmem>> -> memref<512x8xf32, #tpu.memory_space<vmem>>
        %dma_wait3A_184 = arith.constant 0 : i32
        %dma_wait3A_185 = arith.constant 0 : i32
        %dma_wait3A_186 = tpu.memref_slice %arg5[%dma_wait3A_184, %dma_wait3A_185] : memref<100096x16xf32, #tpu.memory_space<hbm>> -> memref<512x8xf32, #tpu.memory_space<hbm>>
        tpu.wait_dma2 semaphore(%arg16 : memref<!tpu.dma_semaphore, #tpu.memory_space<semaphore_mem>>) src(%dma_wait3A_186 : memref<512x8xf32, #tpu.memory_space<hbm>>) dst(%dma_wait3A_183 : memref<512x8xf32, #tpu.memory_space<vmem>>)
      } else {
      }
      %add3A_93 = arith.constant 1 : i32
      %add3A_94 = arith.addi %mul3A_67, %add3A_93 : i32
      %lt3A_95 = arith.constant 392 : i32
      %lt3A_96 = arith.cmpi slt, %add3A_94, %lt3A_95 : i32
      %convert_element_type3A_97 = arith.extui %lt3A_96 : i1 to i32
      %cond3A_98 = arith.constant 0 : i32
      %cond3A_99 = arith.cmpi ne, %convert_element_type3A_97, %cond3A_98 : i32
      scf.if %cond3A_99 {
        %mul3A_172 = arith.constant 392 : i32
        %mul3A_173 = arith.muli %arg1, %mul3A_172 : i32
        %add3A_174 = arith.addi %mul3A_173, %mul3A_67 : i32
        %add3A_175 = arith.constant 1 : i32
        %add3A_176 = arith.addi %add3A_174, %add3A_175 : i32
        %dma_start3A_177 = arith.constant 1 : i32
        %dma_start3A_178 = arith.constant 0 : i32
        %dma_start3A_179 = tpu.memref_slice %arg9[%dma_start3A_177, %dma_start3A_178] : memref<2x512xi32, #tpu.memory_space<vmem>> -> memref<1x512xi32, #tpu.memory_space<vmem>>
        %dma_start3A_180 = tpu.memref_squeeze %dma_start3A_179 : memref<1x512xi32, #tpu.memory_space<vmem>> -> memref<512xi32, #tpu.memory_space<vmem>>
        %dma_start3A_181 = arith.constant 0 : i32
        %dma_start3A_182 = tpu.memref_slice %arg4[%add3A_176, %dma_start3A_181] : memref<6272x512xi32, #tpu.memory_space<hbm>> -> memref<1x512xi32, #tpu.memory_space<hbm>>
        %dma_start3A_183 = tpu.memref_squeeze %dma_start3A_182 : memref<1x512xi32, #tpu.memory_space<hbm>> -> memref<512xi32, #tpu.memory_space<hbm>>
        %dma_start3A_184 = arith.constant 0 : i32
        %dma_start3A_185 = tpu.memref_slice %arg9[%dma_start3A_177, %dma_start3A_184] : memref<2x512xi32, #tpu.memory_space<vmem>> -> memref<1x512xi32, #tpu.memory_space<vmem>>
        %dma_start3A_186 = tpu.memref_squeeze %dma_start3A_185 : memref<1x512xi32, #tpu.memory_space<vmem>> -> memref<512xi32, #tpu.memory_space<vmem>>
        %dma_start3A_187 = arith.constant 0 : i32
        %dma_start3A_188 = tpu.memref_slice %arg4[%add3A_176, %dma_start3A_187] : memref<6272x512xi32, #tpu.memory_space<hbm>> -> memref<1x512xi32, #tpu.memory_space<hbm>>
        %dma_start3A_189 = tpu.memref_squeeze %dma_start3A_188 : memref<1x512xi32, #tpu.memory_space<hbm>> -> memref<512xi32, #tpu.memory_space<hbm>>
        tpu.enqueue_dma source(%dma_start3A_189 : memref<512xi32, #tpu.memory_space<hbm>>) target(%dma_start3A_186 : memref<512xi32, #tpu.memory_space<vmem>>) target_semaphore(%arg14 : memref<!tpu.dma_semaphore, #tpu.memory_space<semaphore_mem>>)
        %dma_wait3A_190 = arith.constant 0 : i32
        %dma_wait3A_191 = arith.constant 0 : i32
        %dma_wait3A_192 = arith.constant 0 : i32
        %dma_wait3A_193 = tpu.memref_slice %arg8[%dma_wait3A_191, %dma_wait3A_192] : memref<2x512xi32, #tpu.memory_space<vmem>> -> memref<1x512xi32, #tpu.memory_space<vmem>>
        %dma_wait3A_194 = tpu.memref_squeeze %dma_wait3A_193 : memref<1x512xi32, #tpu.memory_space<vmem>> -> memref<512xi32, #tpu.memory_space<vmem>>
        %dma_wait3A_195 = arith.constant 0 : i32
        %dma_wait3A_196 = tpu.memref_slice %arg3[%dma_wait3A_190, %dma_wait3A_195] : memref<6272x512xi32, #tpu.memory_space<hbm>> -> memref<1x512xi32, #tpu.memory_space<hbm>>
        %dma_wait3A_197 = tpu.memref_squeeze %dma_wait3A_196 : memref<1x512xi32, #tpu.memory_space<hbm>> -> memref<512xi32, #tpu.memory_space<hbm>>
        %dma_wait3A_198 = arith.constant 0 : i32
        %dma_wait3A_199 = tpu.memref_slice %arg8[%dma_wait3A_191, %dma_wait3A_198] : memref<2x512xi32, #tpu.memory_space<vmem>> -> memref<1x512xi32, #tpu.memory_space<vmem>>
        %dma_wait3A_200 = tpu.memref_squeeze %dma_wait3A_199 : memref<1x512xi32, #tpu.memory_space<vmem>> -> memref<512xi32, #tpu.memory_space<vmem>>
        %dma_wait3A_201 = arith.constant 0 : i32
        %dma_wait3A_202 = tpu.memref_slice %arg3[%dma_wait3A_190, %dma_wait3A_201] : memref<6272x512xi32, #tpu.memory_space<hbm>> -> memref<1x512xi32, #tpu.memory_space<hbm>>
        %dma_wait3A_203 = tpu.memref_squeeze %dma_wait3A_202 : memref<1x512xi32, #tpu.memory_space<hbm>> -> memref<512xi32, #tpu.memory_space<hbm>>
        tpu.wait_dma2 semaphore(%arg13 : memref<!tpu.dma_semaphore, #tpu.memory_space<semaphore_mem>>) src(%dma_wait3A_203 : memref<512xi32, #tpu.memory_space<hbm>>) dst(%dma_wait3A_200 : memref<512xi32, #tpu.memory_space<vmem>>)
        %dma_start3A_204 = arith.constant 1 : i32
        %dma_start3A_205 = arith.constant 1 : i32
        %dma_start3A_206 = arith.constant 0 : i32
        %dma_start3A_207 = arith.constant 0 : i32
        %dma_start3A_208 = tpu.memref_slice %arg10[%dma_start3A_205, %dma_start3A_206, %dma_start3A_207] : memref<2x512x8xf32, #tpu.memory_space<vmem>> -> memref<1x512x8xf32, #tpu.memory_space<vmem>>
        %dma_start3A_209 = tpu.memref_squeeze %dma_start3A_208 : memref<1x512x8xf32, #tpu.memory_space<vmem>> -> memref<512x8xf32, #tpu.memory_space<vmem>>
        %dma_start3A_210 = arith.constant 0 : i32
        %dma_start3A_211 = tpu.memref_slice %arg8[%dma_start3A_204, %dma_start3A_210] : memref<2x512xi32, #tpu.memory_space<vmem>> -> memref<1x512xi32, #tpu.memory_space<vmem>>
        %dma_start3A_212 = tpu.memref_squeeze %dma_start3A_211 : memref<1x512xi32, #tpu.memory_space<vmem>> -> memref<512xi32, #tpu.memory_space<vmem>>
        %dma_start3A_213 = arith.constant 0 : i32
        %dma_start3A_214 = arith.constant 0 : i32
        %dma_start3A_215 = tpu.memref_slice %arg11[%dma_start3A_213, %dma_start3A_214] : memref<100096x8xf32, #tpu.memory_space<vmem_shared>> -> memref<100096x8xf32, #tpu.memory_space<vmem_shared>>
        tpu.enqueue_indirect_dma source(%dma_start3A_215 : memref<100096x8xf32, #tpu.memory_space<vmem_shared>>) target(%dma_start3A_209 : memref<512x8xf32, #tpu.memory_space<vmem>>) offsets(%dma_start3A_212 : memref<512xi32, #tpu.memory_space<vmem>>) semaphore(%arg15 : memref<!tpu.dma_semaphore, #tpu.memory_space<semaphore_mem>>)
      } else {
      }
      %ge3A_100 = arith.constant 1 : i32
      %ge3A_101 = arith.cmpi sge, %mul3A_67, %ge3A_100 : i32
      %convert_element_type3A_102 = arith.extui %ge3A_101 : i1 to i32
      %cond3A_103 = arith.constant 0 : i32
      %cond3A_104 = arith.cmpi ne, %convert_element_type3A_102, %cond3A_103 : i32
      scf.if %cond3A_104 {
        %dma_wait3A_172 = arith.constant 0 : i32
        %dma_wait3A_173 = arith.constant 0 : i32
        %dma_wait3A_174 = arith.constant 0 : i32
        %dma_wait3A_175 = tpu.memref_slice %arg9[%dma_wait3A_173, %dma_wait3A_174] : memref<2x512xi32, #tpu.memory_space<vmem>> -> memref<1x512xi32, #tpu.memory_space<vmem>>
        %dma_wait3A_176 = tpu.memref_squeeze %dma_wait3A_175 : memref<1x512xi32, #tpu.memory_space<vmem>> -> memref<512xi32, #tpu.memory_space<vmem>>
        %dma_wait3A_177 = arith.constant 0 : i32
        %dma_wait3A_178 = tpu.memref_slice %arg4[%dma_wait3A_172, %dma_wait3A_177] : memref<6272x512xi32, #tpu.memory_space<hbm>> -> memref<1x512xi32, #tpu.memory_space<hbm>>
        %dma_wait3A_179 = tpu.memref_squeeze %dma_wait3A_178 : memref<1x512xi32, #tpu.memory_space<hbm>> -> memref<512xi32, #tpu.memory_space<hbm>>
        %dma_wait3A_180 = arith.constant 0 : i32
        %dma_wait3A_181 = tpu.memref_slice %arg9[%dma_wait3A_173, %dma_wait3A_180] : memref<2x512xi32, #tpu.memory_space<vmem>> -> memref<1x512xi32, #tpu.memory_space<vmem>>
        %dma_wait3A_182 = tpu.memref_squeeze %dma_wait3A_181 : memref<1x512xi32, #tpu.memory_space<vmem>> -> memref<512xi32, #tpu.memory_space<vmem>>
        %dma_wait3A_183 = arith.constant 0 : i32
        %dma_wait3A_184 = tpu.memref_slice %arg4[%dma_wait3A_172, %dma_wait3A_183] : memref<6272x512xi32, #tpu.memory_space<hbm>> -> memref<1x512xi32, #tpu.memory_space<hbm>>
        %dma_wait3A_185 = tpu.memref_squeeze %dma_wait3A_184 : memref<1x512xi32, #tpu.memory_space<hbm>> -> memref<512xi32, #tpu.memory_space<hbm>>
        tpu.wait_dma2 semaphore(%arg14 : memref<!tpu.dma_semaphore, #tpu.memory_space<semaphore_mem>>) src(%dma_wait3A_185 : memref<512xi32, #tpu.memory_space<hbm>>) dst(%dma_wait3A_182 : memref<512xi32, #tpu.memory_space<vmem>>)
      } else {
      }
      %dma_start3A_105 = arith.constant 0 : i32
      %dma_start3A_106 = arith.constant 0 : i32
      %dma_start3A_107 = arith.constant 0 : i32
      %dma_start3A_108 = arith.constant 0 : i32
      %dma_start3A_109 = tpu.memref_slice %arg10[%dma_start3A_105, %dma_start3A_107, %dma_start3A_108] : memref<2x512x8xf32, #tpu.memory_space<vmem>> -> memref<1x512x8xf32, #tpu.memory_space<vmem>>
      %dma_start3A_110 = tpu.memref_squeeze %dma_start3A_109 : memref<1x512x8xf32, #tpu.memory_space<vmem>> -> memref<512x8xf32, #tpu.memory_space<vmem>>
      %dma_start3A_111 = arith.constant 0 : i32
      %dma_start3A_112 = tpu.memref_slice %arg9[%dma_start3A_106, %dma_start3A_111] : memref<2x512xi32, #tpu.memory_space<vmem>> -> memref<1x512xi32, #tpu.memory_space<vmem>>
      %dma_start3A_113 = tpu.memref_squeeze %dma_start3A_112 : memref<1x512xi32, #tpu.memory_space<vmem>> -> memref<512xi32, #tpu.memory_space<vmem>>
      %dma_start3A_114 = arith.constant 0 : i32
      %dma_start3A_115 = arith.constant 0 : i32
      %dma_start3A_116 = tpu.memref_slice %arg12[%dma_start3A_114, %dma_start3A_115] : memref<100096x8xf32, #tpu.memory_space<vmem_shared>> -> memref<100096x8xf32, #tpu.memory_space<vmem_shared>>
      tpu.enqueue_indirect_dma source(%dma_start3A_110 : memref<512x8xf32, #tpu.memory_space<vmem>>) target(%dma_start3A_116 : memref<100096x8xf32, #tpu.memory_space<vmem_shared>>) offsets(%dma_start3A_113 : memref<512xi32, #tpu.memory_space<vmem>>) semaphore(%arg16 : memref<!tpu.dma_semaphore, #tpu.memory_space<semaphore_mem>>) {add = true}
      %mul3A_117 = arith.constant 2 : i32
      %mul3A_118 = arith.muli %mul3A_117, %add3A_65 : i32
      %add3A_119 = arith.constant 1 : i32
      %add3A_120 = arith.addi %mul3A_118, %add3A_119 : i32
      %dma_wait3A_121 = arith.constant 0 : i32
      %dma_wait3A_122 = arith.constant 0 : i32
      %dma_wait3A_123 = arith.constant 0 : i32
      %dma_wait3A_124 = tpu.memref_slice %arg10[%dma_wait3A_121, %dma_wait3A_122, %dma_wait3A_123] : memref<2x512x8xf32, #tpu.memory_space<vmem>> -> memref<1x512x8xf32, #tpu.memory_space<vmem>>
      %dma_wait3A_125 = tpu.memref_squeeze %dma_wait3A_124 : memref<1x512x8xf32, #tpu.memory_space<vmem>> -> memref<512x8xf32, #tpu.memory_space<vmem>>
      %dma_wait3A_126 = arith.constant 0 : i32
      %dma_wait3A_127 = arith.constant 0 : i32
      %dma_wait3A_128 = tpu.memref_slice %arg5[%dma_wait3A_126, %dma_wait3A_127] : memref<100096x16xf32, #tpu.memory_space<hbm>> -> memref<512x8xf32, #tpu.memory_space<hbm>>
      %dma_wait3A_129 = arith.constant 0 : i32
      %dma_wait3A_130 = arith.constant 0 : i32
      %dma_wait3A_131 = tpu.memref_slice %arg10[%dma_wait3A_121, %dma_wait3A_129, %dma_wait3A_130] : memref<2x512x8xf32, #tpu.memory_space<vmem>> -> memref<1x512x8xf32, #tpu.memory_space<vmem>>
      %dma_wait3A_132 = tpu.memref_squeeze %dma_wait3A_131 : memref<1x512x8xf32, #tpu.memory_space<vmem>> -> memref<512x8xf32, #tpu.memory_space<vmem>>
      %dma_wait3A_133 = arith.constant 0 : i32
      %dma_wait3A_134 = arith.constant 0 : i32
      %dma_wait3A_135 = tpu.memref_slice %arg5[%dma_wait3A_133, %dma_wait3A_134] : memref<100096x16xf32, #tpu.memory_space<hbm>> -> memref<512x8xf32, #tpu.memory_space<hbm>>
      tpu.wait_dma2 semaphore(%arg15 : memref<!tpu.dma_semaphore, #tpu.memory_space<semaphore_mem>>) src(%dma_wait3A_135 : memref<512x8xf32, #tpu.memory_space<hbm>>) dst(%dma_wait3A_132 : memref<512x8xf32, #tpu.memory_space<vmem>>)
      %add3A_136 = arith.constant 2 : i32
      %add3A_137 = arith.addi %add3A_120, %add3A_136 : i32
      %lt3A_138 = arith.constant 392 : i32
      %lt3A_139 = arith.cmpi slt, %add3A_137, %lt3A_138 : i32
      %convert_element_type3A_140 = arith.extui %lt3A_139 : i1 to i32
      %cond3A_141 = arith.constant 0 : i32
      %cond3A_142 = arith.cmpi ne, %convert_element_type3A_140, %cond3A_141 : i32
      scf.if %cond3A_142 {
        %mul3A_172 = arith.constant 392 : i32
        %mul3A_173 = arith.muli %arg1, %mul3A_172 : i32
        %add3A_174 = arith.addi %mul3A_173, %add3A_120 : i32
        %add3A_175 = arith.constant 2 : i32
        %add3A_176 = arith.addi %add3A_174, %add3A_175 : i32
        %dma_start3A_177 = arith.constant 1 : i32
        %dma_start3A_178 = arith.constant 0 : i32
        %dma_start3A_179 = tpu.memref_slice %arg8[%dma_start3A_177, %dma_start3A_178] : memref<2x512xi32, #tpu.memory_space<vmem>> -> memref<1x512xi32, #tpu.memory_space<vmem>>
        %dma_start3A_180 = tpu.memref_squeeze %dma_start3A_179 : memref<1x512xi32, #tpu.memory_space<vmem>> -> memref<512xi32, #tpu.memory_space<vmem>>
        %dma_start3A_181 = arith.constant 0 : i32
        %dma_start3A_182 = tpu.memref_slice %arg3[%add3A_176, %dma_start3A_181] : memref<6272x512xi32, #tpu.memory_space<hbm>> -> memref<1x512xi32, #tpu.memory_space<hbm>>
        %dma_start3A_183 = tpu.memref_squeeze %dma_start3A_182 : memref<1x512xi32, #tpu.memory_space<hbm>> -> memref<512xi32, #tpu.memory_space<hbm>>
        %dma_start3A_184 = arith.constant 0 : i32
        %dma_start3A_185 = tpu.memref_slice %arg8[%dma_start3A_177, %dma_start3A_184] : memref<2x512xi32, #tpu.memory_space<vmem>> -> memref<1x512xi32, #tpu.memory_space<vmem>>
        %dma_start3A_186 = tpu.memref_squeeze %dma_start3A_185 : memref<1x512xi32, #tpu.memory_space<vmem>> -> memref<512xi32, #tpu.memory_space<vmem>>
        %dma_start3A_187 = arith.constant 0 : i32
        %dma_start3A_188 = tpu.memref_slice %arg3[%add3A_176, %dma_start3A_187] : memref<6272x512xi32, #tpu.memory_space<hbm>> -> memref<1x512xi32, #tpu.memory_space<hbm>>
        %dma_start3A_189 = tpu.memref_squeeze %dma_start3A_188 : memref<1x512xi32, #tpu.memory_space<hbm>> -> memref<512xi32, #tpu.memory_space<hbm>>
        tpu.enqueue_dma source(%dma_start3A_189 : memref<512xi32, #tpu.memory_space<hbm>>) target(%dma_start3A_186 : memref<512xi32, #tpu.memory_space<vmem>>) target_semaphore(%arg13 : memref<!tpu.dma_semaphore, #tpu.memory_space<semaphore_mem>>)
      } else {
      }
      %ge3A_143 = arith.constant 1 : i32
      %ge3A_144 = arith.cmpi sge, %add3A_120, %ge3A_143 : i32
      %convert_element_type3A_145 = arith.extui %ge3A_144 : i1 to i32
      %cond3A_146 = arith.constant 0 : i32
      %cond3A_147 = arith.cmpi ne, %convert_element_type3A_145, %cond3A_146 : i32
      scf.if %cond3A_147 {
        %dma_wait3A_172 = arith.constant 0 : i32
        %dma_wait3A_173 = arith.constant 0 : i32
        %dma_wait3A_174 = arith.constant 0 : i32
        %dma_wait3A_175 = tpu.memref_slice %arg10[%dma_wait3A_172, %dma_wait3A_173, %dma_wait3A_174] : memref<2x512x8xf32, #tpu.memory_space<vmem>> -> memref<1x512x8xf32, #tpu.memory_space<vmem>>
        %dma_wait3A_176 = tpu.memref_squeeze %dma_wait3A_175 : memref<1x512x8xf32, #tpu.memory_space<vmem>> -> memref<512x8xf32, #tpu.memory_space<vmem>>
        %dma_wait3A_177 = arith.constant 0 : i32
        %dma_wait3A_178 = arith.constant 0 : i32
        %dma_wait3A_179 = tpu.memref_slice %arg5[%dma_wait3A_177, %dma_wait3A_178] : memref<100096x16xf32, #tpu.memory_space<hbm>> -> memref<512x8xf32, #tpu.memory_space<hbm>>
        %dma_wait3A_180 = arith.constant 0 : i32
        %dma_wait3A_181 = arith.constant 0 : i32
        %dma_wait3A_182 = tpu.memref_slice %arg10[%dma_wait3A_172, %dma_wait3A_180, %dma_wait3A_181] : memref<2x512x8xf32, #tpu.memory_space<vmem>> -> memref<1x512x8xf32, #tpu.memory_space<vmem>>
        %dma_wait3A_183 = tpu.memref_squeeze %dma_wait3A_182 : memref<1x512x8xf32, #tpu.memory_space<vmem>> -> memref<512x8xf32, #tpu.memory_space<vmem>>
        %dma_wait3A_184 = arith.constant 0 : i32
        %dma_wait3A_185 = arith.constant 0 : i32
        %dma_wait3A_186 = tpu.memref_slice %arg5[%dma_wait3A_184, %dma_wait3A_185] : memref<100096x16xf32, #tpu.memory_space<hbm>> -> memref<512x8xf32, #tpu.memory_space<hbm>>
        tpu.wait_dma2 semaphore(%arg16 : memref<!tpu.dma_semaphore, #tpu.memory_space<semaphore_mem>>) src(%dma_wait3A_186 : memref<512x8xf32, #tpu.memory_space<hbm>>) dst(%dma_wait3A_183 : memref<512x8xf32, #tpu.memory_space<vmem>>)
      } else {
      }
      %add3A_148 = arith.constant 1 : i32
      %add3A_149 = arith.addi %add3A_120, %add3A_148 : i32
      %lt3A_150 = arith.constant 392 : i32
      %lt3A_151 = arith.cmpi slt, %add3A_149, %lt3A_150 : i32
      %convert_element_type3A_152 = arith.extui %lt3A_151 : i1 to i32
      %cond3A_153 = arith.constant 0 : i32
      %cond3A_154 = arith.cmpi ne, %convert_element_type3A_152, %cond3A_153 : i32
      scf.if %cond3A_154 {
        %mul3A_172 = arith.constant 392 : i32
        %mul3A_173 = arith.muli %arg1, %mul3A_172 : i32
        %add3A_174 = arith.addi %mul3A_173, %add3A_120 : i32
        %add3A_175 = arith.constant 1 : i32
        %add3A_176 = arith.addi %add3A_174, %add3A_175 : i32
        %dma_start3A_177 = arith.constant 0 : i32
        %dma_start3A_178 = arith.constant 0 : i32
        %dma_start3A_179 = tpu.memref_slice %arg9[%dma_start3A_177, %dma_start3A_178] : memref<2x512xi32, #tpu.memory_space<vmem>> -> memref<1x512xi32, #tpu.memory_space<vmem>>
        %dma_start3A_180 = tpu.memref_squeeze %dma_start3A_179 : memref<1x512xi32, #tpu.memory_space<vmem>> -> memref<512xi32, #tpu.memory_space<vmem>>
        %dma_start3A_181 = arith.constant 0 : i32
        %dma_start3A_182 = tpu.memref_slice %arg4[%add3A_176, %dma_start3A_181] : memref<6272x512xi32, #tpu.memory_space<hbm>> -> memref<1x512xi32, #tpu.memory_space<hbm>>
        %dma_start3A_183 = tpu.memref_squeeze %dma_start3A_182 : memref<1x512xi32, #tpu.memory_space<hbm>> -> memref<512xi32, #tpu.memory_space<hbm>>
        %dma_start3A_184 = arith.constant 0 : i32
        %dma_start3A_185 = tpu.memref_slice %arg9[%dma_start3A_177, %dma_start3A_184] : memref<2x512xi32, #tpu.memory_space<vmem>> -> memref<1x512xi32, #tpu.memory_space<vmem>>
        %dma_start3A_186 = tpu.memref_squeeze %dma_start3A_185 : memref<1x512xi32, #tpu.memory_space<vmem>> -> memref<512xi32, #tpu.memory_space<vmem>>
        %dma_start3A_187 = arith.constant 0 : i32
        %dma_start3A_188 = tpu.memref_slice %arg4[%add3A_176, %dma_start3A_187] : memref<6272x512xi32, #tpu.memory_space<hbm>> -> memref<1x512xi32, #tpu.memory_space<hbm>>
        %dma_start3A_189 = tpu.memref_squeeze %dma_start3A_188 : memref<1x512xi32, #tpu.memory_space<hbm>> -> memref<512xi32, #tpu.memory_space<hbm>>
        tpu.enqueue_dma source(%dma_start3A_189 : memref<512xi32, #tpu.memory_space<hbm>>) target(%dma_start3A_186 : memref<512xi32, #tpu.memory_space<vmem>>) target_semaphore(%arg14 : memref<!tpu.dma_semaphore, #tpu.memory_space<semaphore_mem>>)
        %dma_wait3A_190 = arith.constant 0 : i32
        %dma_wait3A_191 = arith.constant 0 : i32
        %dma_wait3A_192 = arith.constant 0 : i32
        %dma_wait3A_193 = tpu.memref_slice %arg8[%dma_wait3A_191, %dma_wait3A_192] : memref<2x512xi32, #tpu.memory_space<vmem>> -> memref<1x512xi32, #tpu.memory_space<vmem>>
        %dma_wait3A_194 = tpu.memref_squeeze %dma_wait3A_193 : memref<1x512xi32, #tpu.memory_space<vmem>> -> memref<512xi32, #tpu.memory_space<vmem>>
        %dma_wait3A_195 = arith.constant 0 : i32
        %dma_wait3A_196 = tpu.memref_slice %arg3[%dma_wait3A_190, %dma_wait3A_195] : memref<6272x512xi32, #tpu.memory_space<hbm>> -> memref<1x512xi32, #tpu.memory_space<hbm>>
        %dma_wait3A_197 = tpu.memref_squeeze %dma_wait3A_196 : memref<1x512xi32, #tpu.memory_space<hbm>> -> memref<512xi32, #tpu.memory_space<hbm>>
        %dma_wait3A_198 = arith.constant 0 : i32
        %dma_wait3A_199 = tpu.memref_slice %arg8[%dma_wait3A_191, %dma_wait3A_198] : memref<2x512xi32, #tpu.memory_space<vmem>> -> memref<1x512xi32, #tpu.memory_space<vmem>>
        %dma_wait3A_200 = tpu.memref_squeeze %dma_wait3A_199 : memref<1x512xi32, #tpu.memory_space<vmem>> -> memref<512xi32, #tpu.memory_space<vmem>>
        %dma_wait3A_201 = arith.constant 0 : i32
        %dma_wait3A_202 = tpu.memref_slice %arg3[%dma_wait3A_190, %dma_wait3A_201] : memref<6272x512xi32, #tpu.memory_space<hbm>> -> memref<1x512xi32, #tpu.memory_space<hbm>>
        %dma_wait3A_203 = tpu.memref_squeeze %dma_wait3A_202 : memref<1x512xi32, #tpu.memory_space<hbm>> -> memref<512xi32, #tpu.memory_space<hbm>>
        tpu.wait_dma2 semaphore(%arg13 : memref<!tpu.dma_semaphore, #tpu.memory_space<semaphore_mem>>) src(%dma_wait3A_203 : memref<512xi32, #tpu.memory_space<hbm>>) dst(%dma_wait3A_200 : memref<512xi32, #tpu.memory_space<vmem>>)
        %dma_start3A_204 = arith.constant 0 : i32
        %dma_start3A_205 = arith.constant 0 : i32
        %dma_start3A_206 = arith.constant 0 : i32
        %dma_start3A_207 = arith.constant 0 : i32
        %dma_start3A_208 = tpu.memref_slice %arg10[%dma_start3A_205, %dma_start3A_206, %dma_start3A_207] : memref<2x512x8xf32, #tpu.memory_space<vmem>> -> memref<1x512x8xf32, #tpu.memory_space<vmem>>
        %dma_start3A_209 = tpu.memref_squeeze %dma_start3A_208 : memref<1x512x8xf32, #tpu.memory_space<vmem>> -> memref<512x8xf32, #tpu.memory_space<vmem>>
        %dma_start3A_210 = arith.constant 0 : i32
        %dma_start3A_211 = tpu.memref_slice %arg8[%dma_start3A_204, %dma_start3A_210] : memref<2x512xi32, #tpu.memory_space<vmem>> -> memref<1x512xi32, #tpu.memory_space<vmem>>
        %dma_start3A_212 = tpu.memref_squeeze %dma_start3A_211 : memref<1x512xi32, #tpu.memory_space<vmem>> -> memref<512xi32, #tpu.memory_space<vmem>>
        %dma_start3A_213 = arith.constant 0 : i32
        %dma_start3A_214 = arith.constant 0 : i32
        %dma_start3A_215 = tpu.memref_slice %arg11[%dma_start3A_213, %dma_start3A_214] : memref<100096x8xf32, #tpu.memory_space<vmem_shared>> -> memref<100096x8xf32, #tpu.memory_space<vmem_shared>>
        tpu.enqueue_indirect_dma source(%dma_start3A_215 : memref<100096x8xf32, #tpu.memory_space<vmem_shared>>) target(%dma_start3A_209 : memref<512x8xf32, #tpu.memory_space<vmem>>) offsets(%dma_start3A_212 : memref<512xi32, #tpu.memory_space<vmem>>) semaphore(%arg15 : memref<!tpu.dma_semaphore, #tpu.memory_space<semaphore_mem>>)
      } else {
      }
      %ge3A_155 = arith.constant 1 : i32
      %ge3A_156 = arith.cmpi sge, %add3A_120, %ge3A_155 : i32
      %convert_element_type3A_157 = arith.extui %ge3A_156 : i1 to i32
      %cond3A_158 = arith.constant 0 : i32
      %cond3A_159 = arith.cmpi ne, %convert_element_type3A_157, %cond3A_158 : i32
      scf.if %cond3A_159 {
        %dma_wait3A_172 = arith.constant 0 : i32
        %dma_wait3A_173 = arith.constant 0 : i32
        %dma_wait3A_174 = arith.constant 0 : i32
        %dma_wait3A_175 = tpu.memref_slice %arg9[%dma_wait3A_173, %dma_wait3A_174] : memref<2x512xi32, #tpu.memory_space<vmem>> -> memref<1x512xi32, #tpu.memory_space<vmem>>
        %dma_wait3A_176 = tpu.memref_squeeze %dma_wait3A_175 : memref<1x512xi32, #tpu.memory_space<vmem>> -> memref<512xi32, #tpu.memory_space<vmem>>
        %dma_wait3A_177 = arith.constant 0 : i32
        %dma_wait3A_178 = tpu.memref_slice %arg4[%dma_wait3A_172, %dma_wait3A_177] : memref<6272x512xi32, #tpu.memory_space<hbm>> -> memref<1x512xi32, #tpu.memory_space<hbm>>
        %dma_wait3A_179 = tpu.memref_squeeze %dma_wait3A_178 : memref<1x512xi32, #tpu.memory_space<hbm>> -> memref<512xi32, #tpu.memory_space<hbm>>
        %dma_wait3A_180 = arith.constant 0 : i32
        %dma_wait3A_181 = tpu.memref_slice %arg9[%dma_wait3A_173, %dma_wait3A_180] : memref<2x512xi32, #tpu.memory_space<vmem>> -> memref<1x512xi32, #tpu.memory_space<vmem>>
        %dma_wait3A_182 = tpu.memref_squeeze %dma_wait3A_181 : memref<1x512xi32, #tpu.memory_space<vmem>> -> memref<512xi32, #tpu.memory_space<vmem>>
        %dma_wait3A_183 = arith.constant 0 : i32
        %dma_wait3A_184 = tpu.memref_slice %arg4[%dma_wait3A_172, %dma_wait3A_183] : memref<6272x512xi32, #tpu.memory_space<hbm>> -> memref<1x512xi32, #tpu.memory_space<hbm>>
        %dma_wait3A_185 = tpu.memref_squeeze %dma_wait3A_184 : memref<1x512xi32, #tpu.memory_space<hbm>> -> memref<512xi32, #tpu.memory_space<hbm>>
        tpu.wait_dma2 semaphore(%arg14 : memref<!tpu.dma_semaphore, #tpu.memory_space<semaphore_mem>>) src(%dma_wait3A_185 : memref<512xi32, #tpu.memory_space<hbm>>) dst(%dma_wait3A_182 : memref<512xi32, #tpu.memory_space<vmem>>)
      } else {
      }
      %dma_start3A_160 = arith.constant 1 : i32
      %dma_start3A_161 = arith.constant 1 : i32
      %dma_start3A_162 = arith.constant 0 : i32
      %dma_start3A_163 = arith.constant 0 : i32
      %dma_start3A_164 = tpu.memref_slice %arg10[%dma_start3A_160, %dma_start3A_162, %dma_start3A_163] : memref<2x512x8xf32, #tpu.memory_space<vmem>> -> memref<1x512x8xf32, #tpu.memory_space<vmem>>
      %dma_start3A_165 = tpu.memref_squeeze %dma_start3A_164 : memref<1x512x8xf32, #tpu.memory_space<vmem>> -> memref<512x8xf32, #tpu.memory_space<vmem>>
      %dma_start3A_166 = arith.constant 0 : i32
      %dma_start3A_167 = tpu.memref_slice %arg9[%dma_start3A_161, %dma_start3A_166] : memref<2x512xi32, #tpu.memory_space<vmem>> -> memref<1x512xi32, #tpu.memory_space<vmem>>
      %dma_start3A_168 = tpu.memref_squeeze %dma_start3A_167 : memref<1x512xi32, #tpu.memory_space<vmem>> -> memref<512xi32, #tpu.memory_space<vmem>>
      %dma_start3A_169 = arith.constant 0 : i32
      %dma_start3A_170 = arith.constant 0 : i32
      %dma_start3A_171 = tpu.memref_slice %arg12[%dma_start3A_169, %dma_start3A_170] : memref<100096x8xf32, #tpu.memory_space<vmem_shared>> -> memref<100096x8xf32, #tpu.memory_space<vmem_shared>>
      tpu.enqueue_indirect_dma source(%dma_start3A_165 : memref<512x8xf32, #tpu.memory_space<vmem>>) target(%dma_start3A_171 : memref<100096x8xf32, #tpu.memory_space<vmem_shared>>) offsets(%dma_start3A_168 : memref<512xi32, #tpu.memory_space<vmem>>) semaphore(%arg16 : memref<!tpu.dma_semaphore, #tpu.memory_space<semaphore_mem>>) {add = true}
    }
    %scan3A_38 = arith.constant 196 : i32
    %dma_wait3A = arith.constant 0 : i32
    %dma_wait3A_39 = arith.constant 0 : i32
    %dma_wait3A_40 = arith.constant 0 : i32
    %dma_wait3A_41 = tpu.memref_slice %arg10[%dma_wait3A, %dma_wait3A_39, %dma_wait3A_40] : memref<2x512x8xf32, #tpu.memory_space<vmem>> -> memref<1x512x8xf32, #tpu.memory_space<vmem>>
    %dma_wait3A_42 = tpu.memref_squeeze %dma_wait3A_41 : memref<1x512x8xf32, #tpu.memory_space<vmem>> -> memref<512x8xf32, #tpu.memory_space<vmem>>
    %dma_wait3A_43 = arith.constant 0 : i32
    %dma_wait3A_44 = arith.constant 0 : i32
    %dma_wait3A_45 = tpu.memref_slice %arg5[%dma_wait3A_43, %dma_wait3A_44] : memref<100096x16xf32, #tpu.memory_space<hbm>> -> memref<512x8xf32, #tpu.memory_space<hbm>>
    %dma_wait3A_46 = arith.constant 0 : i32
    %dma_wait3A_47 = arith.constant 0 : i32
    %dma_wait3A_48 = tpu.memref_slice %arg10[%dma_wait3A, %dma_wait3A_46, %dma_wait3A_47] : memref<2x512x8xf32, #tpu.memory_space<vmem>> -> memref<1x512x8xf32, #tpu.memory_space<vmem>>
    %dma_wait3A_49 = tpu.memref_squeeze %dma_wait3A_48 : memref<1x512x8xf32, #tpu.memory_space<vmem>> -> memref<512x8xf32, #tpu.memory_space<vmem>>
    %dma_wait3A_50 = arith.constant 0 : i32
    %dma_wait3A_51 = arith.constant 0 : i32
    %dma_wait3A_52 = tpu.memref_slice %arg5[%dma_wait3A_50, %dma_wait3A_51] : memref<100096x16xf32, #tpu.memory_space<hbm>> -> memref<512x8xf32, #tpu.memory_space<hbm>>
    tpu.wait_dma2 semaphore(%arg16 : memref<!tpu.dma_semaphore, #tpu.memory_space<semaphore_mem>>) src(%dma_wait3A_52 : memref<512x8xf32, #tpu.memory_space<hbm>>) dst(%dma_wait3A_49 : memref<512x8xf32, #tpu.memory_space<vmem>>)
    %barrier3A_53 = arith.constant 0 : index
    tpu.barrier barrier_id(%barrier3A_53)
    %eq3A = arith.constant 0 : i32
    %eq3A_54 = arith.cmpi eq, %arg0, %eq3A : i32
    %convert_element_type3A = arith.extui %eq3A_54 : i1 to i32
    %cond3A = arith.constant 0 : i32
    %cond3A_55 = arith.cmpi ne, %convert_element_type3A, %cond3A : i32
    scf.if %cond3A_55 {
      "tpu.region"() ({
        %run_scoped3A_61 = tpu.sem_alloc : memref<!tpu.dma_semaphore, #tpu.memory_space<semaphore_mem>>
        %dma_start3A_62 = arith.constant 0 : i32
        %dma_start3A_63 = tpu.memref_slice %arg6[%mul3A_0, %dma_start3A_62] : memref<100096x16xf32, #tpu.memory_space<hbm>> -> memref<6256x8xf32, #tpu.memory_space<hbm>>
        %dma_start3A_64 = arith.constant 0 : i32
        %dma_start3A_65 = tpu.memref_slice %arg12[%mul3A_0, %dma_start3A_64] : memref<100096x8xf32, #tpu.memory_space<vmem_shared>> -> memref<6256x8xf32, #tpu.memory_space<vmem_shared>>
        tpu.enqueue_dma source(%dma_start3A_65 : memref<6256x8xf32, #tpu.memory_space<vmem_shared>>) target(%dma_start3A_63 : memref<6256x8xf32, #tpu.memory_space<hbm>>) target_semaphore(%run_scoped3A_61 : memref<!tpu.dma_semaphore, #tpu.memory_space<semaphore_mem>>)
        %dma_wait3A_66 = arith.constant 0 : i32
        %dma_wait3A_67 = tpu.memref_slice %arg6[%mul3A_0, %dma_wait3A_66] : memref<100096x16xf32, #tpu.memory_space<hbm>> -> memref<6256x8xf32, #tpu.memory_space<hbm>>
        %dma_wait3A_68 = arith.constant 0 : i32
        %dma_wait3A_69 = tpu.memref_slice %arg12[%mul3A_0, %dma_wait3A_68] : memref<100096x8xf32, #tpu.memory_space<vmem_shared>> -> memref<6256x8xf32, #tpu.memory_space<vmem_shared>>
        tpu.wait_dma2 semaphore(%run_scoped3A_61 : memref<!tpu.dma_semaphore, #tpu.memory_space<semaphore_mem>>) src(%dma_wait3A_69 : memref<6256x8xf32, #tpu.memory_space<vmem_shared>>) dst(%dma_wait3A_67 : memref<6256x8xf32, #tpu.memory_space<hbm>>)
        tpu.yield
      }) : () -> ()
    } else {
    }
    %eq3A_56 = arith.constant 1 : i32
    %eq3A_57 = arith.cmpi eq, %arg0, %eq3A_56 : i32
    %convert_element_type3A_58 = arith.extui %eq3A_57 : i1 to i32
    %cond3A_59 = arith.constant 0 : i32
    %cond3A_60 = arith.cmpi ne, %convert_element_type3A_58, %cond3A_59 : i32
    scf.if %cond3A_60 {
      "tpu.region"() ({
        %run_scoped3A_61 = tpu.sem_alloc : memref<!tpu.dma_semaphore, #tpu.memory_space<semaphore_mem>>
        %dma_start3A_62 = arith.constant 8 : i32
        %dma_start3A_63 = tpu.memref_slice %arg7[%mul3A_0, %dma_start3A_62] : memref<100096x16xf32, #tpu.memory_space<hbm>> -> memref<6256x8xf32, #tpu.memory_space<hbm>>
        %dma_start3A_64 = arith.constant 0 : i32
        %dma_start3A_65 = tpu.memref_slice %arg12[%mul3A_0, %dma_start3A_64] : memref<100096x8xf32, #tpu.memory_space<vmem_shared>> -> memref<6256x8xf32, #tpu.memory_space<vmem_shared>>
        tpu.enqueue_dma source(%dma_start3A_65 : memref<6256x8xf32, #tpu.memory_space<vmem_shared>>) target(%dma_start3A_63 : memref<6256x8xf32, #tpu.memory_space<hbm>>) target_semaphore(%run_scoped3A_61 : memref<!tpu.dma_semaphore, #tpu.memory_space<semaphore_mem>>)
        %dma_wait3A_66 = arith.constant 8 : i32
        %dma_wait3A_67 = tpu.memref_slice %arg7[%mul3A_0, %dma_wait3A_66] : memref<100096x16xf32, #tpu.memory_space<hbm>> -> memref<6256x8xf32, #tpu.memory_space<hbm>>
        %dma_wait3A_68 = arith.constant 0 : i32
        %dma_wait3A_69 = tpu.memref_slice %arg12[%mul3A_0, %dma_wait3A_68] : memref<100096x8xf32, #tpu.memory_space<vmem_shared>> -> memref<6256x8xf32, #tpu.memory_space<vmem_shared>>
        tpu.wait_dma2 semaphore(%run_scoped3A_61 : memref<!tpu.dma_semaphore, #tpu.memory_space<semaphore_mem>>) src(%dma_wait3A_69 : memref<6256x8xf32, #tpu.memory_space<vmem_shared>>) dst(%dma_wait3A_67 : memref<6256x8xf32, #tpu.memory_space<hbm>>)
        tpu.yield
      }) : () -> ()
    } else {
    }
    return
  }
}

#map = affine_map<(d0, d1) -> (0, 0)>
module attributes {stable_mosaic.version = 14 : i64} {
  func.func @k(%arg0: i32, %arg1: i32, %arg2: memref<100096x16xf32, #tpu.memory_space<hbm>>, %arg3: memref<6272x512xi32, #tpu.memory_space<hbm>>, %arg4: memref<6272x512xi32, #tpu.memory_space<hbm>>, %arg5: memref<100096x16xf32, #tpu.memory_space<hbm>>, %arg6: memref<100096x16xf32, #tpu.memory_space<hbm>>, %arg7: memref<100096x16xf32, #tpu.memory_space<hbm>>, %arg8: memref<2x512xi32, #tpu.memory_space<vmem>>, %arg9: memref<2x512xi32, #tpu.memory_space<vmem>>, %arg10: memref<2x512x8xf32, #tpu.memory_space<vmem>>, %arg11: memref<100096x8xf32, #tpu.memory_space<vmem_shared>>, %arg12: memref<100096x8xf32, #tpu.memory_space<vmem_shared>>, %arg13: memref<!tpu.dma_semaphore, #tpu.memory_space<semaphore_mem>>, %arg14: memref<!tpu.dma_semaphore, #tpu.memory_space<semaphore_mem>>, %arg15: memref<!tpu.dma_semaphore, #tpu.memory_space<semaphore_mem>>, %arg16: memref<!tpu.dma_semaphore, #tpu.memory_space<semaphore_mem>>) attributes {dimension_semantics = [#tpu.dimension_semantics<core_parallel>, #tpu.dimension_semantics<subcore_parallel>], iteration_bounds = array<i64: 2, 16>, scalar_prefetch = 0 : i64, scratch_operands = 9 : i64, tpu.core_type = #tpu.core_type<sc_vector_subcore>, window_params = [{transform_indices = #map}, {transform_indices = #map}, {transform_indices = #map}, {transform_indices = #map}, {transform_indices = #map}, {transform_indices = #map}]} {
    %mul3A = arith.constant 6256 : i32
    %mul3A_0 = arith.muli %arg1, %mul3A : i32
    %mul3A_1 = arith.constant 8 : i32
    %mul3A_2 = arith.muli %arg0, %mul3A_1 : i32
    "tpu.region"() ({
      %run_scoped3A_61 = tpu.sem_alloc : memref<!tpu.dma_semaphore, #tpu.memory_space<semaphore_mem>>
      %dma_start3A_62 = arith.constant 0 : i32
      %dma_start3A_63 = tpu.memref_slice %arg11[%mul3A_0, %dma_start3A_62] : memref<100096x8xf32, #tpu.memory_space<vmem_shared>> -> memref<6256x8xf32, #tpu.memory_space<vmem_shared>>
      %dma_start3A_64 = tpu.memref_slice %arg2[%mul3A_0, %mul3A_2] : memref<100096x16xf32, #tpu.memory_space<hbm>> -> memref<6256x8xf32, #tpu.memory_space<hbm>>
      tpu.enqueue_dma source(%dma_start3A_64 : memref<6256x8xf32, #tpu.memory_space<hbm>>) target(%dma_start3A_63 : memref<6256x8xf32, #tpu.memory_space<vmem_shared>>) target_semaphore(%run_scoped3A_61 : memref<!tpu.dma_semaphore, #tpu.memory_space<semaphore_mem>>)
      %dma_wait3A_65 = arith.constant 0 : i32
      %dma_wait3A_66 = tpu.memref_slice %arg11[%mul3A_0, %dma_wait3A_65] : memref<100096x8xf32, #tpu.memory_space<vmem_shared>> -> memref<6256x8xf32, #tpu.memory_space<vmem_shared>>
      %dma_wait3A_67 = tpu.memref_slice %arg2[%mul3A_0, %mul3A_2] : memref<100096x16xf32, #tpu.memory_space<hbm>> -> memref<6256x8xf32, #tpu.memory_space<hbm>>
      tpu.wait_dma2 semaphore(%run_scoped3A_61 : memref<!tpu.dma_semaphore, #tpu.memory_space<semaphore_mem>>) src(%dma_wait3A_67 : memref<6256x8xf32, #tpu.memory_space<hbm>>) dst(%dma_wait3A_66 : memref<6256x8xf32, #tpu.memory_space<vmem_shared>>)
      tpu.yield
    }) : () -> ()
    "tpu.region"() ({
      %run_scoped3A_61 = tpu.sem_alloc : memref<!tpu.dma_semaphore, #tpu.memory_space<semaphore_mem>>
      %dma_start3A_62 = arith.constant 0 : i32
      %dma_start3A_63 = tpu.memref_slice %arg12[%mul3A_0, %dma_start3A_62] : memref<100096x8xf32, #tpu.memory_space<vmem_shared>> -> memref<6256x8xf32, #tpu.memory_space<vmem_shared>>
      %dma_start3A_64 = arith.constant 0 : i32
      %dma_start3A_65 = tpu.memref_slice %arg5[%mul3A_0, %dma_start3A_64] : memref<100096x16xf32, #tpu.memory_space<hbm>> -> memref<6256x8xf32, #tpu.memory_space<hbm>>
      tpu.enqueue_dma source(%dma_start3A_65 : memref<6256x8xf32, #tpu.memory_space<hbm>>) target(%dma_start3A_63 : memref<6256x8xf32, #tpu.memory_space<vmem_shared>>) target_semaphore(%run_scoped3A_61 : memref<!tpu.dma_semaphore, #tpu.memory_space<semaphore_mem>>)
      %dma_wait3A_66 = arith.constant 0 : i32
      %dma_wait3A_67 = tpu.memref_slice %arg12[%mul3A_0, %dma_wait3A_66] : memref<100096x8xf32, #tpu.memory_space<vmem_shared>> -> memref<6256x8xf32, #tpu.memory_space<vmem_shared>>
      %dma_wait3A_68 = arith.constant 0 : i32
      %dma_wait3A_69 = tpu.memref_slice %arg5[%mul3A_0, %dma_wait3A_68] : memref<100096x16xf32, #tpu.memory_space<hbm>> -> memref<6256x8xf32, #tpu.memory_space<hbm>>
      tpu.wait_dma2 semaphore(%run_scoped3A_61 : memref<!tpu.dma_semaphore, #tpu.memory_space<semaphore_mem>>) src(%dma_wait3A_69 : memref<6256x8xf32, #tpu.memory_space<hbm>>) dst(%dma_wait3A_67 : memref<6256x8xf32, #tpu.memory_space<vmem_shared>>)
      tpu.yield
    }) : () -> ()
    %barrier3A = arith.constant 0 : index
    tpu.barrier barrier_id(%barrier3A)
    %mul3A_3 = arith.constant 392 : i32
    %mul3A_4 = arith.muli %arg1, %mul3A_3 : i32
    %run_scoped3A = arith.constant 0 : i32
    "tpu.region"() ({
      %run_scoped3A_61 = tpu.sem_alloc : memref<!tpu.dma_semaphore, #tpu.memory_space<semaphore_mem>>
      %dma_start3A_62 = arith.constant 0 : i32
      %dma_start3A_63 = tpu.memref_slice %arg8[%run_scoped3A, %dma_start3A_62] : memref<2x512xi32, #tpu.memory_space<vmem>> -> memref<1x512xi32, #tpu.memory_space<vmem>>
      %dma_start3A_64 = tpu.memref_squeeze %dma_start3A_63 : memref<1x512xi32, #tpu.memory_space<vmem>> -> memref<512xi32, #tpu.memory_space<vmem>>
      %dma_start3A_65 = arith.constant 0 : i32
      %dma_start3A_66 = tpu.memref_slice %arg3[%mul3A_4, %dma_start3A_65] : memref<6272x512xi32, #tpu.memory_space<hbm>> -> memref<1x512xi32, #tpu.memory_space<hbm>>
      %dma_start3A_67 = tpu.memref_squeeze %dma_start3A_66 : memref<1x512xi32, #tpu.memory_space<hbm>> -> memref<512xi32, #tpu.memory_space<hbm>>
      %dma_start3A_68 = arith.constant 0 : i32
      %dma_start3A_69 = tpu.memref_slice %arg8[%run_scoped3A, %dma_start3A_68] : memref<2x512xi32, #tpu.memory_space<vmem>> -> memref<1x512xi32, #tpu.memory_space<vmem>>
      %dma_start3A_70 = tpu.memref_squeeze %dma_start3A_69 : memref<1x512xi32, #tpu.memory_space<vmem>> -> memref<512xi32, #tpu.memory_space<vmem>>
      %dma_start3A_71 = arith.constant 0 : i32
      %dma_start3A_72 = tpu.memref_slice %arg3[%mul3A_4, %dma_start3A_71] : memref<6272x512xi32, #tpu.memory_space<hbm>> -> memref<1x512xi32, #tpu.memory_space<hbm>>
      %dma_start3A_73 = tpu.memref_squeeze %dma_start3A_72 : memref<1x512xi32, #tpu.memory_space<hbm>> -> memref<512xi32, #tpu.memory_space<hbm>>
      tpu.enqueue_dma source(%dma_start3A_73 : memref<512xi32, #tpu.memory_space<hbm>>) target(%dma_start3A_70 : memref<512xi32, #tpu.memory_space<vmem>>) target_semaphore(%run_scoped3A_61 : memref<!tpu.dma_semaphore, #tpu.memory_space<semaphore_mem>>)
      %dma_wait3A_74 = arith.constant 0 : i32
      %dma_wait3A_75 = tpu.memref_slice %arg8[%run_scoped3A, %dma_wait3A_74] : memref<2x512xi32, #tpu.memory_space<vmem>> -> memref<1x512xi32, #tpu.memory_space<vmem>>
      %dma_wait3A_76 = tpu.memref_squeeze %dma_wait3A_75 : memref<1x512xi32, #tpu.memory_space<vmem>> -> memref<512xi32, #tpu.memory_space<vmem>>
      %dma_wait3A_77 = arith.constant 0 : i32
      %dma_wait3A_78 = tpu.memref_slice %arg3[%mul3A_4, %dma_wait3A_77] : memref<6272x512xi32, #tpu.memory_space<hbm>> -> memref<1x512xi32, #tpu.memory_space<hbm>>
      %dma_wait3A_79 = tpu.memref_squeeze %dma_wait3A_78 : memref<1x512xi32, #tpu.memory_space<hbm>> -> memref<512xi32, #tpu.memory_space<hbm>>
      %dma_wait3A_80 = arith.constant 0 : i32
      %dma_wait3A_81 = tpu.memref_slice %arg8[%run_scoped3A, %dma_wait3A_80] : memref<2x512xi32, #tpu.memory_space<vmem>> -> memref<1x512xi32, #tpu.memory_space<vmem>>
      %dma_wait3A_82 = tpu.memref_squeeze %dma_wait3A_81 : memref<1x512xi32, #tpu.memory_space<vmem>> -> memref<512xi32, #tpu.memory_space<vmem>>
      %dma_wait3A_83 = arith.constant 0 : i32
      %dma_wait3A_84 = tpu.memref_slice %arg3[%mul3A_4, %dma_wait3A_83] : memref<6272x512xi32, #tpu.memory_space<hbm>> -> memref<1x512xi32, #tpu.memory_space<hbm>>
      %dma_wait3A_85 = tpu.memref_squeeze %dma_wait3A_84 : memref<1x512xi32, #tpu.memory_space<hbm>> -> memref<512xi32, #tpu.memory_space<hbm>>
      tpu.wait_dma2 semaphore(%run_scoped3A_61 : memref<!tpu.dma_semaphore, #tpu.memory_space<semaphore_mem>>) src(%dma_wait3A_85 : memref<512xi32, #tpu.memory_space<hbm>>) dst(%dma_wait3A_82 : memref<512xi32, #tpu.memory_space<vmem>>)
      tpu.yield
    }) : () -> ()
    %mul3A_5 = arith.constant 392 : i32
    %mul3A_6 = arith.muli %arg1, %mul3A_5 : i32
    %run_scoped3A_7 = arith.constant 0 : i32
    "tpu.region"() ({
      %run_scoped3A_61 = tpu.sem_alloc : memref<!tpu.dma_semaphore, #tpu.memory_space<semaphore_mem>>
      %dma_start3A_62 = arith.constant 0 : i32
      %dma_start3A_63 = tpu.memref_slice %arg9[%run_scoped3A_7, %dma_start3A_62] : memref<2x512xi32, #tpu.memory_space<vmem>> -> memref<1x512xi32, #tpu.memory_space<vmem>>
      %dma_start3A_64 = tpu.memref_squeeze %dma_start3A_63 : memref<1x512xi32, #tpu.memory_space<vmem>> -> memref<512xi32, #tpu.memory_space<vmem>>
      %dma_start3A_65 = arith.constant 0 : i32
      %dma_start3A_66 = tpu.memref_slice %arg4[%mul3A_6, %dma_start3A_65] : memref<6272x512xi32, #tpu.memory_space<hbm>> -> memref<1x512xi32, #tpu.memory_space<hbm>>
      %dma_start3A_67 = tpu.memref_squeeze %dma_start3A_66 : memref<1x512xi32, #tpu.memory_space<hbm>> -> memref<512xi32, #tpu.memory_space<hbm>>
      %dma_start3A_68 = arith.constant 0 : i32
      %dma_start3A_69 = tpu.memref_slice %arg9[%run_scoped3A_7, %dma_start3A_68] : memref<2x512xi32, #tpu.memory_space<vmem>> -> memref<1x512xi32, #tpu.memory_space<vmem>>
      %dma_start3A_70 = tpu.memref_squeeze %dma_start3A_69 : memref<1x512xi32, #tpu.memory_space<vmem>> -> memref<512xi32, #tpu.memory_space<vmem>>
      %dma_start3A_71 = arith.constant 0 : i32
      %dma_start3A_72 = tpu.memref_slice %arg4[%mul3A_6, %dma_start3A_71] : memref<6272x512xi32, #tpu.memory_space<hbm>> -> memref<1x512xi32, #tpu.memory_space<hbm>>
      %dma_start3A_73 = tpu.memref_squeeze %dma_start3A_72 : memref<1x512xi32, #tpu.memory_space<hbm>> -> memref<512xi32, #tpu.memory_space<hbm>>
      tpu.enqueue_dma source(%dma_start3A_73 : memref<512xi32, #tpu.memory_space<hbm>>) target(%dma_start3A_70 : memref<512xi32, #tpu.memory_space<vmem>>) target_semaphore(%run_scoped3A_61 : memref<!tpu.dma_semaphore, #tpu.memory_space<semaphore_mem>>)
      %dma_wait3A_74 = arith.constant 0 : i32
      %dma_wait3A_75 = tpu.memref_slice %arg9[%run_scoped3A_7, %dma_wait3A_74] : memref<2x512xi32, #tpu.memory_space<vmem>> -> memref<1x512xi32, #tpu.memory_space<vmem>>
      %dma_wait3A_76 = tpu.memref_squeeze %dma_wait3A_75 : memref<1x512xi32, #tpu.memory_space<vmem>> -> memref<512xi32, #tpu.memory_space<vmem>>
      %dma_wait3A_77 = arith.constant 0 : i32
      %dma_wait3A_78 = tpu.memref_slice %arg4[%mul3A_6, %dma_wait3A_77] : memref<6272x512xi32, #tpu.memory_space<hbm>> -> memref<1x512xi32, #tpu.memory_space<hbm>>
      %dma_wait3A_79 = tpu.memref_squeeze %dma_wait3A_78 : memref<1x512xi32, #tpu.memory_space<hbm>> -> memref<512xi32, #tpu.memory_space<hbm>>
      %dma_wait3A_80 = arith.constant 0 : i32
      %dma_wait3A_81 = tpu.memref_slice %arg9[%run_scoped3A_7, %dma_wait3A_80] : memref<2x512xi32, #tpu.memory_space<vmem>> -> memref<1x512xi32, #tpu.memory_space<vmem>>
      %dma_wait3A_82 = tpu.memref_squeeze %dma_wait3A_81 : memref<1x512xi32, #tpu.memory_space<vmem>> -> memref<512xi32, #tpu.memory_space<vmem>>
      %dma_wait3A_83 = arith.constant 0 : i32
      %dma_wait3A_84 = tpu.memref_slice %arg4[%mul3A_6, %dma_wait3A_83] : memref<6272x512xi32, #tpu.memory_space<hbm>> -> memref<1x512xi32, #tpu.memory_space<hbm>>
      %dma_wait3A_85 = tpu.memref_squeeze %dma_wait3A_84 : memref<1x512xi32, #tpu.memory_space<hbm>> -> memref<512xi32, #tpu.memory_space<hbm>>
      tpu.wait_dma2 semaphore(%run_scoped3A_61 : memref<!tpu.dma_semaphore, #tpu.memory_space<semaphore_mem>>) src(%dma_wait3A_85 : memref<512xi32, #tpu.memory_space<hbm>>) dst(%dma_wait3A_82 : memref<512xi32, #tpu.memory_space<vmem>>)
      tpu.yield
    }) : () -> ()
    %dma_start3A = arith.constant 0 : i32
    %dma_start3A_8 = arith.constant 0 : i32
    %dma_start3A_9 = arith.constant 0 : i32
    %dma_start3A_10 = arith.constant 0 : i32
    %dma_start3A_11 = tpu.memref_slice %arg10[%dma_start3A_8, %dma_start3A_9, %dma_start3A_10] : memref<2x512x8xf32, #tpu.memory_space<vmem>> -> memref<1x512x8xf32, #tpu.memory_space<vmem>>
    %dma_start3A_12 = tpu.memref_squeeze %dma_start3A_11 : memref<1x512x8xf32, #tpu.memory_space<vmem>> -> memref<512x8xf32, #tpu.memory_space<vmem>>
    %dma_start3A_13 = arith.constant 0 : i32
    %dma_start3A_14 = tpu.memref_slice %arg8[%dma_start3A, %dma_start3A_13] : memref<2x512xi32, #tpu.memory_space<vmem>> -> memref<1x512xi32, #tpu.memory_space<vmem>>
    %dma_start3A_15 = tpu.memref_squeeze %dma_start3A_14 : memref<1x512xi32, #tpu.memory_space<vmem>> -> memref<512xi32, #tpu.memory_space<vmem>>
    %dma_start3A_16 = arith.constant 0 : i32
    %dma_start3A_17 = arith.constant 0 : i32
    %dma_start3A_18 = tpu.memref_slice %arg11[%dma_start3A_16, %dma_start3A_17] : memref<100096x8xf32, #tpu.memory_space<vmem_shared>> -> memref<100096x8xf32, #tpu.memory_space<vmem_shared>>
    tpu.enqueue_indirect_dma source(%dma_start3A_18 : memref<100096x8xf32, #tpu.memory_space<vmem_shared>>) target(%dma_start3A_12 : memref<512x8xf32, #tpu.memory_space<vmem>>) offsets(%dma_start3A_15 : memref<512xi32, #tpu.memory_space<vmem>>) semaphore(%arg15 : memref<!tpu.dma_semaphore, #tpu.memory_space<semaphore_mem>>)
    %mul3A_19 = arith.constant 392 : i32
    %mul3A_20 = arith.muli %arg1, %mul3A_19 : i32
    %add3A = arith.constant 1 : i32
    %add3A_21 = arith.addi %mul3A_20, %add3A : i32
    %dma_start3A_22 = arith.constant 1 : i32
    %dma_start3A_23 = arith.constant 0 : i32
    %dma_start3A_24 = tpu.memref_slice %arg8[%dma_start3A_22, %dma_start3A_23] : memref<2x512xi32, #tpu.memory_space<vmem>> -> memref<1x512xi32, #tpu.memory_space<vmem>>
    %dma_start3A_25 = tpu.memref_squeeze %dma_start3A_24 : memref<1x512xi32, #tpu.memory_space<vmem>> -> memref<512xi32, #tpu.memory_space<vmem>>
    %dma_start3A_26 = arith.constant 0 : i32
    %dma_start3A_27 = tpu.memref_slice %arg3[%add3A_21, %dma_start3A_26] : memref<6272x512xi32, #tpu.memory_space<hbm>> -> memref<1x512xi32, #tpu.memory_space<hbm>>
    %dma_start3A_28 = tpu.memref_squeeze %dma_start3A_27 : memref<1x512xi32, #tpu.memory_space<hbm>> -> memref<512xi32, #tpu.memory_space<hbm>>
    %dma_start3A_29 = arith.constant 0 : i32
    %dma_start3A_30 = tpu.memref_slice %arg8[%dma_start3A_22, %dma_start3A_29] : memref<2x512xi32, #tpu.memory_space<vmem>> -> memref<1x512xi32, #tpu.memory_space<vmem>>
    %dma_start3A_31 = tpu.memref_squeeze %dma_start3A_30 : memref<1x512xi32, #tpu.memory_space<vmem>> -> memref<512xi32, #tpu.memory_space<vmem>>
    %dma_start3A_32 = arith.constant 0 : i32
    %dma_start3A_33 = tpu.memref_slice %arg3[%add3A_21, %dma_start3A_32] : memref<6272x512xi32, #tpu.memory_space<hbm>> -> memref<1x512xi32, #tpu.memory_space<hbm>>
    %dma_start3A_34 = tpu.memref_squeeze %dma_start3A_33 : memref<1x512xi32, #tpu.memory_space<hbm>> -> memref<512xi32, #tpu.memory_space<hbm>>
    tpu.enqueue_dma source(%dma_start3A_34 : memref<512xi32, #tpu.memory_space<hbm>>) target(%dma_start3A_31 : memref<512xi32, #tpu.memory_space<vmem>>) target_semaphore(%arg13 : memref<!tpu.dma_semaphore, #tpu.memory_space<semaphore_mem>>)
    %scan3A = arith.constant 0 : i32
    %scan3A_35 = arith.constant 196 : i32
    %scan3A_36 = arith.addi %scan3A, %scan3A_35 : i32
    %scan3A_37 = arith.constant 1 : i32
    scf.for %scan3A_61 = %scan3A to %scan3A_36 step %scan3A_37  : i32 {
      %mul3A_62 = arith.constant 1 : i32
      %mul3A_63 = arith.muli %scan3A_61, %mul3A_62 : i32
      %add3A_64 = arith.constant 0 : i32
      %add3A_65 = arith.addi %add3A_64, %mul3A_63 : i32
      %mul3A_66 = arith.constant 2 : i32
      %mul3A_67 = arith.muli %mul3A_66, %add3A_65 : i32
      %dma_wait3A_68 = arith.constant 0 : i32
      %dma_wait3A_69 = arith.constant 0 : i32
      %dma_wait3A_70 = arith.constant 0 : i32
      %dma_wait3A_71 = tpu.memref_slice %arg10[%dma_wait3A_68, %dma_wait3A_69, %dma_wait3A_70] : memref<2x512x8xf32, #tpu.memory_space<vmem>> -> memref<1x512x8xf32, #tpu.memory_space<vmem>>
      %dma_wait3A_72 = tpu.memref_squeeze %dma_wait3A_71 : memref<1x512x8xf32, #tpu.memory_space<vmem>> -> memref<512x8xf32, #tpu.memory_space<vmem>>
      %dma_wait3A_73 = arith.constant 0 : i32
      %dma_wait3A_74 = arith.constant 0 : i32
      %dma_wait3A_75 = tpu.memref_slice %arg5[%dma_wait3A_73, %dma_wait3A_74] : memref<100096x16xf32, #tpu.memory_space<hbm>> -> memref<512x8xf32, #tpu.memory_space<hbm>>
      %dma_wait3A_76 = arith.constant 0 : i32
      %dma_wait3A_77 = arith.constant 0 : i32
      %dma_wait3A_78 = tpu.memref_slice %arg10[%dma_wait3A_68, %dma_wait3A_76, %dma_wait3A_77] : memref<2x512x8xf32, #tpu.memory_space<vmem>> -> memref<1x512x8xf32, #tpu.memory_space<vmem>>
      %dma_wait3A_79 = tpu.memref_squeeze %dma_wait3A_78 : memref<1x512x8xf32, #tpu.memory_space<vmem>> -> memref<512x8xf32, #tpu.memory_space<vmem>>
      %dma_wait3A_80 = arith.constant 0 : i32
      %dma_wait3A_81 = arith.constant 0 : i32
      %dma_wait3A_82 = tpu.memref_slice %arg5[%dma_wait3A_80, %dma_wait3A_81] : memref<100096x16xf32, #tpu.memory_space<hbm>> -> memref<512x8xf32, #tpu.memory_space<hbm>>
      tpu.wait_dma2 semaphore(%arg15 : memref<!tpu.dma_semaphore, #tpu.memory_space<semaphore_mem>>) src(%dma_wait3A_82 : memref<512x8xf32, #tpu.memory_space<hbm>>) dst(%dma_wait3A_79 : memref<512x8xf32, #tpu.memory_space<vmem>>)
      %add3A_83 = arith.constant 2 : i32
      %add3A_84 = arith.addi %mul3A_67, %add3A_83 : i32
      %lt3A = arith.constant 392 : i32
      %lt3A_85 = arith.cmpi slt, %add3A_84, %lt3A : i32
      %convert_element_type3A_86 = arith.extui %lt3A_85 : i1 to i32
      %cond3A_87 = arith.constant 0 : i32
      %cond3A_88 = arith.cmpi ne, %convert_element_type3A_86, %cond3A_87 : i32
      scf.if %cond3A_88 {
        %mul3A_172 = arith.constant 392 : i32
        %mul3A_173 = arith.muli %arg1, %mul3A_172 : i32
        %add3A_174 = arith.addi %mul3A_173, %mul3A_67 : i32
        %add3A_175 = arith.constant 2 : i32
        %add3A_176 = arith.addi %add3A_174, %add3A_175 : i32
        %dma_start3A_177 = arith.constant 0 : i32
        %dma_start3A_178 = arith.constant 0 : i32
        %dma_start3A_179 = tpu.memref_slice %arg8[%dma_start3A_177, %dma_start3A_178] : memref<2x512xi32, #tpu.memory_space<vmem>> -> memref<1x512xi32, #tpu.memory_space<vmem>>
        %dma_start3A_180 = tpu.memref_squeeze %dma_start3A_179 : memref<1x512xi32, #tpu.memory_space<vmem>> -> memref<512xi32, #tpu.memory_space<vmem>>
        %dma_start3A_181 = arith.constant 0 : i32
        %dma_start3A_182 = tpu.memref_slice %arg3[%add3A_176, %dma_start3A_181] : memref<6272x512xi32, #tpu.memory_space<hbm>> -> memref<1x512xi32, #tpu.memory_space<hbm>>
        %dma_start3A_183 = tpu.memref_squeeze %dma_start3A_182 : memref<1x512xi32, #tpu.memory_space<hbm>> -> memref<512xi32, #tpu.memory_space<hbm>>
        %dma_start3A_184 = arith.constant 0 : i32
        %dma_start3A_185 = tpu.memref_slice %arg8[%dma_start3A_177, %dma_start3A_184] : memref<2x512xi32, #tpu.memory_space<vmem>> -> memref<1x512xi32, #tpu.memory_space<vmem>>
        %dma_start3A_186 = tpu.memref_squeeze %dma_start3A_185 : memref<1x512xi32, #tpu.memory_space<vmem>> -> memref<512xi32, #tpu.memory_space<vmem>>
        %dma_start3A_187 = arith.constant 0 : i32
        %dma_start3A_188 = tpu.memref_slice %arg3[%add3A_176, %dma_start3A_187] : memref<6272x512xi32, #tpu.memory_space<hbm>> -> memref<1x512xi32, #tpu.memory_space<hbm>>
        %dma_start3A_189 = tpu.memref_squeeze %dma_start3A_188 : memref<1x512xi32, #tpu.memory_space<hbm>> -> memref<512xi32, #tpu.memory_space<hbm>>
        tpu.enqueue_dma source(%dma_start3A_189 : memref<512xi32, #tpu.memory_space<hbm>>) target(%dma_start3A_186 : memref<512xi32, #tpu.memory_space<vmem>>) target_semaphore(%arg13 : memref<!tpu.dma_semaphore, #tpu.memory_space<semaphore_mem>>)
      } else {
      }
      %ge3A = arith.constant 1 : i32
      %ge3A_89 = arith.cmpi sge, %mul3A_67, %ge3A : i32
      %convert_element_type3A_90 = arith.extui %ge3A_89 : i1 to i32
      %cond3A_91 = arith.constant 0 : i32
      %cond3A_92 = arith.cmpi ne, %convert_element_type3A_90, %cond3A_91 : i32
      scf.if %cond3A_92 {
        %dma_wait3A_172 = arith.constant 0 : i32
        %dma_wait3A_173 = arith.constant 0 : i32
        %dma_wait3A_174 = arith.constant 0 : i32
        %dma_wait3A_175 = tpu.memref_slice %arg10[%dma_wait3A_172, %dma_wait3A_173, %dma_wait3A_174] : memref<2x512x8xf32, #tpu.memory_space<vmem>> -> memref<1x512x8xf32, #tpu.memory_space<vmem>>
        %dma_wait3A_176 = tpu.memref_squeeze %dma_wait3A_175 : memref<1x512x8xf32, #tpu.memory_space<vmem>> -> memref<512x8xf32, #tpu.memory_space<vmem>>
        %dma_wait3A_177 = arith.constant 0 : i32
        %dma_wait3A_178 = arith.constant 0 : i32
        %dma_wait3A_179 = tpu.memref_slice %arg5[%dma_wait3A_177, %dma_wait3A_178] : memref<100096x16xf32, #tpu.memory_space<hbm>> -> memref<512x8xf32, #tpu.memory_space<hbm>>
        %dma_wait3A_180 = arith.constant 0 : i32
        %dma_wait3A_181 = arith.constant 0 : i32
        %dma_wait3A_182 = tpu.memref_slice %arg10[%dma_wait3A_172, %dma_wait3A_180, %dma_wait3A_181] : memref<2x512x8xf32, #tpu.memory_space<vmem>> -> memref<1x512x8xf32, #tpu.memory_space<vmem>>
        %dma_wait3A_183 = tpu.memref_squeeze %dma_wait3A_182 : memref<1x512x8xf32, #tpu.memory_space<vmem>> -> memref<512x8xf32, #tpu.memory_space<vmem>>
        %dma_wait3A_184 = arith.constant 0 : i32
        %dma_wait3A_185 = arith.constant 0 : i32
        %dma_wait3A_186 = tpu.memref_slice %arg5[%dma_wait3A_184, %dma_wait3A_185] : memref<100096x16xf32, #tpu.memory_space<hbm>> -> memref<512x8xf32, #tpu.memory_space<hbm>>
        tpu.wait_dma2 semaphore(%arg16 : memref<!tpu.dma_semaphore, #tpu.memory_space<semaphore_mem>>) src(%dma_wait3A_186 : memref<512x8xf32, #tpu.memory_space<hbm>>) dst(%dma_wait3A_183 : memref<512x8xf32, #tpu.memory_space<vmem>>)
      } else {
      }
      %add3A_93 = arith.constant 1 : i32
      %add3A_94 = arith.addi %mul3A_67, %add3A_93 : i32
      %lt3A_95 = arith.constant 392 : i32
      %lt3A_96 = arith.cmpi slt, %add3A_94, %lt3A_95 : i32
      %convert_element_type3A_97 = arith.extui %lt3A_96 : i1 to i32
      %cond3A_98 = arith.constant 0 : i32
      %cond3A_99 = arith.cmpi ne, %convert_element_type3A_97, %cond3A_98 : i32
      scf.if %cond3A_99 {
        %mul3A_172 = arith.constant 392 : i32
        %mul3A_173 = arith.muli %arg1, %mul3A_172 : i32
        %add3A_174 = arith.addi %mul3A_173, %mul3A_67 : i32
        %add3A_175 = arith.constant 1 : i32
        %add3A_176 = arith.addi %add3A_174, %add3A_175 : i32
        %dma_start3A_177 = arith.constant 1 : i32
        %dma_start3A_178 = arith.constant 0 : i32
        %dma_start3A_179 = tpu.memref_slice %arg9[%dma_start3A_177, %dma_start3A_178] : memref<2x512xi32, #tpu.memory_space<vmem>> -> memref<1x512xi32, #tpu.memory_space<vmem>>
        %dma_start3A_180 = tpu.memref_squeeze %dma_start3A_179 : memref<1x512xi32, #tpu.memory_space<vmem>> -> memref<512xi32, #tpu.memory_space<vmem>>
        %dma_start3A_181 = arith.constant 0 : i32
        %dma_start3A_182 = tpu.memref_slice %arg4[%add3A_176, %dma_start3A_181] : memref<6272x512xi32, #tpu.memory_space<hbm>> -> memref<1x512xi32, #tpu.memory_space<hbm>>
        %dma_start3A_183 = tpu.memref_squeeze %dma_start3A_182 : memref<1x512xi32, #tpu.memory_space<hbm>> -> memref<512xi32, #tpu.memory_space<hbm>>
        %dma_start3A_184 = arith.constant 0 : i32
        %dma_start3A_185 = tpu.memref_slice %arg9[%dma_start3A_177, %dma_start3A_184] : memref<2x512xi32, #tpu.memory_space<vmem>> -> memref<1x512xi32, #tpu.memory_space<vmem>>
        %dma_start3A_186 = tpu.memref_squeeze %dma_start3A_185 : memref<1x512xi32, #tpu.memory_space<vmem>> -> memref<512xi32, #tpu.memory_space<vmem>>
        %dma_start3A_187 = arith.constant 0 : i32
        %dma_start3A_188 = tpu.memref_slice %arg4[%add3A_176, %dma_start3A_187] : memref<6272x512xi32, #tpu.memory_space<hbm>> -> memref<1x512xi32, #tpu.memory_space<hbm>>
        %dma_start3A_189 = tpu.memref_squeeze %dma_start3A_188 : memref<1x512xi32, #tpu.memory_space<hbm>> -> memref<512xi32, #tpu.memory_space<hbm>>
        tpu.enqueue_dma source(%dma_start3A_189 : memref<512xi32, #tpu.memory_space<hbm>>) target(%dma_start3A_186 : memref<512xi32, #tpu.memory_space<vmem>>) target_semaphore(%arg14 : memref<!tpu.dma_semaphore, #tpu.memory_space<semaphore_mem>>)
        %dma_wait3A_190 = arith.constant 0 : i32
        %dma_wait3A_191 = arith.constant 0 : i32
        %dma_wait3A_192 = arith.constant 0 : i32
        %dma_wait3A_193 = tpu.memref_slice %arg8[%dma_wait3A_191, %dma_wait3A_192] : memref<2x512xi32, #tpu.memory_space<vmem>> -> memref<1x512xi32, #tpu.memory_space<vmem>>
        %dma_wait3A_194 = tpu.memref_squeeze %dma_wait3A_193 : memref<1x512xi32, #tpu.memory_space<vmem>> -> memref<512xi32, #tpu.memory_space<vmem>>
        %dma_wait3A_195 = arith.constant 0 : i32
        %dma_wait3A_196 = tpu.memref_slice %arg3[%dma_wait3A_190, %dma_wait3A_195] : memref<6272x512xi32, #tpu.memory_space<hbm>> -> memref<1x512xi32, #tpu.memory_space<hbm>>
        %dma_wait3A_197 = tpu.memref_squeeze %dma_wait3A_196 : memref<1x512xi32, #tpu.memory_space<hbm>> -> memref<512xi32, #tpu.memory_space<hbm>>
        %dma_wait3A_198 = arith.constant 0 : i32
        %dma_wait3A_199 = tpu.memref_slice %arg8[%dma_wait3A_191, %dma_wait3A_198] : memref<2x512xi32, #tpu.memory_space<vmem>> -> memref<1x512xi32, #tpu.memory_space<vmem>>
        %dma_wait3A_200 = tpu.memref_squeeze %dma_wait3A_199 : memref<1x512xi32, #tpu.memory_space<vmem>> -> memref<512xi32, #tpu.memory_space<vmem>>
        %dma_wait3A_201 = arith.constant 0 : i32
        %dma_wait3A_202 = tpu.memref_slice %arg3[%dma_wait3A_190, %dma_wait3A_201] : memref<6272x512xi32, #tpu.memory_space<hbm>> -> memref<1x512xi32, #tpu.memory_space<hbm>>
        %dma_wait3A_203 = tpu.memref_squeeze %dma_wait3A_202 : memref<1x512xi32, #tpu.memory_space<hbm>> -> memref<512xi32, #tpu.memory_space<hbm>>
        tpu.wait_dma2 semaphore(%arg13 : memref<!tpu.dma_semaphore, #tpu.memory_space<semaphore_mem>>) src(%dma_wait3A_203 : memref<512xi32, #tpu.memory_space<hbm>>) dst(%dma_wait3A_200 : memref<512xi32, #tpu.memory_space<vmem>>)
        %dma_start3A_204 = arith.constant 1 : i32
        %dma_start3A_205 = arith.constant 1 : i32
        %dma_start3A_206 = arith.constant 0 : i32
        %dma_start3A_207 = arith.constant 0 : i32
        %dma_start3A_208 = tpu.memref_slice %arg10[%dma_start3A_205, %dma_start3A_206, %dma_start3A_207] : memref<2x512x8xf32, #tpu.memory_space<vmem>> -> memref<1x512x8xf32, #tpu.memory_space<vmem>>
        %dma_start3A_209 = tpu.memref_squeeze %dma_start3A_208 : memref<1x512x8xf32, #tpu.memory_space<vmem>> -> memref<512x8xf32, #tpu.memory_space<vmem>>
        %dma_start3A_210 = arith.constant 0 : i32
        %dma_start3A_211 = tpu.memref_slice %arg8[%dma_start3A_204, %dma_start3A_210] : memref<2x512xi32, #tpu.memory_space<vmem>> -> memref<1x512xi32, #tpu.memory_space<vmem>>
        %dma_start3A_212 = tpu.memref_squeeze %dma_start3A_211 : memref<1x512xi32, #tpu.memory_space<vmem>> -> memref<512xi32, #tpu.memory_space<vmem>>
        %dma_start3A_213 = arith.constant 0 : i32
        %dma_start3A_214 = arith.constant 0 : i32
        %dma_start3A_215 = tpu.memref_slice %arg11[%dma_start3A_213, %dma_start3A_214] : memref<100096x8xf32, #tpu.memory_space<vmem_shared>> -> memref<100096x8xf32, #tpu.memory_space<vmem_shared>>
        tpu.enqueue_indirect_dma source(%dma_start3A_215 : memref<100096x8xf32, #tpu.memory_space<vmem_shared>>) target(%dma_start3A_209 : memref<512x8xf32, #tpu.memory_space<vmem>>) offsets(%dma_start3A_212 : memref<512xi32, #tpu.memory_space<vmem>>) semaphore(%arg15 : memref<!tpu.dma_semaphore, #tpu.memory_space<semaphore_mem>>)
      } else {
      }
      %ge3A_100 = arith.constant 1 : i32
      %ge3A_101 = arith.cmpi sge, %mul3A_67, %ge3A_100 : i32
      %convert_element_type3A_102 = arith.extui %ge3A_101 : i1 to i32
      %cond3A_103 = arith.constant 0 : i32
      %cond3A_104 = arith.cmpi ne, %convert_element_type3A_102, %cond3A_103 : i32
      scf.if %cond3A_104 {
        %dma_wait3A_172 = arith.constant 0 : i32
        %dma_wait3A_173 = arith.constant 0 : i32
        %dma_wait3A_174 = arith.constant 0 : i32
        %dma_wait3A_175 = tpu.memref_slice %arg9[%dma_wait3A_173, %dma_wait3A_174] : memref<2x512xi32, #tpu.memory_space<vmem>> -> memref<1x512xi32, #tpu.memory_space<vmem>>
        %dma_wait3A_176 = tpu.memref_squeeze %dma_wait3A_175 : memref<1x512xi32, #tpu.memory_space<vmem>> -> memref<512xi32, #tpu.memory_space<vmem>>
        %dma_wait3A_177 = arith.constant 0 : i32
        %dma_wait3A_178 = tpu.memref_slice %arg4[%dma_wait3A_172, %dma_wait3A_177] : memref<6272x512xi32, #tpu.memory_space<hbm>> -> memref<1x512xi32, #tpu.memory_space<hbm>>
        %dma_wait3A_179 = tpu.memref_squeeze %dma_wait3A_178 : memref<1x512xi32, #tpu.memory_space<hbm>> -> memref<512xi32, #tpu.memory_space<hbm>>
        %dma_wait3A_180 = arith.constant 0 : i32
        %dma_wait3A_181 = tpu.memref_slice %arg9[%dma_wait3A_173, %dma_wait3A_180] : memref<2x512xi32, #tpu.memory_space<vmem>> -> memref<1x512xi32, #tpu.memory_space<vmem>>
        %dma_wait3A_182 = tpu.memref_squeeze %dma_wait3A_181 : memref<1x512xi32, #tpu.memory_space<vmem>> -> memref<512xi32, #tpu.memory_space<vmem>>
        %dma_wait3A_183 = arith.constant 0 : i32
        %dma_wait3A_184 = tpu.memref_slice %arg4[%dma_wait3A_172, %dma_wait3A_183] : memref<6272x512xi32, #tpu.memory_space<hbm>> -> memref<1x512xi32, #tpu.memory_space<hbm>>
        %dma_wait3A_185 = tpu.memref_squeeze %dma_wait3A_184 : memref<1x512xi32, #tpu.memory_space<hbm>> -> memref<512xi32, #tpu.memory_space<hbm>>
        tpu.wait_dma2 semaphore(%arg14 : memref<!tpu.dma_semaphore, #tpu.memory_space<semaphore_mem>>) src(%dma_wait3A_185 : memref<512xi32, #tpu.memory_space<hbm>>) dst(%dma_wait3A_182 : memref<512xi32, #tpu.memory_space<vmem>>)
      } else {
      }
      %dma_start3A_105 = arith.constant 0 : i32
      %dma_start3A_106 = arith.constant 0 : i32
      %dma_start3A_107 = arith.constant 0 : i32
      %dma_start3A_108 = arith.constant 0 : i32
      %dma_start3A_109 = tpu.memref_slice %arg10[%dma_start3A_105, %dma_start3A_107, %dma_start3A_108] : memref<2x512x8xf32, #tpu.memory_space<vmem>> -> memref<1x512x8xf32, #tpu.memory_space<vmem>>
      %dma_start3A_110 = tpu.memref_squeeze %dma_start3A_109 : memref<1x512x8xf32, #tpu.memory_space<vmem>> -> memref<512x8xf32, #tpu.memory_space<vmem>>
      %dma_start3A_111 = arith.constant 0 : i32
      %dma_start3A_112 = tpu.memref_slice %arg9[%dma_start3A_106, %dma_start3A_111] : memref<2x512xi32, #tpu.memory_space<vmem>> -> memref<1x512xi32, #tpu.memory_space<vmem>>
      %dma_start3A_113 = tpu.memref_squeeze %dma_start3A_112 : memref<1x512xi32, #tpu.memory_space<vmem>> -> memref<512xi32, #tpu.memory_space<vmem>>
      %dma_start3A_114 = arith.constant 0 : i32
      %dma_start3A_115 = arith.constant 0 : i32
      %dma_start3A_116 = tpu.memref_slice %arg12[%dma_start3A_114, %dma_start3A_115] : memref<100096x8xf32, #tpu.memory_space<vmem_shared>> -> memref<100096x8xf32, #tpu.memory_space<vmem_shared>>
      tpu.enqueue_indirect_dma source(%dma_start3A_110 : memref<512x8xf32, #tpu.memory_space<vmem>>) target(%dma_start3A_116 : memref<100096x8xf32, #tpu.memory_space<vmem_shared>>) offsets(%dma_start3A_113 : memref<512xi32, #tpu.memory_space<vmem>>) semaphore(%arg16 : memref<!tpu.dma_semaphore, #tpu.memory_space<semaphore_mem>>) {add = true}
      %mul3A_117 = arith.constant 2 : i32
      %mul3A_118 = arith.muli %mul3A_117, %add3A_65 : i32
      %add3A_119 = arith.constant 1 : i32
      %add3A_120 = arith.addi %mul3A_118, %add3A_119 : i32
      %dma_wait3A_121 = arith.constant 0 : i32
      %dma_wait3A_122 = arith.constant 0 : i32
      %dma_wait3A_123 = arith.constant 0 : i32
      %dma_wait3A_124 = tpu.memref_slice %arg10[%dma_wait3A_121, %dma_wait3A_122, %dma_wait3A_123] : memref<2x512x8xf32, #tpu.memory_space<vmem>> -> memref<1x512x8xf32, #tpu.memory_space<vmem>>
      %dma_wait3A_125 = tpu.memref_squeeze %dma_wait3A_124 : memref<1x512x8xf32, #tpu.memory_space<vmem>> -> memref<512x8xf32, #tpu.memory_space<vmem>>
      %dma_wait3A_126 = arith.constant 0 : i32
      %dma_wait3A_127 = arith.constant 0 : i32
      %dma_wait3A_128 = tpu.memref_slice %arg5[%dma_wait3A_126, %dma_wait3A_127] : memref<100096x16xf32, #tpu.memory_space<hbm>> -> memref<512x8xf32, #tpu.memory_space<hbm>>
      %dma_wait3A_129 = arith.constant 0 : i32
      %dma_wait3A_130 = arith.constant 0 : i32
      %dma_wait3A_131 = tpu.memref_slice %arg10[%dma_wait3A_121, %dma_wait3A_129, %dma_wait3A_130] : memref<2x512x8xf32, #tpu.memory_space<vmem>> -> memref<1x512x8xf32, #tpu.memory_space<vmem>>
      %dma_wait3A_132 = tpu.memref_squeeze %dma_wait3A_131 : memref<1x512x8xf32, #tpu.memory_space<vmem>> -> memref<512x8xf32, #tpu.memory_space<vmem>>
      %dma_wait3A_133 = arith.constant 0 : i32
      %dma_wait3A_134 = arith.constant 0 : i32
      %dma_wait3A_135 = tpu.memref_slice %arg5[%dma_wait3A_133, %dma_wait3A_134] : memref<100096x16xf32, #tpu.memory_space<hbm>> -> memref<512x8xf32, #tpu.memory_space<hbm>>
      tpu.wait_dma2 semaphore(%arg15 : memref<!tpu.dma_semaphore, #tpu.memory_space<semaphore_mem>>) src(%dma_wait3A_135 : memref<512x8xf32, #tpu.memory_space<hbm>>) dst(%dma_wait3A_132 : memref<512x8xf32, #tpu.memory_space<vmem>>)
      %add3A_136 = arith.constant 2 : i32
      %add3A_137 = arith.addi %add3A_120, %add3A_136 : i32
      %lt3A_138 = arith.constant 392 : i32
      %lt3A_139 = arith.cmpi slt, %add3A_137, %lt3A_138 : i32
      %convert_element_type3A_140 = arith.extui %lt3A_139 : i1 to i32
      %cond3A_141 = arith.constant 0 : i32
      %cond3A_142 = arith.cmpi ne, %convert_element_type3A_140, %cond3A_141 : i32
      scf.if %cond3A_142 {
        %mul3A_172 = arith.constant 392 : i32
        %mul3A_173 = arith.muli %arg1, %mul3A_172 : i32
        %add3A_174 = arith.addi %mul3A_173, %add3A_120 : i32
        %add3A_175 = arith.constant 2 : i32
        %add3A_176 = arith.addi %add3A_174, %add3A_175 : i32
        %dma_start3A_177 = arith.constant 1 : i32
        %dma_start3A_178 = arith.constant 0 : i32
        %dma_start3A_179 = tpu.memref_slice %arg8[%dma_start3A_177, %dma_start3A_178] : memref<2x512xi32, #tpu.memory_space<vmem>> -> memref<1x512xi32, #tpu.memory_space<vmem>>
        %dma_start3A_180 = tpu.memref_squeeze %dma_start3A_179 : memref<1x512xi32, #tpu.memory_space<vmem>> -> memref<512xi32, #tpu.memory_space<vmem>>
        %dma_start3A_181 = arith.constant 0 : i32
        %dma_start3A_182 = tpu.memref_slice %arg3[%add3A_176, %dma_start3A_181] : memref<6272x512xi32, #tpu.memory_space<hbm>> -> memref<1x512xi32, #tpu.memory_space<hbm>>
        %dma_start3A_183 = tpu.memref_squeeze %dma_start3A_182 : memref<1x512xi32, #tpu.memory_space<hbm>> -> memref<512xi32, #tpu.memory_space<hbm>>
        %dma_start3A_184 = arith.constant 0 : i32
        %dma_start3A_185 = tpu.memref_slice %arg8[%dma_start3A_177, %dma_start3A_184] : memref<2x512xi32, #tpu.memory_space<vmem>> -> memref<1x512xi32, #tpu.memory_space<vmem>>
        %dma_start3A_186 = tpu.memref_squeeze %dma_start3A_185 : memref<1x512xi32, #tpu.memory_space<vmem>> -> memref<512xi32, #tpu.memory_space<vmem>>
        %dma_start3A_187 = arith.constant 0 : i32
        %dma_start3A_188 = tpu.memref_slice %arg3[%add3A_176, %dma_start3A_187] : memref<6272x512xi32, #tpu.memory_space<hbm>> -> memref<1x512xi32, #tpu.memory_space<hbm>>
        %dma_start3A_189 = tpu.memref_squeeze %dma_start3A_188 : memref<1x512xi32, #tpu.memory_space<hbm>> -> memref<512xi32, #tpu.memory_space<hbm>>
        tpu.enqueue_dma source(%dma_start3A_189 : memref<512xi32, #tpu.memory_space<hbm>>) target(%dma_start3A_186 : memref<512xi32, #tpu.memory_space<vmem>>) target_semaphore(%arg13 : memref<!tpu.dma_semaphore, #tpu.memory_space<semaphore_mem>>)
      } else {
      }
      %ge3A_143 = arith.constant 1 : i32
      %ge3A_144 = arith.cmpi sge, %add3A_120, %ge3A_143 : i32
      %convert_element_type3A_145 = arith.extui %ge3A_144 : i1 to i32
      %cond3A_146 = arith.constant 0 : i32
      %cond3A_147 = arith.cmpi ne, %convert_element_type3A_145, %cond3A_146 : i32
      scf.if %cond3A_147 {
        %dma_wait3A_172 = arith.constant 0 : i32
        %dma_wait3A_173 = arith.constant 0 : i32
        %dma_wait3A_174 = arith.constant 0 : i32
        %dma_wait3A_175 = tpu.memref_slice %arg10[%dma_wait3A_172, %dma_wait3A_173, %dma_wait3A_174] : memref<2x512x8xf32, #tpu.memory_space<vmem>> -> memref<1x512x8xf32, #tpu.memory_space<vmem>>
        %dma_wait3A_176 = tpu.memref_squeeze %dma_wait3A_175 : memref<1x512x8xf32, #tpu.memory_space<vmem>> -> memref<512x8xf32, #tpu.memory_space<vmem>>
        %dma_wait3A_177 = arith.constant 0 : i32
        %dma_wait3A_178 = arith.constant 0 : i32
        %dma_wait3A_179 = tpu.memref_slice %arg5[%dma_wait3A_177, %dma_wait3A_178] : memref<100096x16xf32, #tpu.memory_space<hbm>> -> memref<512x8xf32, #tpu.memory_space<hbm>>
        %dma_wait3A_180 = arith.constant 0 : i32
        %dma_wait3A_181 = arith.constant 0 : i32
        %dma_wait3A_182 = tpu.memref_slice %arg10[%dma_wait3A_172, %dma_wait3A_180, %dma_wait3A_181] : memref<2x512x8xf32, #tpu.memory_space<vmem>> -> memref<1x512x8xf32, #tpu.memory_space<vmem>>
        %dma_wait3A_183 = tpu.memref_squeeze %dma_wait3A_182 : memref<1x512x8xf32, #tpu.memory_space<vmem>> -> memref<512x8xf32, #tpu.memory_space<vmem>>
        %dma_wait3A_184 = arith.constant 0 : i32
        %dma_wait3A_185 = arith.constant 0 : i32
        %dma_wait3A_186 = tpu.memref_slice %arg5[%dma_wait3A_184, %dma_wait3A_185] : memref<100096x16xf32, #tpu.memory_space<hbm>> -> memref<512x8xf32, #tpu.memory_space<hbm>>
        tpu.wait_dma2 semaphore(%arg16 : memref<!tpu.dma_semaphore, #tpu.memory_space<semaphore_mem>>) src(%dma_wait3A_186 : memref<512x8xf32, #tpu.memory_space<hbm>>) dst(%dma_wait3A_183 : memref<512x8xf32, #tpu.memory_space<vmem>>)
      } else {
      }
      %add3A_148 = arith.constant 1 : i32
      %add3A_149 = arith.addi %add3A_120, %add3A_148 : i32
      %lt3A_150 = arith.constant 392 : i32
      %lt3A_151 = arith.cmpi slt, %add3A_149, %lt3A_150 : i32
      %convert_element_type3A_152 = arith.extui %lt3A_151 : i1 to i32
      %cond3A_153 = arith.constant 0 : i32
      %cond3A_154 = arith.cmpi ne, %convert_element_type3A_152, %cond3A_153 : i32
      scf.if %cond3A_154 {
        %mul3A_172 = arith.constant 392 : i32
        %mul3A_173 = arith.muli %arg1, %mul3A_172 : i32
        %add3A_174 = arith.addi %mul3A_173, %add3A_120 : i32
        %add3A_175 = arith.constant 1 : i32
        %add3A_176 = arith.addi %add3A_174, %add3A_175 : i32
        %dma_start3A_177 = arith.constant 0 : i32
        %dma_start3A_178 = arith.constant 0 : i32
        %dma_start3A_179 = tpu.memref_slice %arg9[%dma_start3A_177, %dma_start3A_178] : memref<2x512xi32, #tpu.memory_space<vmem>> -> memref<1x512xi32, #tpu.memory_space<vmem>>
        %dma_start3A_180 = tpu.memref_squeeze %dma_start3A_179 : memref<1x512xi32, #tpu.memory_space<vmem>> -> memref<512xi32, #tpu.memory_space<vmem>>
        %dma_start3A_181 = arith.constant 0 : i32
        %dma_start3A_182 = tpu.memref_slice %arg4[%add3A_176, %dma_start3A_181] : memref<6272x512xi32, #tpu.memory_space<hbm>> -> memref<1x512xi32, #tpu.memory_space<hbm>>
        %dma_start3A_183 = tpu.memref_squeeze %dma_start3A_182 : memref<1x512xi32, #tpu.memory_space<hbm>> -> memref<512xi32, #tpu.memory_space<hbm>>
        %dma_start3A_184 = arith.constant 0 : i32
        %dma_start3A_185 = tpu.memref_slice %arg9[%dma_start3A_177, %dma_start3A_184] : memref<2x512xi32, #tpu.memory_space<vmem>> -> memref<1x512xi32, #tpu.memory_space<vmem>>
        %dma_start3A_186 = tpu.memref_squeeze %dma_start3A_185 : memref<1x512xi32, #tpu.memory_space<vmem>> -> memref<512xi32, #tpu.memory_space<vmem>>
        %dma_start3A_187 = arith.constant 0 : i32
        %dma_start3A_188 = tpu.memref_slice %arg4[%add3A_176, %dma_start3A_187] : memref<6272x512xi32, #tpu.memory_space<hbm>> -> memref<1x512xi32, #tpu.memory_space<hbm>>
        %dma_start3A_189 = tpu.memref_squeeze %dma_start3A_188 : memref<1x512xi32, #tpu.memory_space<hbm>> -> memref<512xi32, #tpu.memory_space<hbm>>
        tpu.enqueue_dma source(%dma_start3A_189 : memref<512xi32, #tpu.memory_space<hbm>>) target(%dma_start3A_186 : memref<512xi32, #tpu.memory_space<vmem>>) target_semaphore(%arg14 : memref<!tpu.dma_semaphore, #tpu.memory_space<semaphore_mem>>)
        %dma_wait3A_190 = arith.constant 0 : i32
        %dma_wait3A_191 = arith.constant 0 : i32
        %dma_wait3A_192 = arith.constant 0 : i32
        %dma_wait3A_193 = tpu.memref_slice %arg8[%dma_wait3A_191, %dma_wait3A_192] : memref<2x512xi32, #tpu.memory_space<vmem>> -> memref<1x512xi32, #tpu.memory_space<vmem>>
        %dma_wait3A_194 = tpu.memref_squeeze %dma_wait3A_193 : memref<1x512xi32, #tpu.memory_space<vmem>> -> memref<512xi32, #tpu.memory_space<vmem>>
        %dma_wait3A_195 = arith.constant 0 : i32
        %dma_wait3A_196 = tpu.memref_slice %arg3[%dma_wait3A_190, %dma_wait3A_195] : memref<6272x512xi32, #tpu.memory_space<hbm>> -> memref<1x512xi32, #tpu.memory_space<hbm>>
        %dma_wait3A_197 = tpu.memref_squeeze %dma_wait3A_196 : memref<1x512xi32, #tpu.memory_space<hbm>> -> memref<512xi32, #tpu.memory_space<hbm>>
        %dma_wait3A_198 = arith.constant 0 : i32
        %dma_wait3A_199 = tpu.memref_slice %arg8[%dma_wait3A_191, %dma_wait3A_198] : memref<2x512xi32, #tpu.memory_space<vmem>> -> memref<1x512xi32, #tpu.memory_space<vmem>>
        %dma_wait3A_200 = tpu.memref_squeeze %dma_wait3A_199 : memref<1x512xi32, #tpu.memory_space<vmem>> -> memref<512xi32, #tpu.memory_space<vmem>>
        %dma_wait3A_201 = arith.constant 0 : i32
        %dma_wait3A_202 = tpu.memref_slice %arg3[%dma_wait3A_190, %dma_wait3A_201] : memref<6272x512xi32, #tpu.memory_space<hbm>> -> memref<1x512xi32, #tpu.memory_space<hbm>>
        %dma_wait3A_203 = tpu.memref_squeeze %dma_wait3A_202 : memref<1x512xi32, #tpu.memory_space<hbm>> -> memref<512xi32, #tpu.memory_space<hbm>>
        tpu.wait_dma2 semaphore(%arg13 : memref<!tpu.dma_semaphore, #tpu.memory_space<semaphore_mem>>) src(%dma_wait3A_203 : memref<512xi32, #tpu.memory_space<hbm>>) dst(%dma_wait3A_200 : memref<512xi32, #tpu.memory_space<vmem>>)
        %dma_start3A_204 = arith.constant 0 : i32
        %dma_start3A_205 = arith.constant 0 : i32
        %dma_start3A_206 = arith.constant 0 : i32
        %dma_start3A_207 = arith.constant 0 : i32
        %dma_start3A_208 = tpu.memref_slice %arg10[%dma_start3A_205, %dma_start3A_206, %dma_start3A_207] : memref<2x512x8xf32, #tpu.memory_space<vmem>> -> memref<1x512x8xf32, #tpu.memory_space<vmem>>
        %dma_start3A_209 = tpu.memref_squeeze %dma_start3A_208 : memref<1x512x8xf32, #tpu.memory_space<vmem>> -> memref<512x8xf32, #tpu.memory_space<vmem>>
        %dma_start3A_210 = arith.constant 0 : i32
        %dma_start3A_211 = tpu.memref_slice %arg8[%dma_start3A_204, %dma_start3A_210] : memref<2x512xi32, #tpu.memory_space<vmem>> -> memref<1x512xi32, #tpu.memory_space<vmem>>
        %dma_start3A_212 = tpu.memref_squeeze %dma_start3A_211 : memref<1x512xi32, #tpu.memory_space<vmem>> -> memref<512xi32, #tpu.memory_space<vmem>>
        %dma_start3A_213 = arith.constant 0 : i32
        %dma_start3A_214 = arith.constant 0 : i32
        %dma_start3A_215 = tpu.memref_slice %arg11[%dma_start3A_213, %dma_start3A_214] : memref<100096x8xf32, #tpu.memory_space<vmem_shared>> -> memref<100096x8xf32, #tpu.memory_space<vmem_shared>>
        tpu.enqueue_indirect_dma source(%dma_start3A_215 : memref<100096x8xf32, #tpu.memory_space<vmem_shared>>) target(%dma_start3A_209 : memref<512x8xf32, #tpu.memory_space<vmem>>) offsets(%dma_start3A_212 : memref<512xi32, #tpu.memory_space<vmem>>) semaphore(%arg15 : memref<!tpu.dma_semaphore, #tpu.memory_space<semaphore_mem>>)
      } else {
      }
      %ge3A_155 = arith.constant 1 : i32
      %ge3A_156 = arith.cmpi sge, %add3A_120, %ge3A_155 : i32
      %convert_element_type3A_157 = arith.extui %ge3A_156 : i1 to i32
      %cond3A_158 = arith.constant 0 : i32
      %cond3A_159 = arith.cmpi ne, %convert_element_type3A_157, %cond3A_158 : i32
      scf.if %cond3A_159 {
        %dma_wait3A_172 = arith.constant 0 : i32
        %dma_wait3A_173 = arith.constant 0 : i32
        %dma_wait3A_174 = arith.constant 0 : i32
        %dma_wait3A_175 = tpu.memref_slice %arg9[%dma_wait3A_173, %dma_wait3A_174] : memref<2x512xi32, #tpu.memory_space<vmem>> -> memref<1x512xi32, #tpu.memory_space<vmem>>
        %dma_wait3A_176 = tpu.memref_squeeze %dma_wait3A_175 : memref<1x512xi32, #tpu.memory_space<vmem>> -> memref<512xi32, #tpu.memory_space<vmem>>
        %dma_wait3A_177 = arith.constant 0 : i32
        %dma_wait3A_178 = tpu.memref_slice %arg4[%dma_wait3A_172, %dma_wait3A_177] : memref<6272x512xi32, #tpu.memory_space<hbm>> -> memref<1x512xi32, #tpu.memory_space<hbm>>
        %dma_wait3A_179 = tpu.memref_squeeze %dma_wait3A_178 : memref<1x512xi32, #tpu.memory_space<hbm>> -> memref<512xi32, #tpu.memory_space<hbm>>
        %dma_wait3A_180 = arith.constant 0 : i32
        %dma_wait3A_181 = tpu.memref_slice %arg9[%dma_wait3A_173, %dma_wait3A_180] : memref<2x512xi32, #tpu.memory_space<vmem>> -> memref<1x512xi32, #tpu.memory_space<vmem>>
        %dma_wait3A_182 = tpu.memref_squeeze %dma_wait3A_181 : memref<1x512xi32, #tpu.memory_space<vmem>> -> memref<512xi32, #tpu.memory_space<vmem>>
        %dma_wait3A_183 = arith.constant 0 : i32
        %dma_wait3A_184 = tpu.memref_slice %arg4[%dma_wait3A_172, %dma_wait3A_183] : memref<6272x512xi32, #tpu.memory_space<hbm>> -> memref<1x512xi32, #tpu.memory_space<hbm>>
        %dma_wait3A_185 = tpu.memref_squeeze %dma_wait3A_184 : memref<1x512xi32, #tpu.memory_space<hbm>> -> memref<512xi32, #tpu.memory_space<hbm>>
        tpu.wait_dma2 semaphore(%arg14 : memref<!tpu.dma_semaphore, #tpu.memory_space<semaphore_mem>>) src(%dma_wait3A_185 : memref<512xi32, #tpu.memory_space<hbm>>) dst(%dma_wait3A_182 : memref<512xi32, #tpu.memory_space<vmem>>)
      } else {
      }
      %dma_start3A_160 = arith.constant 1 : i32
      %dma_start3A_161 = arith.constant 1 : i32
      %dma_start3A_162 = arith.constant 0 : i32
      %dma_start3A_163 = arith.constant 0 : i32
      %dma_start3A_164 = tpu.memref_slice %arg10[%dma_start3A_160, %dma_start3A_162, %dma_start3A_163] : memref<2x512x8xf32, #tpu.memory_space<vmem>> -> memref<1x512x8xf32, #tpu.memory_space<vmem>>
      %dma_start3A_165 = tpu.memref_squeeze %dma_start3A_164 : memref<1x512x8xf32, #tpu.memory_space<vmem>> -> memref<512x8xf32, #tpu.memory_space<vmem>>
      %dma_start3A_166 = arith.constant 0 : i32
      %dma_start3A_167 = tpu.memref_slice %arg9[%dma_start3A_161, %dma_start3A_166] : memref<2x512xi32, #tpu.memory_space<vmem>> -> memref<1x512xi32, #tpu.memory_space<vmem>>
      %dma_start3A_168 = tpu.memref_squeeze %dma_start3A_167 : memref<1x512xi32, #tpu.memory_space<vmem>> -> memref<512xi32, #tpu.memory_space<vmem>>
      %dma_start3A_169 = arith.constant 0 : i32
      %dma_start3A_170 = arith.constant 0 : i32
      %dma_start3A_171 = tpu.memref_slice %arg12[%dma_start3A_169, %dma_start3A_170] : memref<100096x8xf32, #tpu.memory_space<vmem_shared>> -> memref<100096x8xf32, #tpu.memory_space<vmem_shared>>
      tpu.enqueue_indirect_dma source(%dma_start3A_165 : memref<512x8xf32, #tpu.memory_space<vmem>>) target(%dma_start3A_171 : memref<100096x8xf32, #tpu.memory_space<vmem_shared>>) offsets(%dma_start3A_168 : memref<512xi32, #tpu.memory_space<vmem>>) semaphore(%arg16 : memref<!tpu.dma_semaphore, #tpu.memory_space<semaphore_mem>>) {add = true}
    }
    %scan3A_38 = arith.constant 196 : i32
    %dma_wait3A = arith.constant 0 : i32
    %dma_wait3A_39 = arith.constant 0 : i32
    %dma_wait3A_40 = arith.constant 0 : i32
    %dma_wait3A_41 = tpu.memref_slice %arg10[%dma_wait3A, %dma_wait3A_39, %dma_wait3A_40] : memref<2x512x8xf32, #tpu.memory_space<vmem>> -> memref<1x512x8xf32, #tpu.memory_space<vmem>>
    %dma_wait3A_42 = tpu.memref_squeeze %dma_wait3A_41 : memref<1x512x8xf32, #tpu.memory_space<vmem>> -> memref<512x8xf32, #tpu.memory_space<vmem>>
    %dma_wait3A_43 = arith.constant 0 : i32
    %dma_wait3A_44 = arith.constant 0 : i32
    %dma_wait3A_45 = tpu.memref_slice %arg5[%dma_wait3A_43, %dma_wait3A_44] : memref<100096x16xf32, #tpu.memory_space<hbm>> -> memref<512x8xf32, #tpu.memory_space<hbm>>
    %dma_wait3A_46 = arith.constant 0 : i32
    %dma_wait3A_47 = arith.constant 0 : i32
    %dma_wait3A_48 = tpu.memref_slice %arg10[%dma_wait3A, %dma_wait3A_46, %dma_wait3A_47] : memref<2x512x8xf32, #tpu.memory_space<vmem>> -> memref<1x512x8xf32, #tpu.memory_space<vmem>>
    %dma_wait3A_49 = tpu.memref_squeeze %dma_wait3A_48 : memref<1x512x8xf32, #tpu.memory_space<vmem>> -> memref<512x8xf32, #tpu.memory_space<vmem>>
    %dma_wait3A_50 = arith.constant 0 : i32
    %dma_wait3A_51 = arith.constant 0 : i32
    %dma_wait3A_52 = tpu.memref_slice %arg5[%dma_wait3A_50, %dma_wait3A_51] : memref<100096x16xf32, #tpu.memory_space<hbm>> -> memref<512x8xf32, #tpu.memory_space<hbm>>
    tpu.wait_dma2 semaphore(%arg16 : memref<!tpu.dma_semaphore, #tpu.memory_space<semaphore_mem>>) src(%dma_wait3A_52 : memref<512x8xf32, #tpu.memory_space<hbm>>) dst(%dma_wait3A_49 : memref<512x8xf32, #tpu.memory_space<vmem>>)
    %barrier3A_53 = arith.constant 0 : index
    tpu.barrier barrier_id(%barrier3A_53)
    %eq3A = arith.constant 0 : i32
    %eq3A_54 = arith.cmpi eq, %arg0, %eq3A : i32
    %convert_element_type3A = arith.extui %eq3A_54 : i1 to i32
    %cond3A = arith.constant 0 : i32
    %cond3A_55 = arith.cmpi ne, %convert_element_type3A, %cond3A : i32
    scf.if %cond3A_55 {
      "tpu.region"() ({
        %run_scoped3A_61 = tpu.sem_alloc : memref<!tpu.dma_semaphore, #tpu.memory_space<semaphore_mem>>
        %dma_start3A_62 = arith.constant 0 : i32
        %dma_start3A_63 = tpu.memref_slice %arg6[%mul3A_0, %dma_start3A_62] : memref<100096x16xf32, #tpu.memory_space<hbm>> -> memref<6256x8xf32, #tpu.memory_space<hbm>>
        %dma_start3A_64 = arith.constant 0 : i32
        %dma_start3A_65 = tpu.memref_slice %arg12[%mul3A_0, %dma_start3A_64] : memref<100096x8xf32, #tpu.memory_space<vmem_shared>> -> memref<6256x8xf32, #tpu.memory_space<vmem_shared>>
        tpu.enqueue_dma source(%dma_start3A_65 : memref<6256x8xf32, #tpu.memory_space<vmem_shared>>) target(%dma_start3A_63 : memref<6256x8xf32, #tpu.memory_space<hbm>>) target_semaphore(%run_scoped3A_61 : memref<!tpu.dma_semaphore, #tpu.memory_space<semaphore_mem>>)
        %dma_wait3A_66 = arith.constant 0 : i32
        %dma_wait3A_67 = tpu.memref_slice %arg6[%mul3A_0, %dma_wait3A_66] : memref<100096x16xf32, #tpu.memory_space<hbm>> -> memref<6256x8xf32, #tpu.memory_space<hbm>>
        %dma_wait3A_68 = arith.constant 0 : i32
        %dma_wait3A_69 = tpu.memref_slice %arg12[%mul3A_0, %dma_wait3A_68] : memref<100096x8xf32, #tpu.memory_space<vmem_shared>> -> memref<6256x8xf32, #tpu.memory_space<vmem_shared>>
        tpu.wait_dma2 semaphore(%run_scoped3A_61 : memref<!tpu.dma_semaphore, #tpu.memory_space<semaphore_mem>>) src(%dma_wait3A_69 : memref<6256x8xf32, #tpu.memory_space<vmem_shared>>) dst(%dma_wait3A_67 : memref<6256x8xf32, #tpu.memory_space<hbm>>)
        tpu.yield
      }) : () -> ()
    } else {
    }
    %eq3A_56 = arith.constant 1 : i32
    %eq3A_57 = arith.cmpi eq, %arg0, %eq3A_56 : i32
    %convert_element_type3A_58 = arith.extui %eq3A_57 : i1 to i32
    %cond3A_59 = arith.constant 0 : i32
    %cond3A_60 = arith.cmpi ne, %convert_element_type3A_58, %cond3A_59 : i32
    scf.if %cond3A_60 {
      "tpu.region"() ({
        %run_scoped3A_61 = tpu.sem_alloc : memref<!tpu.dma_semaphore, #tpu.memory_space<semaphore_mem>>
        %dma_start3A_62 = arith.constant 8 : i32
        %dma_start3A_63 = tpu.memref_slice %arg7[%mul3A_0, %dma_start3A_62] : memref<100096x16xf32, #tpu.memory_space<hbm>> -> memref<6256x8xf32, #tpu.memory_space<hbm>>
        %dma_start3A_64 = arith.constant 0 : i32
        %dma_start3A_65 = tpu.memref_slice %arg12[%mul3A_0, %dma_start3A_64] : memref<100096x8xf32, #tpu.memory_space<vmem_shared>> -> memref<6256x8xf32, #tpu.memory_space<vmem_shared>>
        tpu.enqueue_dma source(%dma_start3A_65 : memref<6256x8xf32, #tpu.memory_space<vmem_shared>>) target(%dma_start3A_63 : memref<6256x8xf32, #tpu.memory_space<hbm>>) target_semaphore(%run_scoped3A_61 : memref<!tpu.dma_semaphore, #tpu.memory_space<semaphore_mem>>)
        %dma_wait3A_66 = arith.constant 8 : i32
        %dma_wait3A_67 = tpu.memref_slice %arg7[%mul3A_0, %dma_wait3A_66] : memref<100096x16xf32, #tpu.memory_space<hbm>> -> memref<6256x8xf32, #tpu.memory_space<hbm>>
        %dma_wait3A_68 = arith.constant 0 : i32
        %dma_wait3A_69 = tpu.memref_slice %arg12[%mul3A_0, %dma_wait3A_68] : memref<100096x8xf32, #tpu.memory_space<vmem_shared>> -> memref<6256x8xf32, #tpu.memory_space<vmem_shared>>
        tpu.wait_dma2 semaphore(%run_scoped3A_61 : memref<!tpu.dma_semaphore, #tpu.memory_space<semaphore_mem>>) src(%dma_wait3A_69 : memref<6256x8xf32, #tpu.memory_space<vmem_shared>>) dst(%dma_wait3A_67 : memref<6256x8xf32, #tpu.memory_space<hbm>>)
        tpu.yield
      }) : () -> ()
    } else {
    }
    return
  }
}

#map = affine_map<(d0, d1) -> (0, 0)>
#map1 = affine_map<(d0, d1) -> (0)>
module attributes {stable_mosaic.version = 14 : i64} {
  func.func @k(%arg0: i32, %arg1: i32, %arg2: memref<6272x512xi32, #tpu.memory_space<hbm>>, %arg3: memref<512xf32, #tpu.memory_space<hbm>>, %arg4: memref<100096xf32, #tpu.memory_space<hbm>>, %arg5: memref<100096x16xf32, #tpu.memory_space<hbm>>, %arg6: memref<100096x16xf32, #tpu.memory_space<hbm>>, %arg7: memref<2x512xi32, #tpu.memory_space<vmem>>, %arg8: memref<512xf32, #tpu.memory_space<vmem>>, %arg9: memref<6256xf32, #tpu.memory_space<vmem>>, %arg10: memref<6256x16xf32, #tpu.memory_space<vmem>>, %arg11: memref<100096xf32, #tpu.memory_space<vmem_shared>>, %arg12: memref<!tpu.dma_semaphore, #tpu.memory_space<semaphore_mem>>, %arg13: memref<!tpu.dma_semaphore, #tpu.memory_space<semaphore_mem>>) attributes {dimension_semantics = [#tpu.dimension_semantics<core_parallel>, #tpu.dimension_semantics<subcore_parallel>], iteration_bounds = array<i64: 2, 16>, scalar_prefetch = 0 : i64, scratch_operands = 7 : i64, tpu.core_type = #tpu.core_type<sc_vector_subcore>, window_params = [{transform_indices = #map}, {transform_indices = #map1}, {transform_indices = #map1}, {transform_indices = #map}, {transform_indices = #map}]} {
    %mul3A = arith.constant 16 : i32
    %mul3A_0 = arith.muli %arg0, %mul3A : i32
    %add3A = arith.addi %mul3A_0, %arg1 : i32
    "tpu.region"() ({
      %run_scoped3A_26 = tpu.sem_alloc : memref<!tpu.dma_semaphore, #tpu.memory_space<semaphore_mem>>
      tpu.enqueue_dma source(%arg3 : memref<512xf32, #tpu.memory_space<hbm>>) target(%arg8 : memref<512xf32, #tpu.memory_space<vmem>>) target_semaphore(%run_scoped3A_26 : memref<!tpu.dma_semaphore, #tpu.memory_space<semaphore_mem>>)
      tpu.wait_dma2 semaphore(%run_scoped3A_26 : memref<!tpu.dma_semaphore, #tpu.memory_space<semaphore_mem>>) src(%arg3 : memref<512xf32, #tpu.memory_space<hbm>>) dst(%arg8 : memref<512xf32, #tpu.memory_space<vmem>>)
      tpu.yield
    }) : () -> ()
    %mul3A_1 = arith.constant 6256 : i32
    %mul3A_2 = arith.muli %arg1, %mul3A_1 : i32
    %mul3A_3 = arith.constant 6256 : i32
    %mul3A_4 = arith.muli %arg1, %mul3A_3 : i32
    "tpu.region"() ({
      %run_scoped3A_26 = tpu.sem_alloc : memref<!tpu.dma_semaphore, #tpu.memory_space<semaphore_mem>>
      %dma_start3A = tpu.memref_slice %arg11[%mul3A_4] : memref<100096xf32, #tpu.memory_space<vmem_shared>> -> memref<6256xf32, #tpu.memory_space<vmem_shared>>
      %dma_start3A_27 = tpu.memref_slice %arg4[%mul3A_2] : memref<100096xf32, #tpu.memory_space<hbm>> -> memref<6256xf32, #tpu.memory_space<hbm>>
      tpu.enqueue_dma source(%dma_start3A_27 : memref<6256xf32, #tpu.memory_space<hbm>>) target(%dma_start3A : memref<6256xf32, #tpu.memory_space<vmem_shared>>) target_semaphore(%run_scoped3A_26 : memref<!tpu.dma_semaphore, #tpu.memory_space<semaphore_mem>>)
      %dma_wait3A = tpu.memref_slice %arg11[%mul3A_4] : memref<100096xf32, #tpu.memory_space<vmem_shared>> -> memref<6256xf32, #tpu.memory_space<vmem_shared>>
      %dma_wait3A_28 = tpu.memref_slice %arg4[%mul3A_2] : memref<100096xf32, #tpu.memory_space<hbm>> -> memref<6256xf32, #tpu.memory_space<hbm>>
      tpu.wait_dma2 semaphore(%run_scoped3A_26 : memref<!tpu.dma_semaphore, #tpu.memory_space<semaphore_mem>>) src(%dma_wait3A_28 : memref<6256xf32, #tpu.memory_space<hbm>>) dst(%dma_wait3A : memref<6256xf32, #tpu.memory_space<vmem_shared>>)
      tpu.yield
    }) : () -> ()
    %barrier3A = arith.constant 0 : index
    tpu.barrier barrier_id(%barrier3A)
    %mul3A_5 = arith.constant 196 : i32
    %mul3A_6 = arith.muli %add3A, %mul3A_5 : i32
    %run_scoped3A = arith.constant 0 : i32
    "tpu.region"() ({
      %run_scoped3A_26 = tpu.sem_alloc : memref<!tpu.dma_semaphore, #tpu.memory_space<semaphore_mem>>
      %dma_start3A = arith.constant 0 : i32
      %dma_start3A_27 = tpu.memref_slice %arg7[%run_scoped3A, %dma_start3A] : memref<2x512xi32, #tpu.memory_space<vmem>> -> memref<1x512xi32, #tpu.memory_space<vmem>>
      %dma_start3A_28 = tpu.memref_squeeze %dma_start3A_27 : memref<1x512xi32, #tpu.memory_space<vmem>> -> memref<512xi32, #tpu.memory_space<vmem>>
      %dma_start3A_29 = arith.constant 0 : i32
      %dma_start3A_30 = tpu.memref_slice %arg2[%mul3A_6, %dma_start3A_29] : memref<6272x512xi32, #tpu.memory_space<hbm>> -> memref<1x512xi32, #tpu.memory_space<hbm>>
      %dma_start3A_31 = tpu.memref_squeeze %dma_start3A_30 : memref<1x512xi32, #tpu.memory_space<hbm>> -> memref<512xi32, #tpu.memory_space<hbm>>
      %dma_start3A_32 = arith.constant 0 : i32
      %dma_start3A_33 = tpu.memref_slice %arg7[%run_scoped3A, %dma_start3A_32] : memref<2x512xi32, #tpu.memory_space<vmem>> -> memref<1x512xi32, #tpu.memory_space<vmem>>
      %dma_start3A_34 = tpu.memref_squeeze %dma_start3A_33 : memref<1x512xi32, #tpu.memory_space<vmem>> -> memref<512xi32, #tpu.memory_space<vmem>>
      %dma_start3A_35 = arith.constant 0 : i32
      %dma_start3A_36 = tpu.memref_slice %arg2[%mul3A_6, %dma_start3A_35] : memref<6272x512xi32, #tpu.memory_space<hbm>> -> memref<1x512xi32, #tpu.memory_space<hbm>>
      %dma_start3A_37 = tpu.memref_squeeze %dma_start3A_36 : memref<1x512xi32, #tpu.memory_space<hbm>> -> memref<512xi32, #tpu.memory_space<hbm>>
      tpu.enqueue_dma source(%dma_start3A_37 : memref<512xi32, #tpu.memory_space<hbm>>) target(%dma_start3A_34 : memref<512xi32, #tpu.memory_space<vmem>>) target_semaphore(%run_scoped3A_26 : memref<!tpu.dma_semaphore, #tpu.memory_space<semaphore_mem>>)
      %dma_wait3A = arith.constant 0 : i32
      %dma_wait3A_38 = tpu.memref_slice %arg7[%run_scoped3A, %dma_wait3A] : memref<2x512xi32, #tpu.memory_space<vmem>> -> memref<1x512xi32, #tpu.memory_space<vmem>>
      %dma_wait3A_39 = tpu.memref_squeeze %dma_wait3A_38 : memref<1x512xi32, #tpu.memory_space<vmem>> -> memref<512xi32, #tpu.memory_space<vmem>>
      %dma_wait3A_40 = arith.constant 0 : i32
      %dma_wait3A_41 = tpu.memref_slice %arg2[%mul3A_6, %dma_wait3A_40] : memref<6272x512xi32, #tpu.memory_space<hbm>> -> memref<1x512xi32, #tpu.memory_space<hbm>>
      %dma_wait3A_42 = tpu.memref_squeeze %dma_wait3A_41 : memref<1x512xi32, #tpu.memory_space<hbm>> -> memref<512xi32, #tpu.memory_space<hbm>>
      %dma_wait3A_43 = arith.constant 0 : i32
      %dma_wait3A_44 = tpu.memref_slice %arg7[%run_scoped3A, %dma_wait3A_43] : memref<2x512xi32, #tpu.memory_space<vmem>> -> memref<1x512xi32, #tpu.memory_space<vmem>>
      %dma_wait3A_45 = tpu.memref_squeeze %dma_wait3A_44 : memref<1x512xi32, #tpu.memory_space<vmem>> -> memref<512xi32, #tpu.memory_space<vmem>>
      %dma_wait3A_46 = arith.constant 0 : i32
      %dma_wait3A_47 = tpu.memref_slice %arg2[%mul3A_6, %dma_wait3A_46] : memref<6272x512xi32, #tpu.memory_space<hbm>> -> memref<1x512xi32, #tpu.memory_space<hbm>>
      %dma_wait3A_48 = tpu.memref_squeeze %dma_wait3A_47 : memref<1x512xi32, #tpu.memory_space<hbm>> -> memref<512xi32, #tpu.memory_space<hbm>>
      tpu.wait_dma2 semaphore(%run_scoped3A_26 : memref<!tpu.dma_semaphore, #tpu.memory_space<semaphore_mem>>) src(%dma_wait3A_48 : memref<512xi32, #tpu.memory_space<hbm>>) dst(%dma_wait3A_45 : memref<512xi32, #tpu.memory_space<vmem>>)
      tpu.yield
    }) : () -> ()
    %scan3A = arith.constant 0 : i32
    %scan3A_7 = arith.constant 98 : i32
    %scan3A_8 = arith.addi %scan3A, %scan3A_7 : i32
    %scan3A_9 = arith.constant 1 : i32
    scf.for %scan3A_26 = %scan3A to %scan3A_8 step %scan3A_9  : i32 {
      %mul3A_27 = arith.constant 1 : i32
      %mul3A_28 = arith.muli %scan3A_26, %mul3A_27 : i32
      %add3A_29 = arith.constant 0 : i32
      %add3A_30 = arith.addi %add3A_29, %mul3A_28 : i32
      %mul3A_31 = arith.constant 2 : i32
      %mul3A_32 = arith.muli %mul3A_31, %add3A_30 : i32
      %ge3A = arith.constant 1 : i32
      %ge3A_33 = arith.cmpi sge, %mul3A_32, %ge3A : i32
      %convert_element_type3A_34 = arith.extui %ge3A_33 : i1 to i32
      %cond3A_35 = arith.constant 0 : i32
      %cond3A_36 = arith.cmpi ne, %convert_element_type3A_34, %cond3A_35 : i32
      scf.if %cond3A_36 {
        %dma_wait3A = arith.constant 0 : i32
        %dma_wait3A_80 = arith.constant 0 : i32
        %dma_wait3A_81 = arith.constant 0 : i32
        %dma_wait3A_82 = tpu.memref_slice %arg7[%dma_wait3A_80, %dma_wait3A_81] : memref<2x512xi32, #tpu.memory_space<vmem>> -> memref<1x512xi32, #tpu.memory_space<vmem>>
        %dma_wait3A_83 = tpu.memref_squeeze %dma_wait3A_82 : memref<1x512xi32, #tpu.memory_space<vmem>> -> memref<512xi32, #tpu.memory_space<vmem>>
        %dma_wait3A_84 = arith.constant 0 : i32
        %dma_wait3A_85 = tpu.memref_slice %arg2[%dma_wait3A, %dma_wait3A_84] : memref<6272x512xi32, #tpu.memory_space<hbm>> -> memref<1x512xi32, #tpu.memory_space<hbm>>
        %dma_wait3A_86 = tpu.memref_squeeze %dma_wait3A_85 : memref<1x512xi32, #tpu.memory_space<hbm>> -> memref<512xi32, #tpu.memory_space<hbm>>
        %dma_wait3A_87 = arith.constant 0 : i32
        %dma_wait3A_88 = tpu.memref_slice %arg7[%dma_wait3A_80, %dma_wait3A_87] : memref<2x512xi32, #tpu.memory_space<vmem>> -> memref<1x512xi32, #tpu.memory_space<vmem>>
        %dma_wait3A_89 = tpu.memref_squeeze %dma_wait3A_88 : memref<1x512xi32, #tpu.memory_space<vmem>> -> memref<512xi32, #tpu.memory_space<vmem>>
        %dma_wait3A_90 = arith.constant 0 : i32
        %dma_wait3A_91 = tpu.memref_slice %arg2[%dma_wait3A, %dma_wait3A_90] : memref<6272x512xi32, #tpu.memory_space<hbm>> -> memref<1x512xi32, #tpu.memory_space<hbm>>
        %dma_wait3A_92 = tpu.memref_squeeze %dma_wait3A_91 : memref<1x512xi32, #tpu.memory_space<hbm>> -> memref<512xi32, #tpu.memory_space<hbm>>
        tpu.wait_dma2 semaphore(%arg12 : memref<!tpu.dma_semaphore, #tpu.memory_space<semaphore_mem>>) src(%dma_wait3A_92 : memref<512xi32, #tpu.memory_space<hbm>>) dst(%dma_wait3A_89 : memref<512xi32, #tpu.memory_space<vmem>>)
      } else {
      }
      %dma_start3A = arith.constant 0 : i32
      %dma_start3A_37 = arith.constant 0 : i32
      %dma_start3A_38 = tpu.memref_slice %arg7[%dma_start3A, %dma_start3A_37] : memref<2x512xi32, #tpu.memory_space<vmem>> -> memref<1x512xi32, #tpu.memory_space<vmem>>
      %dma_start3A_39 = tpu.memref_squeeze %dma_start3A_38 : memref<1x512xi32, #tpu.memory_space<vmem>> -> memref<512xi32, #tpu.memory_space<vmem>>
      %dma_start3A_40 = arith.constant 0 : i32
      %dma_start3A_41 = tpu.memref_slice %arg11[%dma_start3A_40] : memref<100096xf32, #tpu.memory_space<vmem_shared>> -> memref<100096xf32, #tpu.memory_space<vmem_shared>>
      tpu.enqueue_indirect_dma source(%arg8 : memref<512xf32, #tpu.memory_space<vmem>>) target(%dma_start3A_41 : memref<100096xf32, #tpu.memory_space<vmem_shared>>) offsets(%dma_start3A_39 : memref<512xi32, #tpu.memory_space<vmem>>) semaphore(%arg13 : memref<!tpu.dma_semaphore, #tpu.memory_space<semaphore_mem>>) {add = true}
      %ge3A_42 = arith.constant 1 : i32
      %ge3A_43 = arith.cmpi sge, %mul3A_32, %ge3A_42 : i32
      %convert_element_type3A_44 = arith.extui %ge3A_43 : i1 to i32
      %cond3A_45 = arith.constant 0 : i32
      %cond3A_46 = arith.cmpi ne, %convert_element_type3A_44, %cond3A_45 : i32
      scf.if %cond3A_46 {
        tpu.wait_dma2 semaphore(%arg13 : memref<!tpu.dma_semaphore, #tpu.memory_space<semaphore_mem>>) src(%arg3 : memref<512xf32, #tpu.memory_space<hbm>>) dst(%arg8 : memref<512xf32, #tpu.memory_space<vmem>>)
      } else {
      }
      %add3A_47 = arith.constant 1 : i32
      %add3A_48 = arith.addi %mul3A_32, %add3A_47 : i32
      %lt3A = arith.constant 196 : i32
      %lt3A_49 = arith.cmpi slt, %add3A_48, %lt3A : i32
      %convert_element_type3A_50 = arith.extui %lt3A_49 : i1 to i32
      %cond3A_51 = arith.constant 0 : i32
      %cond3A_52 = arith.cmpi ne, %convert_element_type3A_50, %cond3A_51 : i32
      scf.if %cond3A_52 {
        %mul3A_80 = arith.constant 196 : i32
        %mul3A_81 = arith.muli %add3A, %mul3A_80 : i32
        %add3A_82 = arith.addi %mul3A_81, %mul3A_32 : i32
        %add3A_83 = arith.constant 1 : i32
        %add3A_84 = arith.addi %add3A_82, %add3A_83 : i32
        %dma_start3A_85 = arith.constant 1 : i32
        %dma_start3A_86 = arith.constant 0 : i32
        %dma_start3A_87 = tpu.memref_slice %arg7[%dma_start3A_85, %dma_start3A_86] : memref<2x512xi32, #tpu.memory_space<vmem>> -> memref<1x512xi32, #tpu.memory_space<vmem>>
        %dma_start3A_88 = tpu.memref_squeeze %dma_start3A_87 : memref<1x512xi32, #tpu.memory_space<vmem>> -> memref<512xi32, #tpu.memory_space<vmem>>
        %dma_start3A_89 = arith.constant 0 : i32
        %dma_start3A_90 = tpu.memref_slice %arg2[%add3A_84, %dma_start3A_89] : memref<6272x512xi32, #tpu.memory_space<hbm>> -> memref<1x512xi32, #tpu.memory_space<hbm>>
        %dma_start3A_91 = tpu.memref_squeeze %dma_start3A_90 : memref<1x512xi32, #tpu.memory_space<hbm>> -> memref<512xi32, #tpu.memory_space<hbm>>
        %dma_start3A_92 = arith.constant 0 : i32
        %dma_start3A_93 = tpu.memref_slice %arg7[%dma_start3A_85, %dma_start3A_92] : memref<2x512xi32, #tpu.memory_space<vmem>> -> memref<1x512xi32, #tpu.memory_space<vmem>>
        %dma_start3A_94 = tpu.memref_squeeze %dma_start3A_93 : memref<1x512xi32, #tpu.memory_space<vmem>> -> memref<512xi32, #tpu.memory_space<vmem>>
        %dma_start3A_95 = arith.constant 0 : i32
        %dma_start3A_96 = tpu.memref_slice %arg2[%add3A_84, %dma_start3A_95] : memref<6272x512xi32, #tpu.memory_space<hbm>> -> memref<1x512xi32, #tpu.memory_space<hbm>>
        %dma_start3A_97 = tpu.memref_squeeze %dma_start3A_96 : memref<1x512xi32, #tpu.memory_space<hbm>> -> memref<512xi32, #tpu.memory_space<hbm>>
        tpu.enqueue_dma source(%dma_start3A_97 : memref<512xi32, #tpu.memory_space<hbm>>) target(%dma_start3A_94 : memref<512xi32, #tpu.memory_space<vmem>>) target_semaphore(%arg12 : memref<!tpu.dma_semaphore, #tpu.memory_space<semaphore_mem>>)
      } else {
      }
      %mul3A_53 = arith.constant 2 : i32
      %mul3A_54 = arith.muli %mul3A_53, %add3A_30 : i32
      %add3A_55 = arith.constant 1 : i32
      %add3A_56 = arith.addi %mul3A_54, %add3A_55 : i32
      %ge3A_57 = arith.constant 1 : i32
      %ge3A_58 = arith.cmpi sge, %add3A_56, %ge3A_57 : i32
      %convert_element_type3A_59 = arith.extui %ge3A_58 : i1 to i32
      %cond3A_60 = arith.constant 0 : i32
      %cond3A_61 = arith.cmpi ne, %convert_element_type3A_59, %cond3A_60 : i32
      scf.if %cond3A_61 {
        %dma_wait3A = arith.constant 0 : i32
        %dma_wait3A_80 = arith.constant 0 : i32
        %dma_wait3A_81 = arith.constant 0 : i32
        %dma_wait3A_82 = tpu.memref_slice %arg7[%dma_wait3A_80, %dma_wait3A_81] : memref<2x512xi32, #tpu.memory_space<vmem>> -> memref<1x512xi32, #tpu.memory_space<vmem>>
        %dma_wait3A_83 = tpu.memref_squeeze %dma_wait3A_82 : memref<1x512xi32, #tpu.memory_space<vmem>> -> memref<512xi32, #tpu.memory_space<vmem>>
        %dma_wait3A_84 = arith.constant 0 : i32
        %dma_wait3A_85 = tpu.memref_slice %arg2[%dma_wait3A, %dma_wait3A_84] : memref<6272x512xi32, #tpu.memory_space<hbm>> -> memref<1x512xi32, #tpu.memory_space<hbm>>
        %dma_wait3A_86 = tpu.memref_squeeze %dma_wait3A_85 : memref<1x512xi32, #tpu.memory_space<hbm>> -> memref<512xi32, #tpu.memory_space<hbm>>
        %dma_wait3A_87 = arith.constant 0 : i32
        %dma_wait3A_88 = tpu.memref_slice %arg7[%dma_wait3A_80, %dma_wait3A_87] : memref<2x512xi32, #tpu.memory_space<vmem>> -> memref<1x512xi32, #tpu.memory_space<vmem>>
        %dma_wait3A_89 = tpu.memref_squeeze %dma_wait3A_88 : memref<1x512xi32, #tpu.memory_space<vmem>> -> memref<512xi32, #tpu.memory_space<vmem>>
        %dma_wait3A_90 = arith.constant 0 : i32
        %dma_wait3A_91 = tpu.memref_slice %arg2[%dma_wait3A, %dma_wait3A_90] : memref<6272x512xi32, #tpu.memory_space<hbm>> -> memref<1x512xi32, #tpu.memory_space<hbm>>
        %dma_wait3A_92 = tpu.memref_squeeze %dma_wait3A_91 : memref<1x512xi32, #tpu.memory_space<hbm>> -> memref<512xi32, #tpu.memory_space<hbm>>
        tpu.wait_dma2 semaphore(%arg12 : memref<!tpu.dma_semaphore, #tpu.memory_space<semaphore_mem>>) src(%dma_wait3A_92 : memref<512xi32, #tpu.memory_space<hbm>>) dst(%dma_wait3A_89 : memref<512xi32, #tpu.memory_space<vmem>>)
      } else {
      }
      %dma_start3A_62 = arith.constant 1 : i32
      %dma_start3A_63 = arith.constant 0 : i32
      %dma_start3A_64 = tpu.memref_slice %arg7[%dma_start3A_62, %dma_start3A_63] : memref<2x512xi32, #tpu.memory_space<vmem>> -> memref<1x512xi32, #tpu.memory_space<vmem>>
      %dma_start3A_65 = tpu.memref_squeeze %dma_start3A_64 : memref<1x512xi32, #tpu.memory_space<vmem>> -> memref<512xi32, #tpu.memory_space<vmem>>
      %dma_start3A_66 = arith.constant 0 : i32
      %dma_start3A_67 = tpu.memref_slice %arg11[%dma_start3A_66] : memref<100096xf32, #tpu.memory_space<vmem_shared>> -> memref<100096xf32, #tpu.memory_space<vmem_shared>>
      tpu.enqueue_indirect_dma source(%arg8 : memref<512xf32, #tpu.memory_space<vmem>>) target(%dma_start3A_67 : memref<100096xf32, #tpu.memory_space<vmem_shared>>) offsets(%dma_start3A_65 : memref<512xi32, #tpu.memory_space<vmem>>) semaphore(%arg13 : memref<!tpu.dma_semaphore, #tpu.memory_space<semaphore_mem>>) {add = true}
      %ge3A_68 = arith.constant 1 : i32
      %ge3A_69 = arith.cmpi sge, %add3A_56, %ge3A_68 : i32
      %convert_element_type3A_70 = arith.extui %ge3A_69 : i1 to i32
      %cond3A_71 = arith.constant 0 : i32
      %cond3A_72 = arith.cmpi ne, %convert_element_type3A_70, %cond3A_71 : i32
      scf.if %cond3A_72 {
        tpu.wait_dma2 semaphore(%arg13 : memref<!tpu.dma_semaphore, #tpu.memory_space<semaphore_mem>>) src(%arg3 : memref<512xf32, #tpu.memory_space<hbm>>) dst(%arg8 : memref<512xf32, #tpu.memory_space<vmem>>)
      } else {
      }
      %add3A_73 = arith.constant 1 : i32
      %add3A_74 = arith.addi %add3A_56, %add3A_73 : i32
      %lt3A_75 = arith.constant 196 : i32
      %lt3A_76 = arith.cmpi slt, %add3A_74, %lt3A_75 : i32
      %convert_element_type3A_77 = arith.extui %lt3A_76 : i1 to i32
      %cond3A_78 = arith.constant 0 : i32
      %cond3A_79 = arith.cmpi ne, %convert_element_type3A_77, %cond3A_78 : i32
      scf.if %cond3A_79 {
        %mul3A_80 = arith.constant 196 : i32
        %mul3A_81 = arith.muli %add3A, %mul3A_80 : i32
        %add3A_82 = arith.addi %mul3A_81, %add3A_56 : i32
        %add3A_83 = arith.constant 1 : i32
        %add3A_84 = arith.addi %add3A_82, %add3A_83 : i32
        %dma_start3A_85 = arith.constant 0 : i32
        %dma_start3A_86 = arith.constant 0 : i32
        %dma_start3A_87 = tpu.memref_slice %arg7[%dma_start3A_85, %dma_start3A_86] : memref<2x512xi32, #tpu.memory_space<vmem>> -> memref<1x512xi32, #tpu.memory_space<vmem>>
        %dma_start3A_88 = tpu.memref_squeeze %dma_start3A_87 : memref<1x512xi32, #tpu.memory_space<vmem>> -> memref<512xi32, #tpu.memory_space<vmem>>
        %dma_start3A_89 = arith.constant 0 : i32
        %dma_start3A_90 = tpu.memref_slice %arg2[%add3A_84, %dma_start3A_89] : memref<6272x512xi32, #tpu.memory_space<hbm>> -> memref<1x512xi32, #tpu.memory_space<hbm>>
        %dma_start3A_91 = tpu.memref_squeeze %dma_start3A_90 : memref<1x512xi32, #tpu.memory_space<hbm>> -> memref<512xi32, #tpu.memory_space<hbm>>
        %dma_start3A_92 = arith.constant 0 : i32
        %dma_start3A_93 = tpu.memref_slice %arg7[%dma_start3A_85, %dma_start3A_92] : memref<2x512xi32, #tpu.memory_space<vmem>> -> memref<1x512xi32, #tpu.memory_space<vmem>>
        %dma_start3A_94 = tpu.memref_squeeze %dma_start3A_93 : memref<1x512xi32, #tpu.memory_space<vmem>> -> memref<512xi32, #tpu.memory_space<vmem>>
        %dma_start3A_95 = arith.constant 0 : i32
        %dma_start3A_96 = tpu.memref_slice %arg2[%add3A_84, %dma_start3A_95] : memref<6272x512xi32, #tpu.memory_space<hbm>> -> memref<1x512xi32, #tpu.memory_space<hbm>>
        %dma_start3A_97 = tpu.memref_squeeze %dma_start3A_96 : memref<1x512xi32, #tpu.memory_space<hbm>> -> memref<512xi32, #tpu.memory_space<hbm>>
        tpu.enqueue_dma source(%dma_start3A_97 : memref<512xi32, #tpu.memory_space<hbm>>) target(%dma_start3A_94 : memref<512xi32, #tpu.memory_space<vmem>>) target_semaphore(%arg12 : memref<!tpu.dma_semaphore, #tpu.memory_space<semaphore_mem>>)
      } else {
      }
    }
    %scan3A_10 = arith.constant 98 : i32
    tpu.wait_dma2 semaphore(%arg13 : memref<!tpu.dma_semaphore, #tpu.memory_space<semaphore_mem>>) src(%arg3 : memref<512xf32, #tpu.memory_space<hbm>>) dst(%arg8 : memref<512xf32, #tpu.memory_space<vmem>>)
    %barrier3A_11 = arith.constant 0 : index
    tpu.barrier barrier_id(%barrier3A_11)
    %mul3A_12 = arith.constant 6256 : i32
    %mul3A_13 = arith.muli %arg1, %mul3A_12 : i32
    "tpu.region"() ({
      %run_scoped3A_26 = tpu.sem_alloc : memref<!tpu.dma_semaphore, #tpu.memory_space<semaphore_mem>>
      %dma_start3A = tpu.memref_slice %arg11[%mul3A_13] : memref<100096xf32, #tpu.memory_space<vmem_shared>> -> memref<6256xf32, #tpu.memory_space<vmem_shared>>
      %dma_start3A_27 = tpu.memref_slice %arg11[%mul3A_13] : memref<100096xf32, #tpu.memory_space<vmem_shared>> -> memref<6256xf32, #tpu.memory_space<vmem_shared>>
      tpu.enqueue_dma source(%dma_start3A_27 : memref<6256xf32, #tpu.memory_space<vmem_shared>>) target(%arg9 : memref<6256xf32, #tpu.memory_space<vmem>>) target_semaphore(%run_scoped3A_26 : memref<!tpu.dma_semaphore, #tpu.memory_space<semaphore_mem>>)
      %dma_wait3A = tpu.memref_slice %arg11[%mul3A_13] : memref<100096xf32, #tpu.memory_space<vmem_shared>> -> memref<6256xf32, #tpu.memory_space<vmem_shared>>
      %dma_wait3A_28 = tpu.memref_slice %arg11[%mul3A_13] : memref<100096xf32, #tpu.memory_space<vmem_shared>> -> memref<6256xf32, #tpu.memory_space<vmem_shared>>
      tpu.wait_dma2 semaphore(%run_scoped3A_26 : memref<!tpu.dma_semaphore, #tpu.memory_space<semaphore_mem>>) src(%dma_wait3A_28 : memref<6256xf32, #tpu.memory_space<vmem_shared>>) dst(%arg9 : memref<6256xf32, #tpu.memory_space<vmem>>)
      tpu.yield
    }) : () -> ()
    %scan3A_14 = arith.constant 0 : i32
    %scan3A_15 = arith.constant 391 : i32
    %scan3A_16 = arith.addi %scan3A_14, %scan3A_15 : i32
    %scan3A_17 = arith.constant 1 : i32
    scf.for %scan3A_26 = %scan3A_14 to %scan3A_16 step %scan3A_17  : i32 {
      %mul3A_27 = arith.constant 1 : i32
      %mul3A_28 = arith.muli %scan3A_26, %mul3A_27 : i32
      %add3A_29 = arith.constant 0 : i32
      %add3A_30 = arith.addi %add3A_29, %mul3A_28 : i32
      %mul3A_31 = arith.constant 16 : i32
      %mul3A_32 = arith.muli %add3A_30, %mul3A_31 : i32
      %get3A = arith.index_cast %mul3A_32 : i32 to index
      %get3A_33 = tpu.vector_load %arg9[%get3A] {strides = array<i32>} : memref<6256xf32, #tpu.memory_space<vmem>>, vector<16xf32>,
      %get3A_34 = vector.shape_cast %get3A_33 : vector<16xf32> to vector<16xf32>
      %slice3A = vector.extract_strided_slice %get3A_34 {offsets = [0], sizes = [1], strides = [1]} : vector<16xf32> to vector<1xf32>
      %squeeze3A = vector.extract %slice3A[0] : f32 from vector<1xf32>
      %broadcast_in_dim3A = vector.broadcast %squeeze3A : f32 to vector<16xf32>
      %mul3A_35 = arith.constant 16 : i32
      %mul3A_36 = arith.muli %add3A_30, %mul3A_35 : i32
      %add3A_37 = arith.constant 0 : i32
      %add3A_38 = arith.addi %mul3A_36, %add3A_37 : i32
      %swap3A = arith.index_cast %add3A_38 : i32 to index
      %swap3A_39 = arith.constant 0 : index
      %swap3A_40 = tpu.vector_load %arg10[%swap3A, %swap3A_39] {strides = array<i32>} : memref<6256x16xf32, #tpu.memory_space<vmem>>, vector<1x16xf32>,
      %swap3A_41 = vector.shape_cast %swap3A_40 : vector<1x16xf32> to vector<16xf32>
      %swap3A_42 = vector.shape_cast %broadcast_in_dim3A : vector<16xf32> to vector<1x16xf32>
      tpu.vector_store %arg10[%swap3A, %swap3A_39], %swap3A_42 {strides = array<i32>} : memref<6256x16xf32, #tpu.memory_space<vmem>>, vector<1x16xf32>,
      %slice3A_43 = vector.extract_strided_slice %get3A_34 {offsets = [1], sizes = [1], strides = [1]} : vector<16xf32> to vector<1xf32>
      %squeeze3A_44 = vector.extract %slice3A_43[0] : f32 from vector<1xf32>
      %broadcast_in_dim3A_45 = vector.broadcast %squeeze3A_44 : f32 to vector<16xf32>
      %mul3A_46 = arith.constant 16 : i32
      %mul3A_47 = arith.muli %add3A_30, %mul3A_46 : i32
      %add3A_48 = arith.constant 1 : i32
      %add3A_49 = arith.addi %mul3A_47, %add3A_48 : i32
      %swap3A_50 = arith.index_cast %add3A_49 : i32 to index
      %swap3A_51 = arith.constant 0 : index
      %swap3A_52 = tpu.vector_load %arg10[%swap3A_50, %swap3A_51] {strides = array<i32>} : memref<6256x16xf32, #tpu.memory_space<vmem>>, vector<1x16xf32>,
      %swap3A_53 = vector.shape_cast %swap3A_52 : vector<1x16xf32> to vector<16xf32>
      %swap3A_54 = vector.shape_cast %broadcast_in_dim3A_45 : vector<16xf32> to vector<1x16xf32>
      tpu.vector_store %arg10[%swap3A_50, %swap3A_51], %swap3A_54 {strides = array<i32>} : memref<6256x16xf32, #tpu.memory_space<vmem>>, vector<1x16xf32>,
      %slice3A_55 = vector.extract_strided_slice %get3A_34 {offsets = [2], sizes = [1], strides = [1]} : vector<16xf32> to vector<1xf32>
      %squeeze3A_56 = vector.extract %slice3A_55[0] : f32 from vector<1xf32>
      %broadcast_in_dim3A_57 = vector.broadcast %squeeze3A_56 : f32 to vector<16xf32>
      %mul3A_58 = arith.constant 16 : i32
      %mul3A_59 = arith.muli %add3A_30, %mul3A_58 : i32
      %add3A_60 = arith.constant 2 : i32
      %add3A_61 = arith.addi %mul3A_59, %add3A_60 : i32
      %swap3A_62 = arith.index_cast %add3A_61 : i32 to index
      %swap3A_63 = arith.constant 0 : index
      %swap3A_64 = tpu.vector_load %arg10[%swap3A_62, %swap3A_63] {strides = array<i32>} : memref<6256x16xf32, #tpu.memory_space<vmem>>, vector<1x16xf32>,
      %swap3A_65 = vector.shape_cast %swap3A_64 : vector<1x16xf32> to vector<16xf32>
      %swap3A_66 = vector.shape_cast %broadcast_in_dim3A_57 : vector<16xf32> to vector<1x16xf32>
      tpu.vector_store %arg10[%swap3A_62, %swap3A_63], %swap3A_66 {strides = array<i32>} : memref<6256x16xf32, #tpu.memory_space<vmem>>, vector<1x16xf32>,
      %slice3A_67 = vector.extract_strided_slice %get3A_34 {offsets = [3], sizes = [1], strides = [1]} : vector<16xf32> to vector<1xf32>
      %squeeze3A_68 = vector.extract %slice3A_67[0] : f32 from vector<1xf32>
      %broadcast_in_dim3A_69 = vector.broadcast %squeeze3A_68 : f32 to vector<16xf32>
      %mul3A_70 = arith.constant 16 : i32
      %mul3A_71 = arith.muli %add3A_30, %mul3A_70 : i32
      %add3A_72 = arith.constant 3 : i32
      %add3A_73 = arith.addi %mul3A_71, %add3A_72 : i32
      %swap3A_74 = arith.index_cast %add3A_73 : i32 to index
      %swap3A_75 = arith.constant 0 : index
      %swap3A_76 = tpu.vector_load %arg10[%swap3A_74, %swap3A_75] {strides = array<i32>} : memref<6256x16xf32, #tpu.memory_space<vmem>>, vector<1x16xf32>,
      %swap3A_77 = vector.shape_cast %swap3A_76 : vector<1x16xf32> to vector<16xf32>
      %swap3A_78 = vector.shape_cast %broadcast_in_dim3A_69 : vector<16xf32> to vector<1x16xf32>
      tpu.vector_store %arg10[%swap3A_74, %swap3A_75], %swap3A_78 {strides = array<i32>} : memref<6256x16xf32, #tpu.memory_space<vmem>>, vector<1x16xf32>,
      %slice3A_79 = vector.extract_strided_slice %get3A_34 {offsets = [4], sizes = [1], strides = [1]} : vector<16xf32> to vector<1xf32>
      %squeeze3A_80 = vector.extract %slice3A_79[0] : f32 from vector<1xf32>
      %broadcast_in_dim3A_81 = vector.broadcast %squeeze3A_80 : f32 to vector<16xf32>
      %mul3A_82 = arith.constant 16 : i32
      %mul3A_83 = arith.muli %add3A_30, %mul3A_82 : i32
      %add3A_84 = arith.constant 4 : i32
      %add3A_85 = arith.addi %mul3A_83, %add3A_84 : i32
      %swap3A_86 = arith.index_cast %add3A_85 : i32 to index
      %swap3A_87 = arith.constant 0 : index
      %swap3A_88 = tpu.vector_load %arg10[%swap3A_86, %swap3A_87] {strides = array<i32>} : memref<6256x16xf32, #tpu.memory_space<vmem>>, vector<1x16xf32>,
      %swap3A_89 = vector.shape_cast %swap3A_88 : vector<1x16xf32> to vector<16xf32>
      %swap3A_90 = vector.shape_cast %broadcast_in_dim3A_81 : vector<16xf32> to vector<1x16xf32>
      tpu.vector_store %arg10[%swap3A_86, %swap3A_87], %swap3A_90 {strides = array<i32>} : memref<6256x16xf32, #tpu.memory_space<vmem>>, vector<1x16xf32>,
      %slice3A_91 = vector.extract_strided_slice %get3A_34 {offsets = [5], sizes = [1], strides = [1]} : vector<16xf32> to vector<1xf32>
      %squeeze3A_92 = vector.extract %slice3A_91[0] : f32 from vector<1xf32>
      %broadcast_in_dim3A_93 = vector.broadcast %squeeze3A_92 : f32 to vector<16xf32>
      %mul3A_94 = arith.constant 16 : i32
      %mul3A_95 = arith.muli %add3A_30, %mul3A_94 : i32
      %add3A_96 = arith.constant 5 : i32
      %add3A_97 = arith.addi %mul3A_95, %add3A_96 : i32
      %swap3A_98 = arith.index_cast %add3A_97 : i32 to index
      %swap3A_99 = arith.constant 0 : index
      %swap3A_100 = tpu.vector_load %arg10[%swap3A_98, %swap3A_99] {strides = array<i32>} : memref<6256x16xf32, #tpu.memory_space<vmem>>, vector<1x16xf32>,
      %swap3A_101 = vector.shape_cast %swap3A_100 : vector<1x16xf32> to vector<16xf32>
      %swap3A_102 = vector.shape_cast %broadcast_in_dim3A_93 : vector<16xf32> to vector<1x16xf32>
      tpu.vector_store %arg10[%swap3A_98, %swap3A_99], %swap3A_102 {strides = array<i32>} : memref<6256x16xf32, #tpu.memory_space<vmem>>, vector<1x16xf32>,
      %slice3A_103 = vector.extract_strided_slice %get3A_34 {offsets = [6], sizes = [1], strides = [1]} : vector<16xf32> to vector<1xf32>
      %squeeze3A_104 = vector.extract %slice3A_103[0] : f32 from vector<1xf32>
      %broadcast_in_dim3A_105 = vector.broadcast %squeeze3A_104 : f32 to vector<16xf32>
      %mul3A_106 = arith.constant 16 : i32
      %mul3A_107 = arith.muli %add3A_30, %mul3A_106 : i32
      %add3A_108 = arith.constant 6 : i32
      %add3A_109 = arith.addi %mul3A_107, %add3A_108 : i32
      %swap3A_110 = arith.index_cast %add3A_109 : i32 to index
      %swap3A_111 = arith.constant 0 : index
      %swap3A_112 = tpu.vector_load %arg10[%swap3A_110, %swap3A_111] {strides = array<i32>} : memref<6256x16xf32, #tpu.memory_space<vmem>>, vector<1x16xf32>,
      %swap3A_113 = vector.shape_cast %swap3A_112 : vector<1x16xf32> to vector<16xf32>
      %swap3A_114 = vector.shape_cast %broadcast_in_dim3A_105 : vector<16xf32> to vector<1x16xf32>
      tpu.vector_store %arg10[%swap3A_110, %swap3A_111], %swap3A_114 {strides = array<i32>} : memref<6256x16xf32, #tpu.memory_space<vmem>>, vector<1x16xf32>,
      %slice3A_115 = vector.extract_strided_slice %get3A_34 {offsets = [7], sizes = [1], strides = [1]} : vector<16xf32> to vector<1xf32>
      %squeeze3A_116 = vector.extract %slice3A_115[0] : f32 from vector<1xf32>
      %broadcast_in_dim3A_117 = vector.broadcast %squeeze3A_116 : f32 to vector<16xf32>
      %mul3A_118 = arith.constant 16 : i32
      %mul3A_119 = arith.muli %add3A_30, %mul3A_118 : i32
      %add3A_120 = arith.constant 7 : i32
      %add3A_121 = arith.addi %mul3A_119, %add3A_120 : i32
      %swap3A_122 = arith.index_cast %add3A_121 : i32 to index
      %swap3A_123 = arith.constant 0 : index
      %swap3A_124 = tpu.vector_load %arg10[%swap3A_122, %swap3A_123] {strides = array<i32>} : memref<6256x16xf32, #tpu.memory_space<vmem>>, vector<1x16xf32>,
      %swap3A_125 = vector.shape_cast %swap3A_124 : vector<1x16xf32> to vector<16xf32>
      %swap3A_126 = vector.shape_cast %broadcast_in_dim3A_117 : vector<16xf32> to vector<1x16xf32>
      tpu.vector_store %arg10[%swap3A_122, %swap3A_123], %swap3A_126 {strides = array<i32>} : memref<6256x16xf32, #tpu.memory_space<vmem>>, vector<1x16xf32>,
      %slice3A_127 = vector.extract_strided_slice %get3A_34 {offsets = [8], sizes = [1], strides = [1]} : vector<16xf32> to vector<1xf32>
      %squeeze3A_128 = vector.extract %slice3A_127[0] : f32 from vector<1xf32>
      %broadcast_in_dim3A_129 = vector.broadcast %squeeze3A_128 : f32 to vector<16xf32>
      %mul3A_130 = arith.constant 16 : i32
      %mul3A_131 = arith.muli %add3A_30, %mul3A_130 : i32
      %add3A_132 = arith.constant 8 : i32
      %add3A_133 = arith.addi %mul3A_131, %add3A_132 : i32
      %swap3A_134 = arith.index_cast %add3A_133 : i32 to index
      %swap3A_135 = arith.constant 0 : index
      %swap3A_136 = tpu.vector_load %arg10[%swap3A_134, %swap3A_135] {strides = array<i32>} : memref<6256x16xf32, #tpu.memory_space<vmem>>, vector<1x16xf32>,
      %swap3A_137 = vector.shape_cast %swap3A_136 : vector<1x16xf32> to vector<16xf32>
      %swap3A_138 = vector.shape_cast %broadcast_in_dim3A_129 : vector<16xf32> to vector<1x16xf32>
      tpu.vector_store %arg10[%swap3A_134, %swap3A_135], %swap3A_138 {strides = array<i32>} : memref<6256x16xf32, #tpu.memory_space<vmem>>, vector<1x16xf32>,
      %slice3A_139 = vector.extract_strided_slice %get3A_34 {offsets = [9], sizes = [1], strides = [1]} : vector<16xf32> to vector<1xf32>
      %squeeze3A_140 = vector.extract %slice3A_139[0] : f32 from vector<1xf32>
      %broadcast_in_dim3A_141 = vector.broadcast %squeeze3A_140 : f32 to vector<16xf32>
      %mul3A_142 = arith.constant 16 : i32
      %mul3A_143 = arith.muli %add3A_30, %mul3A_142 : i32
      %add3A_144 = arith.constant 9 : i32
      %add3A_145 = arith.addi %mul3A_143, %add3A_144 : i32
      %swap3A_146 = arith.index_cast %add3A_145 : i32 to index
      %swap3A_147 = arith.constant 0 : index
      %swap3A_148 = tpu.vector_load %arg10[%swap3A_146, %swap3A_147] {strides = array<i32>} : memref<6256x16xf32, #tpu.memory_space<vmem>>, vector<1x16xf32>,
      %swap3A_149 = vector.shape_cast %swap3A_148 : vector<1x16xf32> to vector<16xf32>
      %swap3A_150 = vector.shape_cast %broadcast_in_dim3A_141 : vector<16xf32> to vector<1x16xf32>
      tpu.vector_store %arg10[%swap3A_146, %swap3A_147], %swap3A_150 {strides = array<i32>} : memref<6256x16xf32, #tpu.memory_space<vmem>>, vector<1x16xf32>,
      %slice3A_151 = vector.extract_strided_slice %get3A_34 {offsets = [10], sizes = [1], strides = [1]} : vector<16xf32> to vector<1xf32>
      %squeeze3A_152 = vector.extract %slice3A_151[0] : f32 from vector<1xf32>
      %broadcast_in_dim3A_153 = vector.broadcast %squeeze3A_152 : f32 to vector<16xf32>
      %mul3A_154 = arith.constant 16 : i32
      %mul3A_155 = arith.muli %add3A_30, %mul3A_154 : i32
      %add3A_156 = arith.constant 10 : i32
      %add3A_157 = arith.addi %mul3A_155, %add3A_156 : i32
      %swap3A_158 = arith.index_cast %add3A_157 : i32 to index
      %swap3A_159 = arith.constant 0 : index
      %swap3A_160 = tpu.vector_load %arg10[%swap3A_158, %swap3A_159] {strides = array<i32>} : memref<6256x16xf32, #tpu.memory_space<vmem>>, vector<1x16xf32>,
      %swap3A_161 = vector.shape_cast %swap3A_160 : vector<1x16xf32> to vector<16xf32>
      %swap3A_162 = vector.shape_cast %broadcast_in_dim3A_153 : vector<16xf32> to vector<1x16xf32>
      tpu.vector_store %arg10[%swap3A_158, %swap3A_159], %swap3A_162 {strides = array<i32>} : memref<6256x16xf32, #tpu.memory_space<vmem>>, vector<1x16xf32>,
      %slice3A_163 = vector.extract_strided_slice %get3A_34 {offsets = [11], sizes = [1], strides = [1]} : vector<16xf32> to vector<1xf32>
      %squeeze3A_164 = vector.extract %slice3A_163[0] : f32 from vector<1xf32>
      %broadcast_in_dim3A_165 = vector.broadcast %squeeze3A_164 : f32 to vector<16xf32>
      %mul3A_166 = arith.constant 16 : i32
      %mul3A_167 = arith.muli %add3A_30, %mul3A_166 : i32
      %add3A_168 = arith.constant 11 : i32
      %add3A_169 = arith.addi %mul3A_167, %add3A_168 : i32
      %swap3A_170 = arith.index_cast %add3A_169 : i32 to index
      %swap3A_171 = arith.constant 0 : index
      %swap3A_172 = tpu.vector_load %arg10[%swap3A_170, %swap3A_171] {strides = array<i32>} : memref<6256x16xf32, #tpu.memory_space<vmem>>, vector<1x16xf32>,
      %swap3A_173 = vector.shape_cast %swap3A_172 : vector<1x16xf32> to vector<16xf32>
      %swap3A_174 = vector.shape_cast %broadcast_in_dim3A_165 : vector<16xf32> to vector<1x16xf32>
      tpu.vector_store %arg10[%swap3A_170, %swap3A_171], %swap3A_174 {strides = array<i32>} : memref<6256x16xf32, #tpu.memory_space<vmem>>, vector<1x16xf32>,
      %slice3A_175 = vector.extract_strided_slice %get3A_34 {offsets = [12], sizes = [1], strides = [1]} : vector<16xf32> to vector<1xf32>
      %squeeze3A_176 = vector.extract %slice3A_175[0] : f32 from vector<1xf32>
      %broadcast_in_dim3A_177 = vector.broadcast %squeeze3A_176 : f32 to vector<16xf32>
      %mul3A_178 = arith.constant 16 : i32
      %mul3A_179 = arith.muli %add3A_30, %mul3A_178 : i32
      %add3A_180 = arith.constant 12 : i32
      %add3A_181 = arith.addi %mul3A_179, %add3A_180 : i32
      %swap3A_182 = arith.index_cast %add3A_181 : i32 to index
      %swap3A_183 = arith.constant 0 : index
      %swap3A_184 = tpu.vector_load %arg10[%swap3A_182, %swap3A_183] {strides = array<i32>} : memref<6256x16xf32, #tpu.memory_space<vmem>>, vector<1x16xf32>,
      %swap3A_185 = vector.shape_cast %swap3A_184 : vector<1x16xf32> to vector<16xf32>
      %swap3A_186 = vector.shape_cast %broadcast_in_dim3A_177 : vector<16xf32> to vector<1x16xf32>
      tpu.vector_store %arg10[%swap3A_182, %swap3A_183], %swap3A_186 {strides = array<i32>} : memref<6256x16xf32, #tpu.memory_space<vmem>>, vector<1x16xf32>,
      %slice3A_187 = vector.extract_strided_slice %get3A_34 {offsets = [13], sizes = [1], strides = [1]} : vector<16xf32> to vector<1xf32>
      %squeeze3A_188 = vector.extract %slice3A_187[0] : f32 from vector<1xf32>
      %broadcast_in_dim3A_189 = vector.broadcast %squeeze3A_188 : f32 to vector<16xf32>
      %mul3A_190 = arith.constant 16 : i32
      %mul3A_191 = arith.muli %add3A_30, %mul3A_190 : i32
      %add3A_192 = arith.constant 13 : i32
      %add3A_193 = arith.addi %mul3A_191, %add3A_192 : i32
      %swap3A_194 = arith.index_cast %add3A_193 : i32 to index
      %swap3A_195 = arith.constant 0 : index
      %swap3A_196 = tpu.vector_load %arg10[%swap3A_194, %swap3A_195] {strides = array<i32>} : memref<6256x16xf32, #tpu.memory_space<vmem>>, vector<1x16xf32>,
      %swap3A_197 = vector.shape_cast %swap3A_196 : vector<1x16xf32> to vector<16xf32>
      %swap3A_198 = vector.shape_cast %broadcast_in_dim3A_189 : vector<16xf32> to vector<1x16xf32>
      tpu.vector_store %arg10[%swap3A_194, %swap3A_195], %swap3A_198 {strides = array<i32>} : memref<6256x16xf32, #tpu.memory_space<vmem>>, vector<1x16xf32>,
      %slice3A_199 = vector.extract_strided_slice %get3A_34 {offsets = [14], sizes = [1], strides = [1]} : vector<16xf32> to vector<1xf32>
      %squeeze3A_200 = vector.extract %slice3A_199[0] : f32 from vector<1xf32>
      %broadcast_in_dim3A_201 = vector.broadcast %squeeze3A_200 : f32 to vector<16xf32>
      %mul3A_202 = arith.constant 16 : i32
      %mul3A_203 = arith.muli %add3A_30, %mul3A_202 : i32
      %add3A_204 = arith.constant 14 : i32
      %add3A_205 = arith.addi %mul3A_203, %add3A_204 : i32
      %swap3A_206 = arith.index_cast %add3A_205 : i32 to index
      %swap3A_207 = arith.constant 0 : index
      %swap3A_208 = tpu.vector_load %arg10[%swap3A_206, %swap3A_207] {strides = array<i32>} : memref<6256x16xf32, #tpu.memory_space<vmem>>, vector<1x16xf32>,
      %swap3A_209 = vector.shape_cast %swap3A_208 : vector<1x16xf32> to vector<16xf32>
      %swap3A_210 = vector.shape_cast %broadcast_in_dim3A_201 : vector<16xf32> to vector<1x16xf32>
      tpu.vector_store %arg10[%swap3A_206, %swap3A_207], %swap3A_210 {strides = array<i32>} : memref<6256x16xf32, #tpu.memory_space<vmem>>, vector<1x16xf32>,
      %slice3A_211 = vector.extract_strided_slice %get3A_34 {offsets = [15], sizes = [1], strides = [1]} : vector<16xf32> to vector<1xf32>
      %squeeze3A_212 = vector.extract %slice3A_211[0] : f32 from vector<1xf32>
      %broadcast_in_dim3A_213 = vector.broadcast %squeeze3A_212 : f32 to vector<16xf32>
      %mul3A_214 = arith.constant 16 : i32
      %mul3A_215 = arith.muli %add3A_30, %mul3A_214 : i32
      %add3A_216 = arith.constant 15 : i32
      %add3A_217 = arith.addi %mul3A_215, %add3A_216 : i32
      %swap3A_218 = arith.index_cast %add3A_217 : i32 to index
      %swap3A_219 = arith.constant 0 : index
      %swap3A_220 = tpu.vector_load %arg10[%swap3A_218, %swap3A_219] {strides = array<i32>} : memref<6256x16xf32, #tpu.memory_space<vmem>>, vector<1x16xf32>,
      %swap3A_221 = vector.shape_cast %swap3A_220 : vector<1x16xf32> to vector<16xf32>
      %swap3A_222 = vector.shape_cast %broadcast_in_dim3A_213 : vector<16xf32> to vector<1x16xf32>
      tpu.vector_store %arg10[%swap3A_218, %swap3A_219], %swap3A_222 {strides = array<i32>} : memref<6256x16xf32, #tpu.memory_space<vmem>>, vector<1x16xf32>,
    }
    %scan3A_18 = arith.constant 391 : i32
    %eq3A = arith.constant 0 : i32
    %eq3A_19 = arith.cmpi eq, %arg0, %eq3A : i32
    %convert_element_type3A = arith.extui %eq3A_19 : i1 to i32
    %cond3A = arith.constant 0 : i32
    %cond3A_20 = arith.cmpi ne, %convert_element_type3A, %cond3A : i32
    scf.if %cond3A_20 {
      "tpu.region"() ({
        %run_scoped3A_26 = tpu.sem_alloc : memref<!tpu.dma_semaphore, #tpu.memory_space<semaphore_mem>>
        %dma_start3A = arith.constant 0 : i32
        %dma_start3A_27 = tpu.memref_slice %arg5[%mul3A_13, %dma_start3A] : memref<100096x16xf32, #tpu.memory_space<hbm>> -> memref<6256x16xf32, #tpu.memory_space<hbm>>
        %dma_start3A_28 = arith.constant 0 : i32
        %dma_start3A_29 = tpu.memref_slice %arg5[%mul3A_13, %dma_start3A_28] : memref<100096x16xf32, #tpu.memory_space<hbm>> -> memref<6256x16xf32, #tpu.memory_space<hbm>>
        tpu.enqueue_dma source(%arg10 : memref<6256x16xf32, #tpu.memory_space<vmem>>) target(%dma_start3A_29 : memref<6256x16xf32, #tpu.memory_space<hbm>>) target_semaphore(%run_scoped3A_26 : memref<!tpu.dma_semaphore, #tpu.memory_space<semaphore_mem>>)
        %dma_wait3A = arith.constant 0 : i32
        %dma_wait3A_30 = tpu.memref_slice %arg5[%mul3A_13, %dma_wait3A] : memref<100096x16xf32, #tpu.memory_space<hbm>> -> memref<6256x16xf32, #tpu.memory_space<hbm>>
        %dma_wait3A_31 = arith.constant 0 : i32
        %dma_wait3A_32 = tpu.memref_slice %arg5[%mul3A_13, %dma_wait3A_31] : memref<100096x16xf32, #tpu.memory_space<hbm>> -> memref<6256x16xf32, #tpu.memory_space<hbm>>
        tpu.wait_dma2 semaphore(%run_scoped3A_26 : memref<!tpu.dma_semaphore, #tpu.memory_space<semaphore_mem>>) src(%arg10 : memref<6256x16xf32, #tpu.memory_space<vmem>>) dst(%dma_wait3A_32 : memref<6256x16xf32, #tpu.memory_space<hbm>>)
        tpu.yield
      }) : () -> ()
    } else {
    }
    %eq3A_21 = arith.constant 1 : i32
    %eq3A_22 = arith.cmpi eq, %arg0, %eq3A_21 : i32
    %convert_element_type3A_23 = arith.extui %eq3A_22 : i1 to i32
    %cond3A_24 = arith.constant 0 : i32
    %cond3A_25 = arith.cmpi ne, %convert_element_type3A_23, %cond3A_24 : i32
    scf.if %cond3A_25 {
      "tpu.region"() ({
        %run_scoped3A_26 = tpu.sem_alloc : memref<!tpu.dma_semaphore, #tpu.memory_space<semaphore_mem>>
        %dma_start3A = arith.constant 0 : i32
        %dma_start3A_27 = tpu.memref_slice %arg6[%mul3A_13, %dma_start3A] : memref<100096x16xf32, #tpu.memory_space<hbm>> -> memref<6256x16xf32, #tpu.memory_space<hbm>>
        %dma_start3A_28 = arith.constant 0 : i32
        %dma_start3A_29 = tpu.memref_slice %arg6[%mul3A_13, %dma_start3A_28] : memref<100096x16xf32, #tpu.memory_space<hbm>> -> memref<6256x16xf32, #tpu.memory_space<hbm>>
        tpu.enqueue_dma source(%arg10 : memref<6256x16xf32, #tpu.memory_space<vmem>>) target(%dma_start3A_29 : memref<6256x16xf32, #tpu.memory_space<hbm>>) target_semaphore(%run_scoped3A_26 : memref<!tpu.dma_semaphore, #tpu.memory_space<semaphore_mem>>)
        %dma_wait3A = arith.constant 0 : i32
        %dma_wait3A_30 = tpu.memref_slice %arg6[%mul3A_13, %dma_wait3A] : memref<100096x16xf32, #tpu.memory_space<hbm>> -> memref<6256x16xf32, #tpu.memory_space<hbm>>
        %dma_wait3A_31 = arith.constant 0 : i32
        %dma_wait3A_32 = tpu.memref_slice %arg6[%mul3A_13, %dma_wait3A_31] : memref<100096x16xf32, #tpu.memory_space<hbm>> -> memref<6256x16xf32, #tpu.memory_space<hbm>>
        tpu.wait_dma2 semaphore(%run_scoped3A_26 : memref<!tpu.dma_semaphore, #tpu.memory_space<semaphore_mem>>) src(%arg10 : memref<6256x16xf32, #tpu.memory_space<vmem>>) dst(%dma_wait3A_32 : memref<6256x16xf32, #tpu.memory_space<hbm>>)
        tpu.yield
      }) : () -> ()
    } else {
    }
    return
  }
}

module attributes {stable_mosaic.version = 14 : i64} {
  func.func @body(%arg0: i32, %arg1: memref<2000x128xf32, #tpu.memory_space<vmem>>, %arg2: memref<128x16xf32, #tpu.memory_space<vmem>>, %arg3: memref<2000x16xf32, #tpu.memory_space<vmem>>) attributes {dimension_semantics = [#tpu.dimension_semantics<arbitrary>], iteration_bounds = array<i64: 50>, scalar_prefetch = 0 : i64, scratch_operands = 0 : i64, tpu.core_type = #tpu.core_type<tc>, window_params = [{transform_indices = @transform_0, window_bounds = array<i64: 2000, 128>}, {pipeline_mode = #tpu.pipeline_mode<synchronous>, transform_indices = @transform_1, window_bounds = array<i64: 128, 16>}, {transform_indices = @transform_2, window_bounds = array<i64: 2000, 16>}]} {
    %get3A = arith.constant 0 : index
    %get3A_0 = arith.constant 0 : index
    %get3A_1 = vector.load %arg1[%get3A, %get3A_0] : memref<2000x128xf32, #tpu.memory_space<vmem>>, vector<2000x128xf32>
    %get3A_2 = arith.constant 0 : index
    %get3A_3 = arith.constant 0 : index
    %get3A_4 = vector.load %arg2[%get3A_2, %get3A_3] : memref<128x16xf32, #tpu.memory_space<vmem>>, vector<128x16xf32>
    %dot_general3A = arith.constant dense<0.000000e+00> : vector<2000x16xf32>
    %dot_general3A_5 = tpu.matmul %get3A_1, %get3A_4, %dot_general3A {dimension_numbers = #tpu.dot_dimension_numbers<[1], [0], [0], [1], [0, 0, 1, 1], [], []>, transpose_lhs_hint = false} : vector<2000x128xf32>, vector<128x16xf32>, vector<2000x16xf32> -> vector<2000x16xf32>
    %swap3A = arith.constant 0 : index
    %swap3A_6 = arith.constant 0 : index
    %swap3A_7 = vector.load %arg3[%swap3A, %swap3A_6] : memref<2000x16xf32, #tpu.memory_space<vmem>>, vector<2000x16xf32>
    tpu.vector_store %arg3[%swap3A, %swap3A_6], %dot_general3A_5 {strides = array<i32>} : memref<2000x16xf32, #tpu.memory_space<vmem>>, vector<2000x16xf32>,
    return
  }
  func.func @transform_0(%arg0: i32) -> (i32, i32) {
    %c0_i32 = arith.constant 0 : i32
    %c0_i32_0 = arith.constant 0 : i32
    return %arg0, %c0_i32 : i32, i32
  }
  func.func @transform_1(%arg0: i32) -> (i32, i32) {
    %c0_i32 = arith.constant 0 : i32
    %c0_i32_0 = arith.constant 0 : i32
    %c0_i32_1 = arith.constant 0 : i32
    return %c0_i32, %c0_i32_0 : i32, i32
  }
  func.func @transform_2(%arg0: i32) -> (i32, i32) {
    %c0_i32 = arith.constant 0 : i32
    %c0_i32_0 = arith.constant 0 : i32
    return %arg0, %c0_i32 : i32, i32
  }
}

module attributes {stable_mosaic.version = 14 : i64} {
  func.func @body(%arg0: memref<12512x128xf32, #tpu.memory_space<vmem>>, %arg1: memref<12512x128xf32, #tpu.memory_space<vmem>>, %arg2: memref<12512x128xf32, #tpu.memory_space<vmem>>, %arg3: memref<12512x128xf32, #tpu.memory_space<vmem>>, %arg4: memref<12512x128xf32, #tpu.memory_space<vmem>>, %arg5: memref<12512x128xf32, #tpu.memory_space<vmem>>) attributes {dimension_semantics = [], scalar_prefetch = 0 : i64, scratch_operands = 0 : i64, tpu.core_type = #tpu.core_type<tc>} {
    %get3A = arith.constant 0 : index
    %get3A_0 = arith.constant 0 : index
    %get3A_1 = vector.load %arg0[%get3A, %get3A_0] : memref<12512x128xf32, #tpu.memory_space<vmem>>, vector<12512x128xf32>
    %get3A_2 = arith.constant 0 : index
    %get3A_3 = arith.constant 0 : index
    %get3A_4 = vector.load %arg1[%get3A_2, %get3A_3] : memref<12512x128xf32, #tpu.memory_space<vmem>>, vector<12512x128xf32>
    %add3A = arith.addf %get3A_1, %get3A_4 : vector<12512x128xf32>
    %gt3A = arith.constant 0.000000e+00 : f32
    %gt3A_5 = vector.broadcast %gt3A : f32 to vector<12512x128xf32>
    %gt3A_6 = arith.cmpf ogt, %add3A, %gt3A_5 : vector<12512x128xf32>
    %rsqrt3A = math.rsqrt %add3A : vector<12512x128xf32>
    %jit3A = arith.constant 0.000000e+00 : f32
    %broadcast_in_dim3A = vector.broadcast %jit3A : f32 to vector<12512x128xf32>
    %select_n3A = arith.select %gt3A_6, %rsqrt3A, %broadcast_in_dim3A : vector<12512x128xi1>, vector<12512x128xf32>
    %swap3A = arith.constant 0 : index
    %swap3A_7 = arith.constant 0 : index
    %swap3A_8 = vector.load %arg4[%swap3A, %swap3A_7] : memref<12512x128xf32, #tpu.memory_space<vmem>>, vector<12512x128xf32>
    tpu.vector_store %arg4[%swap3A, %swap3A_7], %select_n3A {strides = array<i32>} : memref<12512x128xf32, #tpu.memory_space<vmem>>, vector<12512x128xf32>,
    %div3A = arith.constant 1.000000e+00 : f32
    %div3A_9 = vector.broadcast %div3A : f32 to vector<12512x128xf32>
    %div3A_10 = arith.divf %div3A_9, %add3A : vector<12512x128xf32>
    %jit3A_11 = arith.constant 0.000000e+00 : f32
    %broadcast_in_dim3A_12 = vector.broadcast %jit3A_11 : f32 to vector<12512x128xf32>
    %select_n3A_13 = arith.select %gt3A_6, %div3A_10, %broadcast_in_dim3A_12 : vector<12512x128xi1>, vector<12512x128xf32>
    %swap3A_14 = arith.constant 0 : index
    %swap3A_15 = arith.constant 0 : index
    %swap3A_16 = vector.load %arg5[%swap3A_14, %swap3A_15] : memref<12512x128xf32, #tpu.memory_space<vmem>>, vector<12512x128xf32>
    tpu.vector_store %arg5[%swap3A_14, %swap3A_15], %select_n3A_13 {strides = array<i32>} : memref<12512x128xf32, #tpu.memory_space<vmem>>, vector<12512x128xf32>,
    %get3A_17 = arith.constant 0 : index
    %get3A_18 = arith.constant 0 : index
    %get3A_19 = vector.load %arg2[%get3A_17, %get3A_18] : memref<12512x128xf32, #tpu.memory_space<vmem>>, vector<12512x128xf32>
    %mul3A = arith.mulf %select_n3A, %get3A_19 : vector<12512x128xf32>
    %swap3A_20 = arith.constant 0 : index
    %swap3A_21 = arith.constant 0 : index
    %swap3A_22 = vector.load %arg3[%swap3A_20, %swap3A_21] : memref<12512x128xf32, #tpu.memory_space<vmem>>, vector<12512x128xf32>
    tpu.vector_store %arg3[%swap3A_20, %swap3A_21], %mul3A {strides = array<i32>} : memref<12512x128xf32, #tpu.memory_space<vmem>>, vector<12512x128xf32>,
    return
  }
}

module attributes {stable_mosaic.version = 14 : i64} {
  func.func @body(%arg0: memref<12512x128xf32, #tpu.memory_space<vmem>>, %arg1: memref<12512x128xf32, #tpu.memory_space<vmem>>, %arg2: memref<12512x128xf32, #tpu.memory_space<vmem>>, %arg3: memref<12512x128xf32, #tpu.memory_space<vmem>>) attributes {dimension_semantics = [], scalar_prefetch = 0 : i64, scratch_operands = 0 : i64, tpu.core_type = #tpu.core_type<tc>} {
    %iota3A = tpu.iota {dimensions = array<i32: 1>} : vector<12512x128xi32>
    %jit3A = arith.constant 16 : i32
    %eq3A = arith.constant 0 : i32
    %eq3A_0 = arith.cmpi eq, %jit3A, %eq3A : i32
    %jit3A_1 = arith.constant 1 : i32
    %select_n3A = arith.select %eq3A_0, %jit3A_1, %jit3A : i32
    %rem3A = vector.broadcast %select_n3A : i32 to vector<12512x128xi32>
    %rem3A_2 = arith.remsi %iota3A, %rem3A : vector<12512x128xi32>
    %ne3A = arith.constant 0 : i32
    %ne3A_3 = vector.broadcast %ne3A : i32 to vector<12512x128xi32>
    %ne3A_4 = arith.cmpi ne, %rem3A_2, %ne3A_3 : vector<12512x128xi32>
    %lt3A = arith.constant 0 : i32
    %lt3A_5 = vector.broadcast %lt3A : i32 to vector<12512x128xi32>
    %lt3A_6 = arith.cmpi slt, %rem3A_2, %lt3A_5 : vector<12512x128xi32>
    %lt3A_7 = arith.constant 0 : i32
    %lt3A_8 = arith.cmpi slt, %select_n3A, %lt3A_7 : i32
    %ne3A_9 = vector.broadcast %lt3A_8 : i1 to vector<12512x128xi1>
    %ne3A_10 = vector.broadcast %ne3A_9 : vector<12512x128xi1> to vector<12512x128xi1>
    %ne3A_11 = arith.xori %lt3A_6, %ne3A_10 : vector<12512x128xi1>
    %and3A = arith.andi %ne3A_11, %ne3A_4 : vector<12512x128xi1>
    %add3A = vector.broadcast %select_n3A : i32 to vector<12512x128xi32>
    %add3A_12 = arith.addi %rem3A_2, %add3A : vector<12512x128xi32>
    %select_n3A_13 = arith.select %and3A, %add3A_12, %rem3A_2 : vector<12512x128xi1>, vector<12512x128xi32>
    %lt3A_14 = arith.constant 8 : i32
    %lt3A_15 = vector.broadcast %lt3A_14 : i32 to vector<12512x128xi32>
    %lt3A_16 = arith.cmpi slt, %select_n3A_13, %lt3A_15 : vector<12512x128xi32>
    %get3A = arith.constant 0 : index
    %get3A_17 = arith.constant 0 : index
    %get3A_18 = vector.load %arg2[%get3A, %get3A_17] : memref<12512x128xf32, #tpu.memory_space<vmem>>, vector<12512x128xf32>
    %get3A_19 = arith.constant 0 : index
    %get3A_20 = arith.constant 0 : index
    %get3A_21 = vector.load %arg0[%get3A_19, %get3A_20] : memref<12512x128xf32, #tpu.memory_space<vmem>>, vector<12512x128xf32>
    %get3A_22 = arith.constant 0 : index
    %get3A_23 = arith.constant 0 : index
    %get3A_24 = vector.load %arg1[%get3A_22, %get3A_23] : memref<12512x128xf32, #tpu.memory_space<vmem>>, vector<12512x128xf32>
    %select_n3A_25 = arith.select %lt3A_16, %get3A_21, %get3A_24 : vector<12512x128xi1>, vector<12512x128xf32>
    %mul3A = arith.mulf %get3A_18, %select_n3A_25 : vector<12512x128xf32>
    %swap3A = arith.constant 0 : index
    %swap3A_26 = arith.constant 0 : index
    %swap3A_27 = vector.load %arg3[%swap3A, %swap3A_26] : memref<12512x128xf32, #tpu.memory_space<vmem>>, vector<12512x128xf32>
    tpu.vector_store %arg3[%swap3A, %swap3A_26], %mul3A {strides = array<i32>} : memref<12512x128xf32, #tpu.memory_space<vmem>>, vector<12512x128xf32>,
    return
  }
}

</mosaic_0001>

<sc_bundles>
// kernel: kernel.12.cloned.1.call-start
scs
__scs_entry_jumppad:
0x0: {  	(pc) =	sbr.rel $0x88, $3  }
0x1: {  	(tag) =	ssettag $0x0;
	lr =	simm.s32 $0x1  }
0x2: {  	[smem:$0x3F9E] =	sst lr;
	_ =	strace $0xD0000000  }
0x3: {  	_ = 	snop  }
0x4: {  	_ = 	snop  }
0x5: {  	_ = 	snop  }
0x6: {  	_ = 	snop  }
0x7: {  	_ = 	snop  }
__scs_overlays_trampoline_lowered:
0x8: {  	[smem:$0x3FAD] =	sst s0  }
0x9: {  	[smem:$0x3FAE] =	sst s1  }
0xa: {  	[smem:$0x3FAF] =	sst s2  }
0xb: {  	[smem:$0x3FB0] =	sst s3  }
0xc: {  	[smem:$0x3FB1] =	sst s4  }
0xd: {  	[smem:$0x3FB2] =	sst s5  }
0xe: {  	[smem:$0x3FB3] =	sst s6  }
0xf: {  	[smem:$0x3FB4] =	sst s7  }
0x10: {  	[smem:$0x3FB5] =	sst s8  }
0x11: {  	[smem:$0x3FB6] =	sst s9;
	s0 =	simm.s32 @!p0 $0x0  }
0x12: {  	s1 =	sld [smem:$0x3F9C];
	s0 =	simm.s32 @p0 $0x1  }
0x13: {  	[smem:$0x3FB7] =	sst s0;
	s0 =	simm.s32 @!p1 $0x0  }
0x14: {  	s2 =	sld [smem:$0x3F9B];
	s0 =	simm.s32 @p1 $0x1  }
0x15: {  	[smem:$0x3FB8] =	sst s0;
	s0 =	simm.s32 @!p2 $0x0  }
0x16: {  	s3 =	sld [smem:$0x3FDB];
	s0 =	simm.s32 @p2 $0x1  }
0x17: {  	s4 =	simm.s32 $0x1BF5;
	[smem:$0x3FBA] =	sst s0  }
0x18: {  	s0 =	sld [smem:$0x3F9D];
	_ =	swait.ge [sflag:s4], $0x0  }
0x19: {  	s7 =	sld [smem:$0x3F9E]  }
0x1a: {  	s8 =	sadd.s32 $0xFFFFE003, lr  }
0x1b: {  	s9 =	sadd.s32 $0xFFFFFEF7, lr;
	s5 =	simm.s32 $0xFFFFFFFF;
	p2 =	slt.u32 s8, $0xFFFFF086  }
0x1c: {  	p1 =	slt.u32 s9, $0xF7A;
	s5 =	simm.s32 @!p2 $0x0  }
0x1d: {  	s5 =	simm.s32 @p1 $0x1;
	p0 =	seq.s32 s7, s2  }
0x1e: {  	s7 =	smul.u32 @!p0 $0xF7A, s2;
	p2 =	seq.s32 @!p0 s5, $0x0  }
0x1f: {  	s9 =	smul.u32 $0xF7A, s1;
	s8 =	simm.s32 @!p0 $0x1BF5;
	p2 =	por !p2, p0  }
0x20: {  	[sflag:s8] =	ssyncset.s32 @!p0 $0xFFFFF086;
	s6 =	sadd.s32 @!p0 s3, s7;
	s7 =	simm.s32 @!p0 $0x108  }
0x21: {  	s3 =	sadd.s32 s3, s9;
	s6 =	sadd.s32 @!p0 $0x88, s6;
	s7 =	simm.s32 @p2 $0x1082  }
0x22: {  	[simem:s7], [sflag:s8] =	dma.local @!p0 [hbm:s6], $0xF7A  }
0x23: {  	s9 =	sor.u32 $0xD0000000, s2;
	s6 =	simm.s32 $0x108;
	_ =	swait.ge @!p0 [sflag:s8], $0x0  }
0x24: {  	s3 =	sadd.s32 $0x88, s3;
	s6 =	simm.s32 @!p1 $0x1082;
	[sflag:s4] =	ssyncset.s32 $0xFFFFF086  }
0x25: {  	[simem:s6], [sflag:s4] =	dma.local [hbm:s3], $0xF7A  }
0x26: {  	[smem:$0x3F9E] =	sst s1;
	(tag) =	ssettag s2;
	_ =	strace s9  }
0x27: {  	s1 =	sld [smem:$0x3FAE]  }
0x28: {  	s2 =	sld [smem:$0x3FAF]  }
0x29: {  	s4 =	sld [smem:$0x3FB1]  }
0x2a: {  	p0 =	seq.s32 s5, $0x0;
	s5 =	sld [smem:$0x3FB2]  }
0x2b: {  	s6 =	sld [smem:$0x3FB3]  }
0x2c: {  	s7 =	sld [smem:$0x3FB4]  }
0x2d: {  	s3 =	simm.s32 $0x108;
	s8 =	sld [smem:$0x3FB5]  }
0x2e: {  	s3 =	simm.s32 @!p0 $0x1082;
	s9 =	sld [smem:$0x3FB6]  }
0x2f: {  	lr =	sadd.s32 s0, s3;
	s0 =	sld [smem:$0x3FAD]  }
0x30: {  	s3 =	sld [smem:$0x3FB0]  }
0x31: {  	[smem:$0x3FB9] =	sst s10  }
0x32: {  	s10 =	sld [smem:$0x3FB7];
	_ =	sdelay $0x3  }
0x33: {  	p0 =	seq.s32 s10, $0x1;
	s10 =	sld [smem:$0x3FB9];
	_ =	sdelay $0x3  }
0x34: {  	[smem:$0x3FB9] =	sst s10  }
0x35: {  	s10 =	sld [smem:$0x3FB8];
	_ =	sdelay $0x3  }
0x36: {  	p1 =	seq.s32 s10, $0x1;
	s10 =	sld [smem:$0x3FB9];
	_ =	sdelay $0x3  }
0x37: {  	[smem:$0x3FB9] =	sst s10  }
0x38: {  	s10 =	sld [smem:$0x3FBA]  }
0x39: {  	_ = 	snop;
	(pc) =	sbr.ind lr, $3  }
0x3a: {  	_ = 	snop  }
0x3b: {  	_ = 	snop  }
0x3c: {  	p2 =	seq.s32 s10, $0x1;
	s10 =	sld [smem:$0x3FB9]  }
0x3d: {  	_ =	shalt  }
0x3e: {  	_ =	shalt  }
0x3f: {  	_ =	shalt  }
0x40: {  	_ =	shalt  }
0x41: {  	_ =	shalt  }
0x42: {  	_ =	shalt  }
0x43: {  	_ =	shalt  }
0x44: {  	_ =	shalt  }
0x45: {  	_ =	shalt  }
0x46: {  	_ =	shalt  }
0x47: {  	_ =	shalt  }
0x48: {  	_ =	shalt  }
0x49: {  	_ =	shalt  }
0x4a: {  	_ =	shalt  }
0x4b: {  	_ =	shalt  }
0x4c: {  	_ =	shalt  }
0x4d: {  	_ =	shalt  }
0x4e: {  	_ =	shalt  }
0x4f: {  	_ =	shalt  }
0x50: {  	_ =	shalt  }
0x51: {  	_ =	shalt  }
0x52: {  	_ =	shalt  }
0x53: {  	_ =	shalt  }
0x54: {  	_ =	shalt  }
0x55: {  	_ =	shalt  }
0x56: {  	_ =	shalt  }
0x57: {  	_ =	shalt  }
0x58: {  	_ =	shalt  }
0x59: {  	_ =	shalt  }
0x5a: {  	_ =	shalt  }
0x5b: {  	_ =	shalt  }
0x5c: {  	_ =	shalt  }
0x5d: {  	_ =	shalt  }
0x5e: {  	_ =	shalt  }
0x5f: {  	_ =	shalt  }
0x60: {  	_ =	shalt  }
0x61: {  	_ =	shalt  }
0x62: {  	_ =	shalt  }
0x63: {  	_ =	shalt  }
0x64: {  	_ =	shalt  }
0x65: {  	_ =	shalt  }
0x66: {  	_ =	shalt  }
0x67: {  	_ =	shalt  }
0x68: {  	_ =	shalt  }
0x69: {  	_ =	shalt  }
0x6a: {  	_ =	shalt  }
0x6b: {  	_ =	shalt  }
0x6c: {  	_ =	shalt  }
0x6d: {  	_ =	shalt  }
0x6e: {  	_ =	shalt  }
0x6f: {  	_ =	shalt  }
0x70: {  	_ =	shalt  }
0x71: {  	_ =	shalt  }
0x72: {  	_ =	shalt  }
0x73: {  	_ =	shalt  }
0x74: {  	_ =	shalt  }
0x75: {  	_ =	shalt  }
0x76: {  	_ =	shalt  }
0x77: {  	_ =	shalt  }
0x78: {  	_ =	shalt  }
0x79: {  	_ =	shalt  }
0x7a: {  	_ =	shalt  }
0x7b: {  	_ =	shalt  }
0x7c: {  	_ =	shalt  }
0x7d: {  	_ =	shalt  }
0x7e: {  	_ =	shalt  }
0x7f: {  	_ =	shalt  }
0x80: {  	_ =	shalt  }
0x81: {  	_ =	shalt  }
0x82: {  	_ =	shalt  }
0x83: {  	_ =	shalt  }
0x84: {  	_ =	shalt  }
0x85: {  	_ =	shalt  }
0x86: {  	_ =	shalt  }
0x87: {  	_ =	shalt  }
.Lfunc_end0:
.L_simem_size_0:
called_computation.1_lowered:
.L_overlay_start_0:
0x88: {  	s2 =	sld [smem:$0x3FD9]  }
0x89: {  	s3 =	sld [smem:$0x3FFE];
	_ =	sdelay $0x1  }
0x8a: {  	s1 =	srdreg.scid  }
0x8b: {  	s0 =	sand.u32 $0x1, s1  }
0x8c: {  	s17 =	sshll.u32 s0, $0xA;
	s2 =	sadd.s32 s3, s2  }
0x8d: {  	s2 =	sadd.s32 s2, s17  }
0x8e: {  	[smem:$0x3FC5] =	sst s2  }
0x8f: {  	_ = 	snop  }
0x90: {  	s2 =	sld [smem:$0x3FD0];
	(tm) =	ssettm $0x1  }
0x91: {  	s18 =	sld [smem:$0x3FFB];
	_ =	sdelay $0x3  }
0x92: {  	_ =	strace s18  }
0x93: {  	s3 =	sld [smem:$0x3FFC];
	_ =	sdelay $0x3  }
0x94: {  	_ =	strace s3  }
0x95: {  	s3 =	sld [smem:$0x3FFD];
	_ =	sdelay $0x3  }
0x96: {  	_ =	strace s3  }
0x97: {  	_ =	strace $0x8FFFFFFF  }
0x98: {  	s19 =	sld [smem:$0x3FDB];
	_ =	sdelay $0x1  }
0x99: {  	s4 =	simm.s32 $_scs_section_size  }
0x9a: {  	s5 =	simm.s32 $_size__tile_overlayer_lowered;
	s6 =	simm.s32 $_tile_overlayer_lowered  }
0x9b: {  	s22 =	simm.s32 $0x1BFF;
	s21 =	sshll.u32 s6, $0x1;
	s3 =	sadd.s32 s4, s19  }
0x9c: {  	s7 =	simm.s32 $0x0;
	s20 =	sshll.u32 s5, $0x1;
	s5 =	sadd.s32 s21, s3  }
0x9d: {  	[timem:s7], [sflag:s22] =	dma.local [hbm:s5], s20  }
0x9e: {  	_ =	swait.ge [sflag:s22], s20  }
0x9f: {  	s4 =	ssub.s32 $0x0, s20;
	[sflag:s22] =	ssyncset.done $0x0  }
0xa0: {  	[sflag:s22] =	ssyncadd.s32 s4;
	_ =	sdelay $0x1  }
0xa1: {  	s23 =	simm.s32 $0x1B8B  }
0xa2: {  	_ =	swait.ge [sflag:s23], $0x1  }
0xa3: {  	[sflag:s23] =	ssyncset.done $0x0  }
0xa4: {  	s25 =	simm.s32 $0x1B8E;
	s24 =	sld [smem:$0x3FFE];
	[sflag:s23] =	ssyncadd.s32 $0xFFFFFFFF  }
0xa5: {  	s26 =	simm.s32 $execute0_lowered;
	[smem:$0x3FD2] =	sst s25  }
0xa6: {  	s5 =	sshll.u32 s26, $0x1;
	_ =	strace $0x80000049;
	[dreg:$0x1] =	wrdreg $0xFFFFFFFF  }
0xa7: {  	s28 =	simm.s32 $_size_execute0_lowered;
	s3 =	sadd.s32 s3, s5;
	[dreg:$0x0] =	wrdreg $0x0  }
0xa8: {  	s5 =	sshll.u32 s28, $0x1;
	[dreg:$0x2] =	wrdreg s3  }
0xa9: {  	[dreg:$0x3] =	wrdreg s5  }
0xaa: {  	[dreg:$0x4] =	wrdreg $0xC0  }
0xab: {  	_ =	task [dreg:s7], $0x5FFFF  }
0xac: {  	[dreg:$0x1] =	wrdreg $0xFFFFFFFF  }
0xad: {  	[dreg:$0x0] =	wrdreg $0x60  }
0xae: {  	[dreg:$0x2] =	wrdreg s2  }
0xaf: {  	[dreg:$0x3] =	wrdreg s24  }
0xb0: {  	[dreg:$0x4] =	wrdreg $0x28000  }
0xb1: {  	[dreg:$0x5] =	wrdreg $0xEB800  }
0xb2: {  	[dreg:$0x6] =	wrdreg $0x9  }
0xb3: {  	_ =	task.clear_ibuf [dreg:s7], $0x7FFFF;
	_ =	strace $0x90000049  }
0xb4: {  	s29 =	simm.s32 $0x9;
	_ =	strace $0x8000004B  }
0xb5: {  	_ =	swait.ge [sflag:s29], $0x1  }
0xb6: {  	[sflag:s29] =	ssyncadd.s32 $0xFFFFFFFF  }
0xb7: {  	_ =	strace $0x9000004B  }
0xb8: {  	_ =	sfence  }
0xb9: {  	s30 =	sld [smem:$0x0];
	_ =	sdelay $0x2  }
0xba: {  	s31 =	sshll.u32 s1, $0xD;
	s1 =	sshrl.u32 s1, $0x2  }
0xbb: {  	s3 =	sand.u32 $0x4000, s31;
	s1 =	sadd.s32 s1, s30  }
0xbc: {  	s0 =	sor.u32 s3, s0;
	s1 =	sshll.u32 s1, $0x11  }
0xbd: {  	s0 =	sor.u32 s1, s0  }
0xbe: {  	s0 =	sadd.s32 $0x8F2B, s0  }
0xbf: {  	[sflag:s0] =	ssyncadd.remote.s32 $0x1  }
0xc0: {  	_ =	sfence.sel $0xFFFF  }
0xc1: {  	[dreg:$0x0] =	wrdreg $0xFFFFFFFF;
	(pc) =	sbr.abs _section_cstart, $3  }
0xc2: {  	[dreg:$0x1] =	wrdreg $0xFFFFFFFF  }
0xc3: {  	_ =	task.clear_ibuf [dreg:s7], $0x2FFFF;
	_ =	strace $0x9FFFFFFF  }
0xc4: {  	(tm) =	ssettm $0x7FFFFFFF  }
0xc5: {  	_ =	shalt  }
tec
execute0_lowered:
.L_overlay_start_1:
0x0: {  	(tag) =	ssettag $0x1  }
0x1: {  	s0 =	rddreg [dreg:$0x0]  }
0x2: {  	s1 =	rddreg [dreg:$0x1]  }
0x3: {  	s2 =	rddreg [dreg:$0x2]  }
0x4: {  	s3 =	rddreg [dreg:$0x3];
	s9 =	stileid.u32  }
0x5: {  	s4 =	simm.s32 $0x0;
	s5 =	srdreg.scid;
	s20 =	simm.s32 $0x18DA01  }
0x6: {  	s21 =	simm.s32 $0x2;
	s22 =	simm.s32 $0x5;
	s28 =	simm.s32 $0x600  }
0x7: {  	s29 =	simm.s32 $0x1800;
	s30 =	simm.s32 $0x4;
	s14 =	smul.u32 $0x6200, s9  }
0x8: {  	s31 =	simm.s32 $0x0;
	[smem:$0x7FF] =	sst s4;
	s6 =	smul.u32 $0x30E0, s9  }
0x9: {  	s12 =	sand.u32 $0x1, s5;
	s8 =	smul.u32 $0xC380, s9;
	s23 =	sshll.u32 s9, $0x6  }
0xa: {  	s26 =	sadd.s32 $0x2E80, s1;
	_ =	strace $0x8000004A;
	s5 =	ssub.s32 $0x2, s12  }
0xb: {  	s0 =	sadd.s32 s0, s12;
	p0 =	seq.s32 s12, $0x1;
	s11 =	sadd.s32 s14, s1  }
0xc: {  	s18 =	sadd.s32 s6, s1;
	s7 =	sshrl.u32 s5, $0x1;
	s19 =	sadd.s32 s8, s2  }
0xd: {  	s0 =	sadd.s32 s6, s0;
	s6 =	sor.u32 $0x1C05, s23;
	s24 =	sadd.s32 s8, s3  }
0xe: {  	s1 =	sadd.s32 $0xC9E40, s1;
	s16 =	sor.u32 $0x40, s14;
	s20 =	simm.s32 @!p0 $0x15CC00  }
0xf: {  	s23 =	simm.s32 $0x400;
	s13 =	ssub.s32 s5, s7;
	[dreg:$0x5] =	wrdreg s0  }
0x10: {  	[dreg:$0x6] =	wrdreg s24;
	s25 =	sadd.s32 $0x12BE00, s18;
	s9 =	sadd.s32 $0x2E00, s11  }
0x11: {  	s10 =	sadd.s32 $0xC9E00, s11;
	s11 =	sadd.s32 $0x2E40, s11;
	s15 =	sadd.s32 s16, s26  }
0x12: {  	s16 =	sadd.s32 s16, s1;
	s18 =	sadd.s32 s20, s18;
	s19 =	sshrl.u32 s19, $0x3  }
0x13: {  	s20 =	simm.s32 $0x1;
	s24 =	simm.s32 $0x200;
	[dreg:$0x7] =	wrdreg s25  }
0x14: {  	s12 =	smax.u32 s13, $0x1;
	s13 =	sadd.s32 s14, s26;
	s14 =	sadd.s32 s14, s1  }
0x15: {  	s25 =	simm.s32 $0x800;
	s26 =	simm.s32 $0x3;
	s17 =	sadd.s32 $0x6180, s14  }
.LBB2_1:
0x16: {  	s0 =	rddreg [dreg:$0x5]  }
0x17: {  	[spmem:s19@s20], [sflag:s6] =	dma.strided [hbm:s0@s21], $0x1870, s20, $0x1   }
0x18: {  	_ =	swait.ge [sflag:s22], $0x1870  }
0x19: {  	[sflag:s22] =	ssyncset.done $0x0;
	s7 =	rddreg [dreg:$0x6]  }
0x1a: {  	s1 =	rddreg [dreg:$0x7];
	[sflag:s22] =	ssyncadd.s32 $0xFFFFE790;
	s0 =	sshrl.u32 s7, $0x3  }
0x1b: {  	[spmem:s0@s20], [sflag:s6] =	dma.strided [hbm:s1@s21], $0x1870, s20, $0x1   }
0x1c: {  	_ =	swait.ge [sflag:s22], $0x1870  }
0x1d: {  	[sflag:s22] =	ssyncset.done $0x0  }
0x1e: {  	[sflag:s22] =	ssyncadd.s32 $0xFFFFE790  }
0x1f: {  	[bflag:$0x0] =	sbarrier.arrive $0xFFFF  }
0x20: {  	[tilespmem:s4], [sflag:$0x5] =	stream.linear.gather [hbm4b:s9+s4], $0x200, $0x38;
	[tilespmem:$0x1AF00] =	vst v63  }
0x21: {  	_ =	swait.ge [sflag:s22], $0x200  }
0x22: {  	[sflag:s22] =	ssyncset.done $0x0  }
0x23: {  	[sflag:s22] =	ssyncadd.s32 $0xFFFFFE00  }
0x24: {  	[tilespmem:s23], [sflag:$0x5] =	stream.linear.gather [hbm4b:s10+s4], $0x200, $0x38;
	[tilespmem:$0x1AF00] =	vst v63  }
0x25: {  	_ =	swait.ge [sflag:s22], $0x200  }
0x26: {  	[sflag:s22] =	ssyncset.done $0x0  }
0x27: {  	[sflag:s22] =	ssyncadd.s32 $0xFFFFFE00  }
0x28: {  	[tilespmem:s25], [sflag:$0x3] =	stream.indirect.gather [spmem:s2], $0x8, s4, s24, $0xb8;
	[tilespmem:$0x1AF00] =	vst v63  }
0x29: {  	_ = 	snop  }
0x2a: {  	[tilespmem:s24], [sflag:$0x1] =	stream.linear.gather [hbm4b:s11+s4], $0x200, $0x38;
	[tilespmem:$0x1AF00] =	vst v63  }
0x2b: {  	_ =	swait.ge [sflag:s26], $0x1000  }
0x2c: {  	[sflag:s26] =	ssyncset.done $0x0  }
0x2d: {  	[sflag:s26] =	ssyncadd.s32 $0xFFFFF000  }
0x2e: {  	[tilespmem:s4], [sflag:$0x1] =	stream.linear.gather [hbm4b:s13+s4], $0x200, $0x38;
	[tilespmem:$0x1AF00] =	vst v63  }
0x2f: {  	_ = 	snop  }
0x30: {  	[tilespmem:s28], [sflag:$0x2] =	stream.linear.gather [hbm4b:s14+s4], $0x200, $0x38;
	[tilespmem:$0x1AF00] =	vst v63  }
0x31: {  	_ =	swait.ge [sflag:s20], $0x200  }
0x32: {  	[sflag:s20] =	ssyncset.done $0x0  }
0x33: {  	[sflag:s20] =	ssyncadd.s32 $0xFFFFFE00  }
0x34: {  	[tilespmem:s29], [sflag:$0x3] =	stream.indirect.gather [spmem:s2], $0x8, s24, s24, $0xb8;
	[tilespmem:$0x1AF00] =	vst v63  }
0x35: {  	_ = 	snop  }
0x36: {  	[spmem:s3] =	stream.indirect.scatter.add.f32 [tilespmem:s25], [sflag:$0x4], $0x8, s23, s24, $0xb8;
	[tilespmem:$0x1AF00] =	vst v63  }
0x37: {  	_ =	swait.ge [sflag:s26], $0x1000  }
0x38: {  	[sflag:s26] =	ssyncset.done $0x0  }
0x39: {  	[sflag:s26] =	ssyncadd.s32 $0xFFFFF000  }
0x3a: {  	[tilespmem:s24], [sflag:$0x1] =	stream.linear.gather [hbm4b:s15+s4], $0x200, $0x38;
	[tilespmem:$0x1AF00] =	vst v63  }
0x3b: {  	_ =	swait.ge [sflag:s30], $0x1000  }
0x3c: {  	[sflag:s30] =	ssyncset.done $0x0  }
0x3d: {  	[sflag:s30] =	ssyncadd.s32 $0xFFFFF000  }
0x3e: {  	[tilespmem:s23], [sflag:$0x2] =	stream.linear.gather [hbm4b:s16+s4], $0x200, $0x38;
	[tilespmem:$0x1AF00] =	vst v63  }
0x3f: {  	_ =	swait.ge [sflag:s20], $0x200  }
0x40: {  	[sflag:s20] =	ssyncset.done $0x0  }
0x41: {  	[sflag:s20] =	ssyncadd.s32 $0xFFFFFE00  }
0x42: {  	[tilespmem:s25], [sflag:$0x3] =	stream.indirect.gather [spmem:s2], $0x8, s4, s24, $0xb8;
	[tilespmem:$0x1AF00] =	vst v63  }
0x43: {  	_ =	swait.ge [sflag:s21], $0x200  }
0x44: {  	[sflag:s21] =	ssyncset.done $0x0  }
0x45: {  	[sflag:s21] =	ssyncadd.s32 $0xFFFFFE00  }
0x46: {  	[spmem:s3] =	stream.indirect.scatter.add.f32 [tilespmem:s29], [sflag:$0x4], $0x8, s28, s24, $0xb8;
	[tilespmem:$0x1AF00] =	vst v63  }
0x47: {  	_ =	swait.ge [sflag:s26], $0x1000  }
0x48: {  	s1 =	sadd.s32 $0xFFFF9F00, s9;
	[sflag:s26] =	ssyncset.done $0x0  }
0x49: {  	s5 =	sadd.s32 $0x6200, s1;
	[sflag:s26] =	ssyncadd.s32 $0xFFFFF000  }
0x4a: {  	[tilespmem:s4], [sflag:$0x1] =	stream.linear.gather [hbm4b:s5+s4], $0x200, $0x38;
	[tilespmem:$0x1AF00] =	vst v63  }
0x4b: {  	_ =	swait.ge [sflag:s30], $0x1000  }
0x4c: {  	s8 =	sadd.s32 $0xFFFF9F00, s10;
	[sflag:s30] =	ssyncset.done $0x0  }
0x4d: {  	s7 =	sadd.s32 $0x61C0, s8;
	[sflag:s30] =	ssyncadd.s32 $0xFFFFF000  }
0x4e: {  	[tilespmem:s28], [sflag:$0x2] =	stream.linear.gather [hbm4b:s7+s4], $0x200, $0x38;
	[tilespmem:$0x1AF00] =	vst v63  }
0x4f: {  	_ =	swait.ge [sflag:s20], $0x200  }
0x50: {  	[sflag:s20] =	ssyncset.done $0x0  }
0x51: {  	[sflag:s20] =	ssyncadd.s32 $0xFFFFFE00  }
0x52: {  	[tilespmem:s29], [sflag:$0x3] =	stream.indirect.gather [spmem:s2], $0x8, s24, s24, $0xb8;
	[tilespmem:$0x1AF00] =	vst v63  }
0x53: {  	_ =	swait.ge [sflag:s21], $0x200  }
0x54: {  	[sflag:s21] =	ssyncset.done $0x0  }
0x55: {  	[sflag:s21] =	ssyncadd.s32 $0xFFFFFE00  }
0x56: {  	[spmem:s3] =	stream.indirect.scatter.add.f32 [tilespmem:s25], [sflag:$0x4], $0x8, s23, s24, $0xb8;
	[tilespmem:$0x1AF00] =	vst v63  }
0x57: {  	_ =	swait.ge [sflag:s26], $0x1000  }
0x58: {  	[sflag:s26] =	ssyncset.done $0x0  }
0x59: {  	s1 =	sadd.s32 $0x6240, s1;
	[sflag:s26] =	ssyncadd.s32 $0xFFFFF000  }
0x5a: {  	[tilespmem:s24], [sflag:$0x1] =	stream.linear.gather [hbm4b:s1+s4], $0x200, $0x38;
	[tilespmem:$0x1AF00] =	vst v63  }
0x5b: {  	_ =	swait.ge [sflag:s30], $0x1000  }
0x5c: {  	[sflag:s30] =	ssyncset.done $0x0  }
0x5d: {  	s8 =	sadd.s32 $0x6200, s8;
	[sflag:s30] =	ssyncadd.s32 $0xFFFFF000  }
0x5e: {  	[tilespmem:s23], [sflag:$0x2] =	stream.linear.gather [hbm4b:s8+s4], $0x200, $0x38;
	[tilespmem:$0x1AF00] =	vst v63  }
0x5f: {  	_ =	swait.ge [sflag:s20], $0x200  }
0x60: {  	[sflag:s20] =	ssyncset.done $0x0  }
0x61: {  	[sflag:s20] =	ssyncadd.s32 $0xFFFFFE00  }
0x62: {  	[tilespmem:s25], [sflag:$0x3] =	stream.indirect.gather [spmem:s2], $0x8, s4, s24, $0xb8;
	[tilespmem:$0x1AF00] =	vst v63  }
0x63: {  	_ =	swait.ge [sflag:s21], $0x200  }
0x64: {  	[sflag:s21] =	ssyncset.done $0x0  }
0x65: {  	s1 =	simm.s32 $0xFFFF9F80;
	[sflag:s21] =	ssyncadd.s32 $0xFFFFFE00  }
.LBB2_2:
0x66: {  	[spmem:s3] =	stream.indirect.scatter.add.f32 [tilespmem:s29], [sflag:$0x4], $0x8, s28, s24, $0xb8;
	[tilespmem:$0x1AF00] =	vst v63  }
0x67: {  	s5 =	smov.u32 s1  }
0x68: {  	p0 =	sne.s32 s1, $0xFFFFFF80;
	s1 =	sadd.s32 $0x80, s1;
	_ =	swait.ge [sflag:s26], $0x1000  }
0x69: {  	s7 =	sadd.s32 s5, s9;
	[sflag:s26] =	ssyncset.done $0x0  }
0x6a: {  	s8 =	sadd.s32 $0x6200, s7;
	[sflag:s26] =	ssyncadd.s32 $0xFFFFF000  }
0x6b: {  	[tilespmem:s4], [sflag:$0x1] =	stream.linear.gather [hbm4b:s8+s4], $0x200, $0x38;
	[tilespmem:$0x1AF00] =	vst v63  }
0x6c: {  	_ =	swait.ge [sflag:s30], $0x1000  }
0x6d: {  	s5 =	sadd.s32 s5, s10;
	[sflag:s30] =	ssyncset.done $0x0  }
0x6e: {  	s8 =	sadd.s32 $0x61C0, s5;
	[sflag:s30] =	ssyncadd.s32 $0xFFFFF000  }
0x6f: {  	[tilespmem:s28], [sflag:$0x2] =	stream.linear.gather [hbm4b:s8+s4], $0x200, $0x38;
	[tilespmem:$0x1AF00] =	vst v63  }
0x70: {  	_ =	swait.ge [sflag:s20], $0x200  }
0x71: {  	[sflag:s20] =	ssyncset.done $0x0  }
0x72: {  	[sflag:s20] =	ssyncadd.s32 $0xFFFFFE00  }
0x73: {  	[tilespmem:s29], [sflag:$0x3] =	stream.indirect.gather [spmem:s2], $0x8, s24, s24, $0xb8;
	[tilespmem:$0x1AF00] =	vst v63  }
0x74: {  	_ =	swait.ge [sflag:s21], $0x200  }
0x75: {  	[sflag:s21] =	ssyncset.done $0x0  }
0x76: {  	[sflag:s21] =	ssyncadd.s32 $0xFFFFFE00  }
0x77: {  	[spmem:s3] =	stream.indirect.scatter.add.f32 [tilespmem:s25], [sflag:$0x4], $0x8, s23, s24, $0xb8;
	[tilespmem:$0x1AF00] =	vst v63  }
0x78: {  	_ =	swait.ge [sflag:s26], $0x1000  }
0x79: {  	[sflag:s26] =	ssyncset.done $0x0  }
0x7a: {  	s7 =	sadd.s32 $0x6240, s7;
	[sflag:s26] =	ssyncadd.s32 $0xFFFFF000  }
0x7b: {  	[tilespmem:s24], [sflag:$0x1] =	stream.linear.gather [hbm4b:s7+s4], $0x200, $0x38;
	[tilespmem:$0x1AF00] =	vst v63  }
0x7c: {  	_ =	swait.ge [sflag:s30], $0x1000  }
0x7d: {  	[sflag:s30] =	ssyncset.done $0x0  }
0x7e: {  	s5 =	sadd.s32 $0x6200, s5;
	[sflag:s30] =	ssyncadd.s32 $0xFFFFF000  }
0x7f: {  	[tilespmem:s23], [sflag:$0x2] =	stream.linear.gather [hbm4b:s5+s4], $0x200, $0x38;
	[tilespmem:$0x1AF00] =	vst v63  }
0x80: {  	_ =	swait.ge [sflag:s20], $0x200  }
0x81: {  	[sflag:s20] =	ssyncset.done $0x0  }
.Ltmp0:
0x82: {  	[sflag:s20] =	ssyncadd.s32 $0xFFFFFE00;
	(pc) =	sbr.rel @p0 .LBB2_2-.Ltmp0, $4  }
0x83: {  	[tilespmem:s25], [sflag:$0x3] =	stream.indirect.gather [spmem:s2], $0x8, s4, s24, $0xb8;
	[tilespmem:$0x1AF00] =	vst v63  }
0x84: {  	_ =	swait.ge [sflag:s21], $0x200  }
0x85: {  	[sflag:s21] =	ssyncset.done $0x0  }
0x86: {  	[sflag:s21] =	ssyncadd.s32 $0xFFFFFE00  }
0x87: {  	[spmem:s3] =	stream.indirect.scatter.add.f32 [tilespmem:s29], [sflag:$0x4], $0x8, s28, s24, $0xb8;
	[tilespmem:$0x1AF00] =	vst v63  }
0x88: {  	_ =	swait.ge [sflag:s26], $0x1000  }
0x89: {  	[sflag:s26] =	ssyncset.done $0x0  }
0x8a: {  	[sflag:s26] =	ssyncadd.s32 $0xFFFFF000  }
0x8b: {  	_ =	swait.ge [sflag:s30], $0x1000  }
0x8c: {  	[sflag:s30] =	ssyncset.done $0x0  }
0x8d: {  	[sflag:s30] =	ssyncadd.s32 $0xFFFFF000  }
0x8e: {  	[tilespmem:s28], [sflag:$0x2] =	stream.linear.gather [hbm4b:s17+s4], $0x200, $0x38;
	[tilespmem:$0x1AF00] =	vst v63  }
0x8f: {  	_ =	swait.ge [sflag:s20], $0x200  }
0x90: {  	[sflag:s20] =	ssyncset.done $0x0  }
0x91: {  	[sflag:s20] =	ssyncadd.s32 $0xFFFFFE00  }
0x92: {  	[tilespmem:s29], [sflag:$0x3] =	stream.indirect.gather [spmem:s2], $0x8, s24, s24, $0xb8;
	[tilespmem:$0x1AF00] =	vst v63  }
0x93: {  	_ =	swait.ge [sflag:s21], $0x200  }
0x94: {  	[sflag:s21] =	ssyncset.done $0x0  }
0x95: {  	[sflag:s21] =	ssyncadd.s32 $0xFFFFFE00  }
0x96: {  	[spmem:s3] =	stream.indirect.scatter.add.f32 [tilespmem:s25], [sflag:$0x4], $0x8, s23, s24, $0xb8;
	[tilespmem:$0x1AF00] =	vst v63  }
0x97: {  	_ =	swait.ge [sflag:s26], $0x1000  }
0x98: {  	[sflag:s26] =	ssyncset.done $0x0  }
0x99: {  	[sflag:s26] =	ssyncadd.s32 $0xFFFFF000  }
0x9a: {  	_ =	swait.ge [sflag:s30], $0x1000  }
0x9b: {  	[sflag:s30] =	ssyncset.done $0x0  }
0x9c: {  	[sflag:s30] =	ssyncadd.s32 $0xFFFFF000  }
0x9d: {  	_ =	swait.ge [sflag:s21], $0x200  }
0x9e: {  	[sflag:s21] =	ssyncset.done $0x0  }
0x9f: {  	[sflag:s21] =	ssyncadd.s32 $0xFFFFFE00  }
0xa0: {  	[spmem:s3] =	stream.indirect.scatter.add.f32 [tilespmem:s29], [sflag:$0x4], $0x8, s28, s24, $0xb8;
	[tilespmem:$0x1AF00] =	vst v63  }
0xa1: {  	_ =	swait.ge [sflag:s30], $0x1000  }
0xa2: {  	s31 =	sadd.s32 $0x1, s31;
	[sflag:s30] =	ssyncset.done $0x0  }
0xa3: {  	p0 =	sne.s32 s31, s12;
	[sflag:s30] =	ssyncadd.s32 $0xFFFFF000  }
.Ltmp1:
0xa4: {  	[bflag:$0x0] =	sbarrier.arrive $0xFFFF;
	(pc) =	sbr.rel @p0 .LBB2_1-.Ltmp1, $4  }
0xa5: {  	[hbm:s18@s21], [sflag:s6] =	dma.strided [spmem:s0@s20], $0x1870, s20, $0x1   }
0xa6: {  	_ =	swait.ge [sflag:s22], $0x1870  }
0xa7: {  	[sflag:s22] =	ssyncset.done $0x0  }
0xa8: {  	[sflag:s22] =	ssyncadd.s32 $0xFFFFE790  }
0xa9: {  	_ =	sfence.sel $0x180000  }
0xaa: {  	[bflag:$0x0] =	sbarrier.arrive $0xFFFF  }
0xab: {  	_ =	strace $0x9000004A  }
0xac: {  	s0 =	stileid.u32;
	[bflag:$0x2] =	sbarrier.arrive $0xFFFF  }
0xad: {  	p0 =	sne.s32 s0, $0x0;
	s0 =	rddreg [dreg:$0x4]  }
0xae: {  	s0 =	sadd.s32 @!p0 $0x100000, s0  }
0xaf: {  	[sflag:s0] =	ssyncadd.tile.s32 @!p0 $0x1;
	_ =	shalt  }
.Lfunc_end2:
_tile_overlayer_lowered:
.L_overlay_start_2:
0xb0: {  	(tag) =	ssettag $0x2  }
0xb1: {  	s0 =	rddreg [dreg:$0x0];
	s2 =	stileid.u32  }
0xb2: {  	s1 =	rddreg [dreg:$0x1];
	p0 =	sne.s32 s2, $0x0  }
0xb3: {  	s3 =	rddreg [dreg:$0x2];
	[bflag:$0x3] =	sbarrier.arrive $0xFFFF;
	s2 =	simm.s32 @!p0 $0x1C05  }
0xb4: {  	[timem:s3], [sflag:s2] =	dma.local @!p0 [hbm:s0], s1  }
0xb5: {  	s0 =	simm.s32 @!p0 $0x5  }
0xb6: {  	_ =	swait.ge @!p0 [sflag:s0], s1  }
0xb7: {  	s1 =	ssub.s32 @!p0 $0x0, s1;
	[sflag:s0] =	ssyncset.done @!p0 $0x0  }
0xb8: {  	[sflag:s0] =	ssyncadd.s32 @!p0 s1  }
0xb9: {  	[bflag:$0x3] =	sbarrier.arrive $0xFFFF  }
0xba: {  	_ =	shalt  }

// kernel: kernel.15.cloned.1.call-start
scs
__scs_entry_jumppad:
0x0: {  	(pc) =	sbr.rel $0x88, $3  }
0x1: {  	(tag) =	ssettag $0x0;
	lr =	simm.s32 $0x1  }
0x2: {  	[smem:$0x3F9E] =	sst lr;
	_ =	strace $0xD0000000  }
0x3: {  	_ = 	snop  }
0x4: {  	_ = 	snop  }
0x5: {  	_ = 	snop  }
0x6: {  	_ = 	snop  }
0x7: {  	_ = 	snop  }
__scs_overlays_trampoline_lowered:
0x8: {  	[smem:$0x3FAD] =	sst s0  }
0x9: {  	[smem:$0x3FAE] =	sst s1  }
0xa: {  	[smem:$0x3FAF] =	sst s2  }
0xb: {  	[smem:$0x3FB0] =	sst s3  }
0xc: {  	[smem:$0x3FB1] =	sst s4  }
0xd: {  	[smem:$0x3FB2] =	sst s5  }
0xe: {  	[smem:$0x3FB3] =	sst s6  }
0xf: {  	[smem:$0x3FB4] =	sst s7  }
0x10: {  	[smem:$0x3FB5] =	sst s8  }
0x11: {  	[smem:$0x3FB6] =	sst s9;
	s0 =	simm.s32 @!p0 $0x0  }
0x12: {  	s1 =	sld [smem:$0x3F9C];
	s0 =	simm.s32 @p0 $0x1  }
0x13: {  	[smem:$0x3FB7] =	sst s0;
	s0 =	simm.s32 @!p1 $0x0  }
0x14: {  	s2 =	sld [smem:$0x3F9B];
	s0 =	simm.s32 @p1 $0x1  }
0x15: {  	[smem:$0x3FB8] =	sst s0;
	s0 =	simm.s32 @!p2 $0x0  }
0x16: {  	s3 =	sld [smem:$0x3FDB];
	s0 =	simm.s32 @p2 $0x1  }
0x17: {  	s4 =	simm.s32 $0x1BF5;
	[smem:$0x3FBA] =	sst s0  }
0x18: {  	s0 =	sld [smem:$0x3F9D];
	_ =	swait.ge [sflag:s4], $0x0  }
0x19: {  	s7 =	sld [smem:$0x3F9E]  }
0x1a: {  	s8 =	sadd.s32 $0xFFFFE003, lr  }
0x1b: {  	s9 =	sadd.s32 $0xFFFFFEF7, lr;
	s5 =	simm.s32 $0xFFFFFFFF;
	p2 =	slt.u32 s8, $0xFFFFF086  }
0x1c: {  	p1 =	slt.u32 s9, $0xF7A;
	s5 =	simm.s32 @!p2 $0x0  }
0x1d: {  	s5 =	simm.s32 @p1 $0x1;
	p0 =	seq.s32 s7, s2  }
0x1e: {  	s7 =	smul.u32 @!p0 $0xF7A, s2;
	p2 =	seq.s32 @!p0 s5, $0x0  }
0x1f: {  	s9 =	smul.u32 $0xF7A, s1;
	s8 =	simm.s32 @!p0 $0x1BF5;
	p2 =	por !p2, p0  }
0x20: {  	[sflag:s8] =	ssyncset.s32 @!p0 $0xFFFFF086;
	s6 =	sadd.s32 @!p0 s3, s7;
	s7 =	simm.s32 @!p0 $0x108  }
0x21: {  	s3 =	sadd.s32 s3, s9;
	s6 =	sadd.s32 @!p0 $0x88, s6;
	s7 =	simm.s32 @p2 $0x1082  }
0x22: {  	[simem:s7], [sflag:s8] =	dma.local @!p0 [hbm:s6], $0xF7A  }
0x23: {  	s9 =	sor.u32 $0xD0000000, s2;
	s6 =	simm.s32 $0x108;
	_ =	swait.ge @!p0 [sflag:s8], $0x0  }
0x24: {  	s3 =	sadd.s32 $0x88, s3;
	s6 =	simm.s32 @!p1 $0x1082;
	[sflag:s4] =	ssyncset.s32 $0xFFFFF086  }
0x25: {  	[simem:s6], [sflag:s4] =	dma.local [hbm:s3], $0xF7A  }
0x26: {  	[smem:$0x3F9E] =	sst s1;
	(tag) =	ssettag s2;
	_ =	strace s9  }
0x27: {  	s1 =	sld [smem:$0x3FAE]  }
0x28: {  	s2 =	sld [smem:$0x3FAF]  }
0x29: {  	s4 =	sld [smem:$0x3FB1]  }
0x2a: {  	p0 =	seq.s32 s5, $0x0;
	s5 =	sld [smem:$0x3FB2]  }
0x2b: {  	s6 =	sld [smem:$0x3FB3]  }
0x2c: {  	s7 =	sld [smem:$0x3FB4]  }
0x2d: {  	s3 =	simm.s32 $0x108;
	s8 =	sld [smem:$0x3FB5]  }
0x2e: {  	s3 =	simm.s32 @!p0 $0x1082;
	s9 =	sld [smem:$0x3FB6]  }
0x2f: {  	lr =	sadd.s32 s0, s3;
	s0 =	sld [smem:$0x3FAD]  }
0x30: {  	s3 =	sld [smem:$0x3FB0]  }
0x31: {  	[smem:$0x3FB9] =	sst s10  }
0x32: {  	s10 =	sld [smem:$0x3FB7];
	_ =	sdelay $0x3  }
0x33: {  	p0 =	seq.s32 s10, $0x1;
	s10 =	sld [smem:$0x3FB9];
	_ =	sdelay $0x3  }
0x34: {  	[smem:$0x3FB9] =	sst s10  }
0x35: {  	s10 =	sld [smem:$0x3FB8];
	_ =	sdelay $0x3  }
0x36: {  	p1 =	seq.s32 s10, $0x1;
	s10 =	sld [smem:$0x3FB9];
	_ =	sdelay $0x3  }
0x37: {  	[smem:$0x3FB9] =	sst s10  }
0x38: {  	s10 =	sld [smem:$0x3FBA]  }
0x39: {  	_ = 	snop;
	(pc) =	sbr.ind lr, $3  }
0x3a: {  	_ = 	snop  }
0x3b: {  	_ = 	snop  }
0x3c: {  	p2 =	seq.s32 s10, $0x1;
	s10 =	sld [smem:$0x3FB9]  }
0x3d: {  	_ =	shalt  }
0x3e: {  	_ =	shalt  }
0x3f: {  	_ =	shalt  }
0x40: {  	_ =	shalt  }
0x41: {  	_ =	shalt  }
0x42: {  	_ =	shalt  }
0x43: {  	_ =	shalt  }
0x44: {  	_ =	shalt  }
0x45: {  	_ =	shalt  }
0x46: {  	_ =	shalt  }
0x47: {  	_ =	shalt  }
0x48: {  	_ =	shalt  }
0x49: {  	_ =	shalt  }
0x4a: {  	_ =	shalt  }
0x4b: {  	_ =	shalt  }
0x4c: {  	_ =	shalt  }
0x4d: {  	_ =	shalt  }
0x4e: {  	_ =	shalt  }
0x4f: {  	_ =	shalt  }
0x50: {  	_ =	shalt  }
0x51: {  	_ =	shalt  }
0x52: {  	_ =	shalt  }
0x53: {  	_ =	shalt  }
0x54: {  	_ =	shalt  }
0x55: {  	_ =	shalt  }
0x56: {  	_ =	shalt  }
0x57: {  	_ =	shalt  }
0x58: {  	_ =	shalt  }
0x59: {  	_ =	shalt  }
0x5a: {  	_ =	shalt  }
0x5b: {  	_ =	shalt  }
0x5c: {  	_ =	shalt  }
0x5d: {  	_ =	shalt  }
0x5e: {  	_ =	shalt  }
0x5f: {  	_ =	shalt  }
0x60: {  	_ =	shalt  }
0x61: {  	_ =	shalt  }
0x62: {  	_ =	shalt  }
0x63: {  	_ =	shalt  }
0x64: {  	_ =	shalt  }
0x65: {  	_ =	shalt  }
0x66: {  	_ =	shalt  }
0x67: {  	_ =	shalt  }
0x68: {  	_ =	shalt  }
0x69: {  	_ =	shalt  }
0x6a: {  	_ =	shalt  }
0x6b: {  	_ =	shalt  }
0x6c: {  	_ =	shalt  }
0x6d: {  	_ =	shalt  }
0x6e: {  	_ =	shalt  }
0x6f: {  	_ =	shalt  }
0x70: {  	_ =	shalt  }
0x71: {  	_ =	shalt  }
0x72: {  	_ =	shalt  }
0x73: {  	_ =	shalt  }
0x74: {  	_ =	shalt  }
0x75: {  	_ =	shalt  }
0x76: {  	_ =	shalt  }
0x77: {  	_ =	shalt  }
0x78: {  	_ =	shalt  }
0x79: {  	_ =	shalt  }
0x7a: {  	_ =	shalt  }
0x7b: {  	_ =	shalt  }
0x7c: {  	_ =	shalt  }
0x7d: {  	_ =	shalt  }
0x7e: {  	_ =	shalt  }
0x7f: {  	_ =	shalt  }
0x80: {  	_ =	shalt  }
0x81: {  	_ =	shalt  }
0x82: {  	_ =	shalt  }
0x83: {  	_ =	shalt  }
0x84: {  	_ =	shalt  }
0x85: {  	_ =	shalt  }
0x86: {  	_ =	shalt  }
0x87: {  	_ =	shalt  }
.Lfunc_end0:
.L_simem_size_0:
called_computation.2_lowered:
.L_overlay_start_0:
0x88: {  	s2 =	sld [smem:$0x3FD9]  }
0x89: {  	s3 =	sld [smem:$0x3FFE];
	_ =	sdelay $0x1  }
0x8a: {  	s1 =	srdreg.scid  }
0x8b: {  	s0 =	sand.u32 $0x1, s1  }
0x8c: {  	s17 =	sshll.u32 s0, $0xA;
	s2 =	sadd.s32 s3, s2  }
0x8d: {  	s2 =	sadd.s32 s2, s17  }
0x8e: {  	[smem:$0x3FC5] =	sst s2  }
0x8f: {  	_ = 	snop  }
0x90: {  	s2 =	sld [smem:$0x3FD0];
	(tm) =	ssettm $0x1  }
0x91: {  	s18 =	sld [smem:$0x3FFB];
	_ =	sdelay $0x3  }
0x92: {  	_ =	strace s18  }
0x93: {  	s3 =	sld [smem:$0x3FFC];
	_ =	sdelay $0x3  }
0x94: {  	_ =	strace s3  }
0x95: {  	s3 =	sld [smem:$0x3FFD];
	_ =	sdelay $0x3  }
0x96: {  	_ =	strace s3  }
0x97: {  	_ =	strace $0x8FFFFFFF  }
0x98: {  	s19 =	sld [smem:$0x3FDB];
	_ =	sdelay $0x1  }
0x99: {  	s4 =	simm.s32 $_scs_section_size  }
0x9a: {  	s5 =	simm.s32 $_size__tile_overlayer_lowered;
	s6 =	simm.s32 $_tile_overlayer_lowered  }
0x9b: {  	s22 =	simm.s32 $0x1BFF;
	s21 =	sshll.u32 s6, $0x1;
	s3 =	sadd.s32 s4, s19  }
0x9c: {  	s7 =	simm.s32 $0x0;
	s20 =	sshll.u32 s5, $0x1;
	s5 =	sadd.s32 s21, s3  }
0x9d: {  	[timem:s7], [sflag:s22] =	dma.local [hbm:s5], s20  }
0x9e: {  	_ =	swait.ge [sflag:s22], s20  }
0x9f: {  	s4 =	ssub.s32 $0x0, s20;
	[sflag:s22] =	ssyncset.done $0x0  }
0xa0: {  	[sflag:s22] =	ssyncadd.s32 s4;
	_ =	sdelay $0x1  }
0xa1: {  	s23 =	simm.s32 $0x1B8B  }
0xa2: {  	_ =	swait.ge [sflag:s23], $0x1  }
0xa3: {  	[sflag:s23] =	ssyncset.done $0x0  }
0xa4: {  	s25 =	simm.s32 $0x1B8E;
	s24 =	sld [smem:$0x3FFE];
	[sflag:s23] =	ssyncadd.s32 $0xFFFFFFFF  }
0xa5: {  	s26 =	simm.s32 $execute0_lowered;
	[smem:$0x3FD2] =	sst s25  }
0xa6: {  	s5 =	sshll.u32 s26, $0x1;
	_ =	strace $0x8000004C;
	[dreg:$0x1] =	wrdreg $0xFFFFFFFF  }
0xa7: {  	s28 =	simm.s32 $_size_execute0_lowered;
	s3 =	sadd.s32 s3, s5;
	[dreg:$0x0] =	wrdreg $0x0  }
0xa8: {  	s5 =	sshll.u32 s28, $0x1;
	[dreg:$0x2] =	wrdreg s3  }
0xa9: {  	[dreg:$0x3] =	wrdreg s5  }
0xaa: {  	[dreg:$0x4] =	wrdreg $0xC0  }
0xab: {  	_ =	task [dreg:s7], $0x5FFFF  }
0xac: {  	[dreg:$0x1] =	wrdreg $0xFFFFFFFF  }
0xad: {  	[dreg:$0x0] =	wrdreg $0x60  }
0xae: {  	[dreg:$0x2] =	wrdreg s2  }
0xaf: {  	[dreg:$0x3] =	wrdreg s24  }
0xb0: {  	[dreg:$0x4] =	wrdreg $0x28000  }
0xb1: {  	[dreg:$0x5] =	wrdreg $0xEB800  }
0xb2: {  	[dreg:$0x6] =	wrdreg $0x9  }
0xb3: {  	_ =	task.clear_ibuf [dreg:s7], $0x7FFFF;
	_ =	strace $0x9000004C  }
0xb4: {  	s29 =	simm.s32 $0x9;
	_ =	strace $0x8000004E  }
0xb5: {  	_ =	swait.ge [sflag:s29], $0x1  }
0xb6: {  	[sflag:s29] =	ssyncadd.s32 $0xFFFFFFFF  }
0xb7: {  	_ =	strace $0x9000004E  }
0xb8: {  	_ =	sfence  }
0xb9: {  	s30 =	sld [smem:$0x0];
	_ =	sdelay $0x2  }
0xba: {  	s31 =	sshll.u32 s1, $0xD;
	s1 =	sshrl.u32 s1, $0x2  }
0xbb: {  	s3 =	sand.u32 $0x4000, s31;
	s1 =	sadd.s32 s1, s30  }
0xbc: {  	s0 =	sor.u32 s3, s0;
	s1 =	sshll.u32 s1, $0x11  }
0xbd: {  	s0 =	sor.u32 s1, s0  }
0xbe: {  	s0 =	sadd.s32 $0x8F2B, s0  }
0xbf: {  	[sflag:s0] =	ssyncadd.remote.s32 $0x1  }
0xc0: {  	_ =	sfence.sel $0xFFFF  }
0xc1: {  	[dreg:$0x0] =	wrdreg $0xFFFFFFFF;
	(pc) =	sbr.abs _section_cstart, $3  }
0xc2: {  	[dreg:$0x1] =	wrdreg $0xFFFFFFFF  }
0xc3: {  	_ =	task.clear_ibuf [dreg:s7], $0x2FFFF;
	_ =	strace $0x9FFFFFFF  }
0xc4: {  	(tm) =	ssettm $0x7FFFFFFF  }
0xc5: {  	_ =	shalt  }
tec
execute0_lowered:
.L_overlay_start_1:
0x0: {  	(tag) =	ssettag $0x1  }
0x1: {  	s0 =	rddreg [dreg:$0x0]  }
0x2: {  	s1 =	rddreg [dreg:$0x1]  }
0x3: {  	s2 =	rddreg [dreg:$0x2]  }
0x4: {  	s3 =	rddreg [dreg:$0x3];
	s9 =	stileid.u32  }
0x5: {  	s4 =	simm.s32 $0x0;
	s5 =	srdreg.scid;
	s20 =	simm.s32 $0x15CC01  }
0x6: {  	s21 =	simm.s32 $0x2;
	s22 =	simm.s32 $0x5;
	s28 =	simm.s32 $0x600  }
0x7: {  	s29 =	simm.s32 $0x1800;
	s30 =	simm.s32 $0x4;
	s14 =	smul.u32 $0x6200, s9  }
0x8: {  	s31 =	simm.s32 $0x0;
	[smem:$0x7FF] =	sst s4;
	s6 =	smul.u32 $0x30E0, s9  }
0x9: {  	s12 =	sand.u32 $0x1, s5;
	s8 =	smul.u32 $0xC380, s9;
	s23 =	sshll.u32 s9, $0x6  }
0xa: {  	s26 =	sadd.s32 $0x2E80, s1;
	_ =	strace $0x8000004D;
	s5 =	ssub.s32 $0x2, s12  }
0xb: {  	s0 =	sadd.s32 s0, s12;
	p0 =	seq.s32 s12, $0x1;
	s11 =	sadd.s32 s14, s1  }
0xc: {  	s18 =	sadd.s32 s6, s1;
	s7 =	sshrl.u32 s5, $0x1;
	s19 =	sadd.s32 s8, s2  }
0xd: {  	s0 =	sadd.s32 s6, s0;
	s6 =	sor.u32 $0x1C05, s23;
	s24 =	sadd.s32 s8, s3  }
0xe: {  	s1 =	sadd.s32 $0xC9E40, s1;
	s16 =	sor.u32 $0x40, s14;
	s20 =	simm.s32 @!p0 $0x95C00  }
0xf: {  	s23 =	simm.s32 $0x400;
	s13 =	ssub.s32 s5, s7;
	[dreg:$0x5] =	wrdreg s0  }
0x10: {  	[dreg:$0x6] =	wrdreg s24;
	s25 =	sadd.s32 $0x12BE00, s18;
	s9 =	sadd.s32 $0x2E00, s11  }
0x11: {  	s10 =	sadd.s32 $0xC9E00, s11;
	s11 =	sadd.s32 $0x2E40, s11;
	s15 =	sadd.s32 s16, s26  }
0x12: {  	s16 =	sadd.s32 s16, s1;
	s18 =	sadd.s32 s20, s18;
	s19 =	sshrl.u32 s19, $0x3  }
0x13: {  	s20 =	simm.s32 $0x1;
	s24 =	simm.s32 $0x200;
	[dreg:$0x7] =	wrdreg s25  }
0x14: {  	s12 =	smax.u32 s13, $0x1;
	s13 =	sadd.s32 s14, s26;
	s14 =	sadd.s32 s14, s1  }
0x15: {  	s25 =	simm.s32 $0x800;
	s26 =	simm.s32 $0x3;
	s17 =	sadd.s32 $0x6180, s14  }
.LBB2_1:
0x16: {  	s0 =	rddreg [dreg:$0x5]  }
0x17: {  	[spmem:s19@s20], [sflag:s6] =	dma.strided [hbm:s0@s21], $0x1870, s20, $0x1   }
0x18: {  	_ =	swait.ge [sflag:s22], $0x1870  }
0x19: {  	[sflag:s22] =	ssyncset.done $0x0;
	s7 =	rddreg [dreg:$0x6]  }
0x1a: {  	s1 =	rddreg [dreg:$0x7];
	[sflag:s22] =	ssyncadd.s32 $0xFFFFE790;
	s0 =	sshrl.u32 s7, $0x3  }
0x1b: {  	[spmem:s0@s20], [sflag:s6] =	dma.strided [hbm:s1@s21], $0x1870, s20, $0x1   }
0x1c: {  	_ =	swait.ge [sflag:s22], $0x1870  }
0x1d: {  	[sflag:s22] =	ssyncset.done $0x0  }
0x1e: {  	[sflag:s22] =	ssyncadd.s32 $0xFFFFE790  }
0x1f: {  	[bflag:$0x0] =	sbarrier.arrive $0xFFFF  }
0x20: {  	[tilespmem:s4], [sflag:$0x5] =	stream.linear.gather [hbm4b:s9+s4], $0x200, $0x38;
	[tilespmem:$0x1AF00] =	vst v63  }
0x21: {  	_ =	swait.ge [sflag:s22], $0x200  }
0x22: {  	[sflag:s22] =	ssyncset.done $0x0  }
0x23: {  	[sflag:s22] =	ssyncadd.s32 $0xFFFFFE00  }
0x24: {  	[tilespmem:s23], [sflag:$0x5] =	stream.linear.gather [hbm4b:s10+s4], $0x200, $0x38;
	[tilespmem:$0x1AF00] =	vst v63  }
0x25: {  	_ =	swait.ge [sflag:s22], $0x200  }
0x26: {  	[sflag:s22] =	ssyncset.done $0x0  }
0x27: {  	[sflag:s22] =	ssyncadd.s32 $0xFFFFFE00  }
0x28: {  	[tilespmem:s25], [sflag:$0x3] =	stream.indirect.gather [spmem:s2], $0x8, s4, s24, $0xb8;
	[tilespmem:$0x1AF00] =	vst v63  }
0x29: {  	_ = 	snop  }
0x2a: {  	[tilespmem:s24], [sflag:$0x1] =	stream.linear.gather [hbm4b:s11+s4], $0x200, $0x38;
	[tilespmem:$0x1AF00] =	vst v63  }
0x2b: {  	_ =	swait.ge [sflag:s26], $0x1000  }
0x2c: {  	[sflag:s26] =	ssyncset.done $0x0  }
0x2d: {  	[sflag:s26] =	ssyncadd.s32 $0xFFFFF000  }
0x2e: {  	[tilespmem:s4], [sflag:$0x1] =	stream.linear.gather [hbm4b:s13+s4], $0x200, $0x38;
	[tilespmem:$0x1AF00] =	vst v63  }
0x2f: {  	_ = 	snop  }
0x30: {  	[tilespmem:s28], [sflag:$0x2] =	stream.linear.gather [hbm4b:s14+s4], $0x200, $0x38;
	[tilespmem:$0x1AF00] =	vst v63  }
0x31: {  	_ =	swait.ge [sflag:s20], $0x200  }
0x32: {  	[sflag:s20] =	ssyncset.done $0x0  }
0x33: {  	[sflag:s20] =	ssyncadd.s32 $0xFFFFFE00  }
0x34: {  	[tilespmem:s29], [sflag:$0x3] =	stream.indirect.gather [spmem:s2], $0x8, s24, s24, $0xb8;
	[tilespmem:$0x1AF00] =	vst v63  }
0x35: {  	_ = 	snop  }
0x36: {  	[spmem:s3] =	stream.indirect.scatter.add.f32 [tilespmem:s25], [sflag:$0x4], $0x8, s23, s24, $0xb8;
	[tilespmem:$0x1AF00] =	vst v63  }
0x37: {  	_ =	swait.ge [sflag:s26], $0x1000  }
0x38: {  	[sflag:s26] =	ssyncset.done $0x0  }
0x39: {  	[sflag:s26] =	ssyncadd.s32 $0xFFFFF000  }
0x3a: {  	[tilespmem:s24], [sflag:$0x1] =	stream.linear.gather [hbm4b:s15+s4], $0x200, $0x38;
	[tilespmem:$0x1AF00] =	vst v63  }
0x3b: {  	_ =	swait.ge [sflag:s30], $0x1000  }
0x3c: {  	[sflag:s30] =	ssyncset.done $0x0  }
0x3d: {  	[sflag:s30] =	ssyncadd.s32 $0xFFFFF000  }
0x3e: {  	[tilespmem:s23], [sflag:$0x2] =	stream.linear.gather [hbm4b:s16+s4], $0x200, $0x38;
	[tilespmem:$0x1AF00] =	vst v63  }
0x3f: {  	_ =	swait.ge [sflag:s20], $0x200  }
0x40: {  	[sflag:s20] =	ssyncset.done $0x0  }
0x41: {  	[sflag:s20] =	ssyncadd.s32 $0xFFFFFE00  }
0x42: {  	[tilespmem:s25], [sflag:$0x3] =	stream.indirect.gather [spmem:s2], $0x8, s4, s24, $0xb8;
	[tilespmem:$0x1AF00] =	vst v63  }
0x43: {  	_ =	swait.ge [sflag:s21], $0x200  }
0x44: {  	[sflag:s21] =	ssyncset.done $0x0  }
0x45: {  	[sflag:s21] =	ssyncadd.s32 $0xFFFFFE00  }
0x46: {  	[spmem:s3] =	stream.indirect.scatter.add.f32 [tilespmem:s29], [sflag:$0x4], $0x8, s28, s24, $0xb8;
	[tilespmem:$0x1AF00] =	vst v63  }
0x47: {  	_ =	swait.ge [sflag:s26], $0x1000  }
0x48: {  	s1 =	sadd.s32 $0xFFFF9F00, s9;
	[sflag:s26] =	ssyncset.done $0x0  }
0x49: {  	s5 =	sadd.s32 $0x6200, s1;
	[sflag:s26] =	ssyncadd.s32 $0xFFFFF000  }
0x4a: {  	[tilespmem:s4], [sflag:$0x1] =	stream.linear.gather [hbm4b:s5+s4], $0x200, $0x38;
	[tilespmem:$0x1AF00] =	vst v63  }
0x4b: {  	_ =	swait.ge [sflag:s30], $0x1000  }
0x4c: {  	s8 =	sadd.s32 $0xFFFF9F00, s10;
	[sflag:s30] =	ssyncset.done $0x0  }
0x4d: {  	s7 =	sadd.s32 $0x61C0, s8;
	[sflag:s30] =	ssyncadd.s32 $0xFFFFF000  }
0x4e: {  	[tilespmem:s28], [sflag:$0x2] =	stream.linear.gather [hbm4b:s7+s4], $0x200, $0x38;
	[tilespmem:$0x1AF00] =	vst v63  }
0x4f: {  	_ =	swait.ge [sflag:s20], $0x200  }
0x50: {  	[sflag:s20] =	ssyncset.done $0x0  }
0x51: {  	[sflag:s20] =	ssyncadd.s32 $0xFFFFFE00  }
0x52: {  	[tilespmem:s29], [sflag:$0x3] =	stream.indirect.gather [spmem:s2], $0x8, s24, s24, $0xb8;
	[tilespmem:$0x1AF00] =	vst v63  }
0x53: {  	_ =	swait.ge [sflag:s21], $0x200  }
0x54: {  	[sflag:s21] =	ssyncset.done $0x0  }
0x55: {  	[sflag:s21] =	ssyncadd.s32 $0xFFFFFE00  }
0x56: {  	[spmem:s3] =	stream.indirect.scatter.add.f32 [tilespmem:s25], [sflag:$0x4], $0x8, s23, s24, $0xb8;
	[tilespmem:$0x1AF00] =	vst v63  }
0x57: {  	_ =	swait.ge [sflag:s26], $0x1000  }
0x58: {  	[sflag:s26] =	ssyncset.done $0x0  }
0x59: {  	s1 =	sadd.s32 $0x6240, s1;
	[sflag:s26] =	ssyncadd.s32 $0xFFFFF000  }
0x5a: {  	[tilespmem:s24], [sflag:$0x1] =	stream.linear.gather [hbm4b:s1+s4], $0x200, $0x38;
	[tilespmem:$0x1AF00] =	vst v63  }
0x5b: {  	_ =	swait.ge [sflag:s30], $0x1000  }
0x5c: {  	[sflag:s30] =	ssyncset.done $0x0  }
0x5d: {  	s8 =	sadd.s32 $0x6200, s8;
	[sflag:s30] =	ssyncadd.s32 $0xFFFFF000  }
0x5e: {  	[tilespmem:s23], [sflag:$0x2] =	stream.linear.gather [hbm4b:s8+s4], $0x200, $0x38;
	[tilespmem:$0x1AF00] =	vst v63  }
0x5f: {  	_ =	swait.ge [sflag:s20], $0x200  }
0x60: {  	[sflag:s20] =	ssyncset.done $0x0  }
0x61: {  	[sflag:s20] =	ssyncadd.s32 $0xFFFFFE00  }
0x62: {  	[tilespmem:s25], [sflag:$0x3] =	stream.indirect.gather [spmem:s2], $0x8, s4, s24, $0xb8;
	[tilespmem:$0x1AF00] =	vst v63  }
0x63: {  	_ =	swait.ge [sflag:s21], $0x200  }
0x64: {  	[sflag:s21] =	ssyncset.done $0x0  }
0x65: {  	s1 =	simm.s32 $0xFFFF9F80;
	[sflag:s21] =	ssyncadd.s32 $0xFFFFFE00  }
.LBB2_2:
0x66: {  	[spmem:s3] =	stream.indirect.scatter.add.f32 [tilespmem:s29], [sflag:$0x4], $0x8, s28, s24, $0xb8;
	[tilespmem:$0x1AF00] =	vst v63  }
0x67: {  	s5 =	smov.u32 s1  }
0x68: {  	p0 =	sne.s32 s1, $0xFFFFFF80;
	s1 =	sadd.s32 $0x80, s1;
	_ =	swait.ge [sflag:s26], $0x1000  }
0x69: {  	s7 =	sadd.s32 s5, s9;
	[sflag:s26] =	ssyncset.done $0x0  }
0x6a: {  	s8 =	sadd.s32 $0x6200, s7;
	[sflag:s26] =	ssyncadd.s32 $0xFFFFF000  }
0x6b: {  	[tilespmem:s4], [sflag:$0x1] =	stream.linear.gather [hbm4b:s8+s4], $0x200, $0x38;
	[tilespmem:$0x1AF00] =	vst v63  }
0x6c: {  	_ =	swait.ge [sflag:s30], $0x1000  }
0x6d: {  	s5 =	sadd.s32 s5, s10;
	[sflag:s30] =	ssyncset.done $0x0  }
0x6e: {  	s8 =	sadd.s32 $0x61C0, s5;
	[sflag:s30] =	ssyncadd.s32 $0xFFFFF000  }
0x6f: {  	[tilespmem:s28], [sflag:$0x2] =	stream.linear.gather [hbm4b:s8+s4], $0x200, $0x38;
	[tilespmem:$0x1AF00] =	vst v63  }
0x70: {  	_ =	swait.ge [sflag:s20], $0x200  }
0x71: {  	[sflag:s20] =	ssyncset.done $0x0  }
0x72: {  	[sflag:s20] =	ssyncadd.s32 $0xFFFFFE00  }
0x73: {  	[tilespmem:s29], [sflag:$0x3] =	stream.indirect.gather [spmem:s2], $0x8, s24, s24, $0xb8;
	[tilespmem:$0x1AF00] =	vst v63  }
0x74: {  	_ =	swait.ge [sflag:s21], $0x200  }
0x75: {  	[sflag:s21] =	ssyncset.done $0x0  }
0x76: {  	[sflag:s21] =	ssyncadd.s32 $0xFFFFFE00  }
0x77: {  	[spmem:s3] =	stream.indirect.scatter.add.f32 [tilespmem:s25], [sflag:$0x4], $0x8, s23, s24, $0xb8;
	[tilespmem:$0x1AF00] =	vst v63  }
0x78: {  	_ =	swait.ge [sflag:s26], $0x1000  }
0x79: {  	[sflag:s26] =	ssyncset.done $0x0  }
0x7a: {  	s7 =	sadd.s32 $0x6240, s7;
	[sflag:s26] =	ssyncadd.s32 $0xFFFFF000  }
0x7b: {  	[tilespmem:s24], [sflag:$0x1] =	stream.linear.gather [hbm4b:s7+s4], $0x200, $0x38;
	[tilespmem:$0x1AF00] =	vst v63  }
0x7c: {  	_ =	swait.ge [sflag:s30], $0x1000  }
0x7d: {  	[sflag:s30] =	ssyncset.done $0x0  }
0x7e: {  	s5 =	sadd.s32 $0x6200, s5;
	[sflag:s30] =	ssyncadd.s32 $0xFFFFF000  }
0x7f: {  	[tilespmem:s23], [sflag:$0x2] =	stream.linear.gather [hbm4b:s5+s4], $0x200, $0x38;
	[tilespmem:$0x1AF00] =	vst v63  }
0x80: {  	_ =	swait.ge [sflag:s20], $0x200  }
0x81: {  	[sflag:s20] =	ssyncset.done $0x0  }
.Ltmp0:
0x82: {  	[sflag:s20] =	ssyncadd.s32 $0xFFFFFE00;
	(pc) =	sbr.rel @p0 .LBB2_2-.Ltmp0, $4  }
0x83: {  	[tilespmem:s25], [sflag:$0x3] =	stream.indirect.gather [spmem:s2], $0x8, s4, s24, $0xb8;
	[tilespmem:$0x1AF00] =	vst v63  }
0x84: {  	_ =	swait.ge [sflag:s21], $0x200  }
0x85: {  	[sflag:s21] =	ssyncset.done $0x0  }
0x86: {  	[sflag:s21] =	ssyncadd.s32 $0xFFFFFE00  }
0x87: {  	[spmem:s3] =	stream.indirect.scatter.add.f32 [tilespmem:s29], [sflag:$0x4], $0x8, s28, s24, $0xb8;
	[tilespmem:$0x1AF00] =	vst v63  }
0x88: {  	_ =	swait.ge [sflag:s26], $0x1000  }
0x89: {  	[sflag:s26] =	ssyncset.done $0x0  }
0x8a: {  	[sflag:s26] =	ssyncadd.s32 $0xFFFFF000  }
0x8b: {  	_ =	swait.ge [sflag:s30], $0x1000  }
0x8c: {  	[sflag:s30] =	ssyncset.done $0x0  }
0x8d: {  	[sflag:s30] =	ssyncadd.s32 $0xFFFFF000  }
0x8e: {  	[tilespmem:s28], [sflag:$0x2] =	stream.linear.gather [hbm4b:s17+s4], $0x200, $0x38;
	[tilespmem:$0x1AF00] =	vst v63  }
0x8f: {  	_ =	swait.ge [sflag:s20], $0x200  }
0x90: {  	[sflag:s20] =	ssyncset.done $0x0  }
0x91: {  	[sflag:s20] =	ssyncadd.s32 $0xFFFFFE00  }
0x92: {  	[tilespmem:s29], [sflag:$0x3] =	stream.indirect.gather [spmem:s2], $0x8, s24, s24, $0xb8;
	[tilespmem:$0x1AF00] =	vst v63  }
0x93: {  	_ =	swait.ge [sflag:s21], $0x200  }
0x94: {  	[sflag:s21] =	ssyncset.done $0x0  }
0x95: {  	[sflag:s21] =	ssyncadd.s32 $0xFFFFFE00  }
0x96: {  	[spmem:s3] =	stream.indirect.scatter.add.f32 [tilespmem:s25], [sflag:$0x4], $0x8, s23, s24, $0xb8;
	[tilespmem:$0x1AF00] =	vst v63  }
0x97: {  	_ =	swait.ge [sflag:s26], $0x1000  }
0x98: {  	[sflag:s26] =	ssyncset.done $0x0  }
0x99: {  	[sflag:s26] =	ssyncadd.s32 $0xFFFFF000  }
0x9a: {  	_ =	swait.ge [sflag:s30], $0x1000  }
0x9b: {  	[sflag:s30] =	ssyncset.done $0x0  }
0x9c: {  	[sflag:s30] =	ssyncadd.s32 $0xFFFFF000  }
0x9d: {  	_ =	swait.ge [sflag:s21], $0x200  }
0x9e: {  	[sflag:s21] =	ssyncset.done $0x0  }
0x9f: {  	[sflag:s21] =	ssyncadd.s32 $0xFFFFFE00  }
0xa0: {  	[spmem:s3] =	stream.indirect.scatter.add.f32 [tilespmem:s29], [sflag:$0x4], $0x8, s28, s24, $0xb8;
	[tilespmem:$0x1AF00] =	vst v63  }
0xa1: {  	_ =	swait.ge [sflag:s30], $0x1000  }
0xa2: {  	s31 =	sadd.s32 $0x1, s31;
	[sflag:s30] =	ssyncset.done $0x0  }
0xa3: {  	p0 =	sne.s32 s31, s12;
	[sflag:s30] =	ssyncadd.s32 $0xFFFFF000  }
.Ltmp1:
0xa4: {  	[bflag:$0x0] =	sbarrier.arrive $0xFFFF;
	(pc) =	sbr.rel @p0 .LBB2_1-.Ltmp1, $4  }
0xa5: {  	[hbm:s18@s21], [sflag:s6] =	dma.strided [spmem:s0@s20], $0x1870, s20, $0x1   }
0xa6: {  	_ =	swait.ge [sflag:s22], $0x1870  }
0xa7: {  	[sflag:s22] =	ssyncset.done $0x0  }
0xa8: {  	[sflag:s22] =	ssyncadd.s32 $0xFFFFE790  }
0xa9: {  	_ =	sfence.sel $0x180000  }
0xaa: {  	[bflag:$0x0] =	sbarrier.arrive $0xFFFF  }
0xab: {  	_ =	strace $0x9000004D  }
0xac: {  	s0 =	stileid.u32;
	[bflag:$0x2] =	sbarrier.arrive $0xFFFF  }
0xad: {  	p0 =	sne.s32 s0, $0x0;
	s0 =	rddreg [dreg:$0x4]  }
0xae: {  	s0 =	sadd.s32 @!p0 $0x100000, s0  }
0xaf: {  	[sflag:s0] =	ssyncadd.tile.s32 @!p0 $0x1;
	_ =	shalt  }
.Lfunc_end2:
_tile_overlayer_lowered:
.L_overlay_start_2:
0xb0: {  	(tag) =	ssettag $0x2  }
0xb1: {  	s0 =	rddreg [dreg:$0x0];
	s2 =	stileid.u32  }
0xb2: {  	s1 =	rddreg [dreg:$0x1];
	p0 =	sne.s32 s2, $0x0  }
0xb3: {  	s3 =	rddreg [dreg:$0x2];
	[bflag:$0x3] =	sbarrier.arrive $0xFFFF;
	s2 =	simm.s32 @!p0 $0x1C05  }
0xb4: {  	[timem:s3], [sflag:s2] =	dma.local @!p0 [hbm:s0], s1  }
0xb5: {  	s0 =	simm.s32 @!p0 $0x5  }
0xb6: {  	_ =	swait.ge @!p0 [sflag:s0], s1  }
0xb7: {  	s1 =	ssub.s32 @!p0 $0x0, s1;
	[sflag:s0] =	ssyncset.done @!p0 $0x0  }
0xb8: {  	[sflag:s0] =	ssyncadd.s32 @!p0 s1  }
0xb9: {  	[bflag:$0x3] =	sbarrier.arrive $0xFFFF  }
0xba: {  	_ =	shalt  }

// kernel: kernel.9.cloned.1.call-start
scs
__scs_entry_jumppad:
0x0: {  	(pc) =	sbr.rel $0x88, $3  }
0x1: {  	(tag) =	ssettag $0x0;
	lr =	simm.s32 $0x1  }
0x2: {  	[smem:$0x3F9E] =	sst lr;
	_ =	strace $0xD0000000  }
0x3: {  	_ = 	snop  }
0x4: {  	_ = 	snop  }
0x5: {  	_ = 	snop  }
0x6: {  	_ = 	snop  }
0x7: {  	_ = 	snop  }
__scs_overlays_trampoline_lowered:
0x8: {  	[smem:$0x3FAD] =	sst s0  }
0x9: {  	[smem:$0x3FAE] =	sst s1  }
0xa: {  	[smem:$0x3FAF] =	sst s2  }
0xb: {  	[smem:$0x3FB0] =	sst s3  }
0xc: {  	[smem:$0x3FB1] =	sst s4  }
0xd: {  	[smem:$0x3FB2] =	sst s5  }
0xe: {  	[smem:$0x3FB3] =	sst s6  }
0xf: {  	[smem:$0x3FB4] =	sst s7  }
0x10: {  	[smem:$0x3FB5] =	sst s8  }
0x11: {  	[smem:$0x3FB6] =	sst s9;
	s0 =	simm.s32 @!p0 $0x0  }
0x12: {  	s1 =	sld [smem:$0x3F9C];
	s0 =	simm.s32 @p0 $0x1  }
0x13: {  	[smem:$0x3FB7] =	sst s0;
	s0 =	simm.s32 @!p1 $0x0  }
0x14: {  	s2 =	sld [smem:$0x3F9B];
	s0 =	simm.s32 @p1 $0x1  }
0x15: {  	[smem:$0x3FB8] =	sst s0;
	s0 =	simm.s32 @!p2 $0x0  }
0x16: {  	s3 =	sld [smem:$0x3FDB];
	s0 =	simm.s32 @p2 $0x1  }
0x17: {  	s4 =	simm.s32 $0x1BF5;
	[smem:$0x3FBA] =	sst s0  }
0x18: {  	s0 =	sld [smem:$0x3F9D];
	_ =	swait.ge [sflag:s4], $0x0  }
0x19: {  	s7 =	sld [smem:$0x3F9E]  }
0x1a: {  	s8 =	sadd.s32 $0xFFFFE003, lr  }
0x1b: {  	s9 =	sadd.s32 $0xFFFFFEF7, lr;
	s5 =	simm.s32 $0xFFFFFFFF;
	p2 =	slt.u32 s8, $0xFFFFF086  }
0x1c: {  	p1 =	slt.u32 s9, $0xF7A;
	s5 =	simm.s32 @!p2 $0x0  }
0x1d: {  	s5 =	simm.s32 @p1 $0x1;
	p0 =	seq.s32 s7, s2  }
0x1e: {  	s7 =	smul.u32 @!p0 $0xF7A, s2;
	p2 =	seq.s32 @!p0 s5, $0x0  }
0x1f: {  	s9 =	smul.u32 $0xF7A, s1;
	s8 =	simm.s32 @!p0 $0x1BF5;
	p2 =	por !p2, p0  }
0x20: {  	[sflag:s8] =	ssyncset.s32 @!p0 $0xFFFFF086;
	s6 =	sadd.s32 @!p0 s3, s7;
	s7 =	simm.s32 @!p0 $0x108  }
0x21: {  	s3 =	sadd.s32 s3, s9;
	s6 =	sadd.s32 @!p0 $0x88, s6;
	s7 =	simm.s32 @p2 $0x1082  }
0x22: {  	[simem:s7], [sflag:s8] =	dma.local @!p0 [hbm:s6], $0xF7A  }
0x23: {  	s9 =	sor.u32 $0xD0000000, s2;
	s6 =	simm.s32 $0x108;
	_ =	swait.ge @!p0 [sflag:s8], $0x0  }
0x24: {  	s3 =	sadd.s32 $0x88, s3;
	s6 =	simm.s32 @!p1 $0x1082;
	[sflag:s4] =	ssyncset.s32 $0xFFFFF086  }
0x25: {  	[simem:s6], [sflag:s4] =	dma.local [hbm:s3], $0xF7A  }
0x26: {  	[smem:$0x3F9E] =	sst s1;
	(tag) =	ssettag s2;
	_ =	strace s9  }
0x27: {  	s1 =	sld [smem:$0x3FAE]  }
0x28: {  	s2 =	sld [smem:$0x3FAF]  }
0x29: {  	s4 =	sld [smem:$0x3FB1]  }
0x2a: {  	p0 =	seq.s32 s5, $0x0;
	s5 =	sld [smem:$0x3FB2]  }
0x2b: {  	s6 =	sld [smem:$0x3FB3]  }
0x2c: {  	s7 =	sld [smem:$0x3FB4]  }
0x2d: {  	s3 =	simm.s32 $0x108;
	s8 =	sld [smem:$0x3FB5]  }
0x2e: {  	s3 =	simm.s32 @!p0 $0x1082;
	s9 =	sld [smem:$0x3FB6]  }
0x2f: {  	lr =	sadd.s32 s0, s3;
	s0 =	sld [smem:$0x3FAD]  }
0x30: {  	s3 =	sld [smem:$0x3FB0]  }
0x31: {  	[smem:$0x3FB9] =	sst s10  }
0x32: {  	s10 =	sld [smem:$0x3FB7];
	_ =	sdelay $0x3  }
0x33: {  	p0 =	seq.s32 s10, $0x1;
	s10 =	sld [smem:$0x3FB9];
	_ =	sdelay $0x3  }
0x34: {  	[smem:$0x3FB9] =	sst s10  }
0x35: {  	s10 =	sld [smem:$0x3FB8];
	_ =	sdelay $0x3  }
0x36: {  	p1 =	seq.s32 s10, $0x1;
	s10 =	sld [smem:$0x3FB9];
	_ =	sdelay $0x3  }
0x37: {  	[smem:$0x3FB9] =	sst s10  }
0x38: {  	s10 =	sld [smem:$0x3FBA]  }
0x39: {  	_ = 	snop;
	(pc) =	sbr.ind lr, $3  }
0x3a: {  	_ = 	snop  }
0x3b: {  	_ = 	snop  }
0x3c: {  	p2 =	seq.s32 s10, $0x1;
	s10 =	sld [smem:$0x3FB9]  }
0x3d: {  	_ =	shalt  }
0x3e: {  	_ =	shalt  }
0x3f: {  	_ =	shalt  }
0x40: {  	_ =	shalt  }
0x41: {  	_ =	shalt  }
0x42: {  	_ =	shalt  }
0x43: {  	_ =	shalt  }
0x44: {  	_ =	shalt  }
0x45: {  	_ =	shalt  }
0x46: {  	_ =	shalt  }
0x47: {  	_ =	shalt  }
0x48: {  	_ =	shalt  }
0x49: {  	_ =	shalt  }
0x4a: {  	_ =	shalt  }
0x4b: {  	_ =	shalt  }
0x4c: {  	_ =	shalt  }
0x4d: {  	_ =	shalt  }
0x4e: {  	_ =	shalt  }
0x4f: {  	_ =	shalt  }
0x50: {  	_ =	shalt  }
0x51: {  	_ =	shalt  }
0x52: {  	_ =	shalt  }
0x53: {  	_ =	shalt  }
0x54: {  	_ =	shalt  }
0x55: {  	_ =	shalt  }
0x56: {  	_ =	shalt  }
0x57: {  	_ =	shalt  }
0x58: {  	_ =	shalt  }
0x59: {  	_ =	shalt  }
0x5a: {  	_ =	shalt  }
0x5b: {  	_ =	shalt  }
0x5c: {  	_ =	shalt  }
0x5d: {  	_ =	shalt  }
0x5e: {  	_ =	shalt  }
0x5f: {  	_ =	shalt  }
0x60: {  	_ =	shalt  }
0x61: {  	_ =	shalt  }
0x62: {  	_ =	shalt  }
0x63: {  	_ =	shalt  }
0x64: {  	_ =	shalt  }
0x65: {  	_ =	shalt  }
0x66: {  	_ =	shalt  }
0x67: {  	_ =	shalt  }
0x68: {  	_ =	shalt  }
0x69: {  	_ =	shalt  }
0x6a: {  	_ =	shalt  }
0x6b: {  	_ =	shalt  }
0x6c: {  	_ =	shalt  }
0x6d: {  	_ =	shalt  }
0x6e: {  	_ =	shalt  }
0x6f: {  	_ =	shalt  }
0x70: {  	_ =	shalt  }
0x71: {  	_ =	shalt  }
0x72: {  	_ =	shalt  }
0x73: {  	_ =	shalt  }
0x74: {  	_ =	shalt  }
0x75: {  	_ =	shalt  }
0x76: {  	_ =	shalt  }
0x77: {  	_ =	shalt  }
0x78: {  	_ =	shalt  }
0x79: {  	_ =	shalt  }
0x7a: {  	_ =	shalt  }
0x7b: {  	_ =	shalt  }
0x7c: {  	_ =	shalt  }
0x7d: {  	_ =	shalt  }
0x7e: {  	_ =	shalt  }
0x7f: {  	_ =	shalt  }
0x80: {  	_ =	shalt  }
0x81: {  	_ =	shalt  }
0x82: {  	_ =	shalt  }
0x83: {  	_ =	shalt  }
0x84: {  	_ =	shalt  }
0x85: {  	_ =	shalt  }
0x86: {  	_ =	shalt  }
0x87: {  	_ =	shalt  }
.Lfunc_end0:
.L_simem_size_0:
called_computation_lowered:
.L_overlay_start_0:
0x88: {  	s2 =	sld [smem:$0x3FD9]  }
0x89: {  	s3 =	sld [smem:$0x3FFE];
	_ =	sdelay $0x1  }
0x8a: {  	s1 =	srdreg.scid  }
0x8b: {  	s0 =	sand.u32 $0x1, s1  }
0x8c: {  	s16 =	sshll.u32 s0, $0xA;
	s2 =	sadd.s32 s3, s2  }
0x8d: {  	s2 =	sadd.s32 s2, s16  }
0x8e: {  	[smem:$0x3FC5] =	sst s2  }
0x8f: {  	_ = 	snop  }
0x90: {  	(tm) =	ssettm $0x1  }
0x91: {  	s17 =	sld [smem:$0x3FFB];
	_ =	sdelay $0x3  }
0x92: {  	_ =	strace s17  }
0x93: {  	s2 =	sld [smem:$0x3FFC];
	_ =	sdelay $0x3  }
0x94: {  	_ =	strace s2  }
0x95: {  	s2 =	sld [smem:$0x3FFD];
	_ =	sdelay $0x3  }
0x96: {  	_ =	strace s2  }
0x97: {  	_ =	strace $0x8FFFFFFF  }
0x98: {  	s18 =	sld [smem:$0x3FDB];
	_ =	sdelay $0x1  }
0x99: {  	s19 =	simm.s32 $_scs_section_size  }
0x9a: {  	s4 =	simm.s32 $_size__tile_overlayer_lowered;
	s5 =	simm.s32 $_tile_overlayer_lowered  }
0x9b: {  	s22 =	simm.s32 $0x1BFF;
	s21 =	sshll.u32 s5, $0x1;
	s2 =	sadd.s32 s19, s18  }
0x9c: {  	s6 =	simm.s32 $0x0;
	s20 =	sshll.u32 s4, $0x1;
	s4 =	sadd.s32 s21, s2  }
0x9d: {  	[timem:s6], [sflag:s22] =	dma.local [hbm:s4], s20  }
0x9e: {  	_ =	swait.ge [sflag:s22], s20  }
0x9f: {  	s3 =	ssub.s32 $0x0, s20;
	[sflag:s22] =	ssyncset.done $0x0  }
0xa0: {  	[sflag:s22] =	ssyncadd.s32 s3;
	_ =	sdelay $0x1  }
0xa1: {  	s23 =	simm.s32 $0x1B8B  }
0xa2: {  	_ =	swait.ge [sflag:s23], $0x1  }
0xa3: {  	[sflag:s23] =	ssyncset.done $0x0  }
0xa4: {  	s25 =	simm.s32 $0x1B8E;
	s24 =	sld [smem:$0x3FFE];
	[sflag:s23] =	ssyncadd.s32 $0xFFFFFFFF  }
0xa5: {  	s26 =	simm.s32 $execute0_lowered;
	[smem:$0x3FD2] =	sst s25  }
0xa6: {  	s4 =	sshll.u32 s26, $0x1;
	_ =	strace $0x80000046;
	[dreg:$0x1] =	wrdreg $0xFFFFFFFF  }
0xa7: {  	s28 =	simm.s32 $_size_execute0_lowered;
	s2 =	sadd.s32 s2, s4;
	[dreg:$0x0] =	wrdreg $0x0  }
0xa8: {  	s4 =	sshll.u32 s28, $0x1;
	[dreg:$0x2] =	wrdreg s2  }
0xa9: {  	[dreg:$0x3] =	wrdreg s4  }
0xaa: {  	[dreg:$0x4] =	wrdreg $0xC0  }
0xab: {  	_ =	task [dreg:s6], $0x5FFFF  }
0xac: {  	[dreg:$0x1] =	wrdreg $0xFFFFFFFF  }
0xad: {  	[dreg:$0x0] =	wrdreg $0x60  }
0xae: {  	[dreg:$0x2] =	wrdreg s24  }
0xaf: {  	[dreg:$0x3] =	wrdreg $0x1A5700  }
0xb0: {  	[dreg:$0x4] =	wrdreg $0x9  }
0xb1: {  	_ =	task.clear_ibuf [dreg:s6], $0x5FFFF;
	_ =	strace $0x90000046  }
0xb2: {  	s29 =	simm.s32 $0x9;
	_ =	strace $0x80000048  }
0xb3: {  	_ =	swait.ge [sflag:s29], $0x1  }
0xb4: {  	[sflag:s29] =	ssyncadd.s32 $0xFFFFFFFF  }
0xb5: {  	_ =	strace $0x90000048  }
0xb6: {  	_ =	sfence  }
0xb7: {  	s30 =	sld [smem:$0x0];
	_ =	sdelay $0x2  }
0xb8: {  	s31 =	sshll.u32 s1, $0xD;
	s1 =	sshrl.u32 s1, $0x2  }
0xb9: {  	s3 =	sand.u32 $0x4000, s31;
	s1 =	sadd.s32 s1, s30  }
0xba: {  	s0 =	sor.u32 s3, s0;
	s1 =	sshll.u32 s1, $0x11  }
0xbb: {  	s0 =	sor.u32 s1, s0  }
0xbc: {  	s0 =	sadd.s32 $0x8F2B, s0  }
0xbd: {  	[sflag:s0] =	ssyncadd.remote.s32 $0x1  }
0xbe: {  	_ =	sfence.sel $0xFFFF  }
0xbf: {  	[dreg:$0x0] =	wrdreg $0xFFFFFFFF;
	(pc) =	sbr.abs _section_cstart, $3  }
0xc0: {  	[dreg:$0x1] =	wrdreg $0xFFFFFFFF  }
0xc1: {  	_ =	task.clear_ibuf [dreg:s6], $0x2FFFF;
	_ =	strace $0x9FFFFFFF  }
0xc2: {  	(tm) =	ssettm $0x7FFFFFFF  }
0xc3: {  	_ =	shalt  }
tec
execute0_lowered:
.L_overlay_start_1:
0x0: {  	(tag) =	ssettag $0x1  }
0x1: {  	s10 =	rddreg [dreg:$0x0]  }
0x2: {  	s1 =	rddreg [dreg:$0x1]  }
0x3: {  	s0 =	rddreg [dreg:$0x2];
	s3 =	simm.s32 $0x0;
	s4 =	srdreg.scid  }
0x4: {  	s2 =	stileid.u32;
	s13 =	simm.s32 $0x99000;
	s17 =	simm.s32 $0x200  }
0x5: {  	s18 =	simm.s32 $0x1;
	s19 =	simm.s32 $0x2;
	s20 =	simm.s32 $0x600  }
0x6: {  	s21 =	simm.s32 $0x1E70;
	s22 =	simm.s32 $0x0;
	s5 =	smul.u32 $0x1870, s2  }
0x7: {  	[smem:$0x7FF] =	sst s3;
	s9 =	sand.u32 $0x1, s4;
	s30 =	smul.u32 $0x30E0, s2  }
0x8: {  	s12 =	sadd.s32 $0x2E00, s10;
	s15 =	smul.u32 $0x3100, s2;
	s31 =	sshll.u32 s2, $0x6  }
0x9: {  	_ =	strace $0x80000047;
	s4 =	sshll.u32 s9, $0x4;
	s6 =	ssub.s32 $0x2, s9  }
0xa: {  	p0 =	seq.s32 s9, $0x1;
	s14 =	smul.u32 $0x31000, s9;
	s4 =	sor.u32 s2, s4  }
0xb: {  	s7 =	sshrl.u32 s5, $0x3;
	s8 =	sshrl.u32 s6, $0x1;
	s5 =	sadd.s32 s5, s1  }
0xc: {  	s13 =	simm.s32 @!p0 $0x68200;
	s11 =	smul.u32 $0x3100, s4;
	s4 =	sadd.s32 $0x68000, s10  }
0xd: {  	s7 =	sadd.s32 s7, s10;
	s8 =	ssub.s32 s6, s8;
	s13 =	sadd.s32 s13, s10  }
0xe: {  	s16 =	sshrl.u32 s5, $0x3;
	s6 =	sadd.s32 $0x64E00, s7;
	s8 =	smax.u32 s8, $0x1  }
0xf: {  	s7 =	sadd.s32 s12, s11;
	s11 =	sadd.s32 s13, s30;
	s12 =	sadd.s32 s14, s12  }
0x10: {  	s13 =	simm.s32 $0x400;
	s14 =	simm.s32 $0x3;
	s9 =	sadd.s32 $0x40, s7  }
0x11: {  	s10 =	sadd.s32 $0x80, s7;
	s12 =	sadd.s32 s15, s12;
	s15 =	sor.u32 $0x1C03, s31  }
.LBB2_1:
0x12: {  	[tilespmem:s13], [sflag:$0x3] =	stream.linear.gather [hbm4b:s4+s3], $0x200, $0x38;
	[tilespmem:$0x1BDE0] =	vst v63  }
0x13: {  	_ =	swait.ge [sflag:s14], $0x200  }
0x14: {  	[sflag:s14] =	ssyncset.done $0x0  }
0x15: {  	[sflag:s14] =	ssyncadd.s32 $0xFFFFFE00  }
0x16: {  	[spmem:s16], [sflag:s15] =	dma.local [hbm:s6], $0x30E  }
0x17: {  	_ =	swait.ge [sflag:s14], $0x30E  }
0x18: {  	[sflag:s14] =	ssyncset.done $0x0  }
0x19: {  	[sflag:s14] =	ssyncadd.s32 $0xFFFFFCF2  }
0x1a: {  	[bflag:$0x0] =	sbarrier.arrive $0xFFFF  }
0x1b: {  	[tilespmem:s3], [sflag:$0x3] =	stream.linear.gather [hbm4b:s7+s3], $0x200, $0x38;
	[tilespmem:$0x1BDE0] =	vst v63  }
0x1c: {  	_ =	swait.ge [sflag:s14], $0x200  }
0x1d: {  	[sflag:s14] =	ssyncset.done $0x0  }
0x1e: {  	[sflag:s14] =	ssyncadd.s32 $0xFFFFFE00  }
0x1f: {  	[spmem:s1] =	stream.indirect.scatter.add.f32 [tilespmem:s13], [sflag:$0x2], $0x1, s3, s17, $0xb8;
	[tilespmem:$0x1BDE0] =	vst v63  }
0x20: {  	_ = 	snop  }
0x21: {  	[tilespmem:s17], [sflag:$0x1] =	stream.linear.gather [hbm4b:s9+s3], $0x200, $0x38;
	[tilespmem:$0x1BDE0] =	vst v63  }
0x22: {  	_ =	swait.ge [sflag:s18], $0x200  }
0x23: {  	[sflag:s18] =	ssyncset.done $0x0  }
0x24: {  	[sflag:s18] =	ssyncadd.s32 $0xFFFFFE00  }
0x25: {  	[spmem:s1] =	stream.indirect.scatter.add.f32 [tilespmem:s13], [sflag:$0x2], $0x1, s17, s17, $0xb8;
	[tilespmem:$0x1BDE0] =	vst v63  }
0x26: {  	_ =	swait.ge [sflag:s19], $0x200  }
0x27: {  	[sflag:s19] =	ssyncset.done $0x0  }
0x28: {  	s23 =	simm.s32 $0xFFFFD000;
	[sflag:s19] =	ssyncadd.s32 $0xFFFFFE00  }
0x29: {  	[tilespmem:s3], [sflag:$0x1] =	stream.linear.gather [hbm4b:s10+s3], $0x200, $0x38;
	[tilespmem:$0x1BDE0] =	vst v63  }
.LBB2_2:
0x2a: {  	_ =	swait.ge [sflag:s18], $0x200  }
0x2b: {  	[sflag:s18] =	ssyncset.done $0x0  }
0x2c: {  	[sflag:s18] =	ssyncadd.s32 $0xFFFFFE00  }
0x2d: {  	[spmem:s1] =	stream.indirect.scatter.add.f32 [tilespmem:s13], [sflag:$0x2], $0x1, s3, s17, $0xb8;
	[tilespmem:$0x1BDE0] =	vst v63  }
0x2e: {  	_ =	swait.ge [sflag:s19], $0x200  }
0x2f: {  	s24 =	sadd.s32 s23, s12;
	[sflag:s19] =	ssyncset.done $0x0  }
0x30: {  	s25 =	sadd.s32 $0x30C0, s24;
	[sflag:s19] =	ssyncadd.s32 $0xFFFFFE00  }
0x31: {  	[tilespmem:s17], [sflag:$0x1] =	stream.linear.gather [hbm4b:s25+s3], $0x200, $0x38;
	[tilespmem:$0x1BDE0] =	vst v63  }
0x32: {  	_ =	swait.ge [sflag:s18], $0x200  }
0x33: {  	p0 =	seq.s32 s23, $0x0;
	[sflag:s18] =	ssyncset.done $0x0  }
.Ltmp0:
0x34: {  	[sflag:s18] =	ssyncadd.s32 $0xFFFFFE00;
	(pc) =	sbr.rel @p0 .LBB2_4-.Ltmp0, $4  }
0x35: {  	[spmem:s1] =	stream.indirect.scatter.add.f32 [tilespmem:s13], [sflag:$0x2], $0x1, s17, s17, $0xb8;
	[tilespmem:$0x1BDE0] =	vst v63  }
0x36: {  	_ =	swait.ge [sflag:s19], $0x200  }
0x37: {  	[sflag:s19] =	ssyncset.done $0x0  }
0x38: {  	[sflag:s19] =	ssyncadd.s32 $0xFFFFFE00  }
.Ltmp1:
0x39: {  	(pc) =	sbr.rel .LBB2_2-.Ltmp1, $3  }
0x3a: {  	_ =	sdelay $0x1  }
0x3b: {  	s24 =	sadd.s32 $0x3100, s24;
	s23 =	sadd.s32 $0x80, s23  }
0x3c: {  	[tilespmem:s3], [sflag:$0x1] =	stream.linear.gather [hbm4b:s24+s3], $0x200, $0x38;
	[tilespmem:$0x1BDE0] =	vst v63  }
.LBB2_4:
0x3d: {  	_ =	swait.ge [sflag:s19], $0x200  }
0x3e: {  	[sflag:s19] =	ssyncset.done $0x0  }
0x3f: {  	[sflag:s19] =	ssyncadd.s32 $0xFFFFFE00  }
0x40: {  	[bflag:$0x0] =	sbarrier.arrive $0xFFFF  }
0x41: {  	[tilespmem:s20], [sflag:$0x3] =	stream.linear.gather [spmem:s5], $0x1870, $0x38;
	[tilespmem:$0x1BDE0] =	vst v63  }
0x42: {  	_ =	swait.ge [sflag:s14], $0x1870  }
0x43: {  	[sflag:s14] =	ssyncset.done $0x0  }
0x44: {  	s23 =	simm.s32 $0x0;
	[sflag:s14] =	ssyncadd.s32 $0xFFFFE790  }
0x45: {  	v0 =	vld [tilespmem:s23+$0x600];
	_ =	sdelay $0x4  }
0x46: {  	v1 =	vbroadcast v0, $0x0  }
0x47: {  	s23 =	simm.s32 $0x1EF0;
	v2 =	vbroadcast v0, $0x1  }
0x48: {  	v3 =	vbroadcast v0, $0x2;
	[tilespmem:s23+$0xFFFFFF80] =	vst v1  }
0x49: {  	v52 =	vbroadcast v0, $0x3;
	[tilespmem:s23+$0xFFFFFF90] =	vst v2  }
0x4a: {  	v53 =	vbroadcast v0, $0x4;
	[tilespmem:s23+$0xFFFFFFA0] =	vst v3  }
0x4b: {  	v54 =	vbroadcast v0, $0x5;
	[tilespmem:s23+$0xFFFFFFB0] =	vst v52  }
0x4c: {  	v55 =	vbroadcast v0, $0x6;
	[tilespmem:s23+$0xFFFFFFC0] =	vst v53  }
0x4d: {  	v56 =	vbroadcast v0, $0x7;
	[tilespmem:s23+$0xFFFFFFD0] =	vst v54  }
0x4e: {  	v57 =	vbroadcast v0, $0x8;
	[tilespmem:s23+$0xFFFFFFE0] =	vst v55  }
0x4f: {  	v58 =	vbroadcast v0, $0x9;
	[tilespmem:s23+$0xFFFFFFF0] =	vst v56  }
0x50: {  	v59 =	vbroadcast v0, $0xA;
	[tilespmem:s23+$0x0] =	vst v57  }
0x51: {  	v60 =	vbroadcast v0, $0xB;
	[tilespmem:s23+$0x10] =	vst v58  }
0x52: {  	v61 =	vbroadcast v0, $0xC;
	[tilespmem:s23+$0x20] =	vst v59  }
0x53: {  	v62 =	vbroadcast v0, $0xD;
	[tilespmem:s23+$0x30] =	vst v60  }
0x54: {  	v63 =	vbroadcast v0, $0xE;
	[tilespmem:s23+$0x40] =	vst v61  }
0x55: {  	v0 =	vbroadcast v0, $0xF;
	[tilespmem:s23+$0x50] =	vst v62  }
0x56: {  	[tilespmem:s23+$0x60] =	vst v63  }
0x57: {  	s25 =	simm.s32 $0x10;
	s24 =	simm.s32 $0x80;
	[tilespmem:s23+$0x70] =	vst v0  }
.LBB2_5:
0x58: {  	p0 =	sne.s32 s24, $0x6180;
	v0 =	vld [tilespmem:s25+$0x600];
	_ =	sdelay $0x4  }
0x59: {  	v1 =	vbroadcast v0, $0x0;
	v2 =	vbroadcast v0, $0x1  }
0x5a: {  	s23 =	sadd.s32 $0x100, s23;
	v3 =	vbroadcast v0, $0x2;
	v4 =	vbroadcast v0, $0x3  }
0x5b: {  	v5 =	vbroadcast v0, $0x5;
	[tilespmem:s23+$0xFFFFFF80] =	vst v1;
	v1 =	vbroadcast v0, $0x4  }
0x5c: {  	v6 =	vbroadcast v0, $0x7;
	[tilespmem:s23+$0xFFFFFF90] =	vst v2;
	v2 =	vbroadcast v0, $0x6  }
0x5d: {  	v7 =	vbroadcast v0, $0x9;
	[tilespmem:s23+$0xFFFFFFA0] =	vst v3;
	v3 =	vbroadcast v0, $0x8  }
0x5e: {  	v8 =	vbroadcast v0, $0xB;
	[tilespmem:s23+$0xFFFFFFB0] =	vst v4;
	v4 =	vbroadcast v0, $0xA  }
0x5f: {  	v9 =	vbroadcast v0, $0xD;
	[tilespmem:s23+$0xFFFFFFC0] =	vst v1;
	v1 =	vbroadcast v0, $0xC  }
0x60: {  	[tilespmem:s23+$0xFFFFFFD0] =	vst v5;
	v5 =	vbroadcast v0, $0xE;
	v0 =	vbroadcast v0, $0xF  }
0x61: {  	[tilespmem:s23+$0xFFFFFFE0] =	vst v2  }
0x62: {  	[tilespmem:s23+$0xFFFFFFF0] =	vst v6  }
0x63: {  	[tilespmem:s23+$0x0] =	vst v3  }
0x64: {  	[tilespmem:s23+$0x10] =	vst v7  }
0x65: {  	[tilespmem:s23+$0x20] =	vst v4  }
.Ltmp2:
0x66: {  	[tilespmem:s23+$0x30] =	vst v8;
	(pc) =	sbr.rel @p0 .LBB2_5-.Ltmp2, $4  }
0x67: {  	[tilespmem:s23+$0x40] =	vst v1  }
0x68: {  	[tilespmem:s23+$0x50] =	vst v9  }
0x69: {  	[tilespmem:s23+$0x60] =	vst v5  }
0x6a: {  	s25 =	sshra.s32 s24, $0x2;
	s24 =	sadd.s32 $0x40, s24;
	[tilespmem:s23+$0x70] =	vst v0  }
0x6b: {  	v0 =	vld [tilespmem:s25+$0x600];
	_ =	sdelay $0x4  }
0x6c: {  	v1 =	vbroadcast v0, $0x0  }
0x6d: {  	s23 =	sadd.s32 $0x100, s23;
	v2 =	vbroadcast v0, $0x1  }
0x6e: {  	v3 =	vbroadcast v0, $0x2;
	[tilespmem:s23+$0xFFFFFF80] =	vst v1  }
0x6f: {  	v52 =	vbroadcast v0, $0x3;
	[tilespmem:s23+$0xFFFFFF90] =	vst v2  }
0x70: {  	v53 =	vbroadcast v0, $0x4;
	[tilespmem:s23+$0xFFFFFFA0] =	vst v3  }
0x71: {  	v54 =	vbroadcast v0, $0x5;
	[tilespmem:s23+$0xFFFFFFB0] =	vst v52  }
0x72: {  	v55 =	vbroadcast v0, $0x6;
	[tilespmem:s23+$0xFFFFFFC0] =	vst v53  }
0x73: {  	v56 =	vbroadcast v0, $0x7;
	[tilespmem:s23+$0xFFFFFFD0] =	vst v54  }
0x74: {  	v57 =	vbroadcast v0, $0x8;
	[tilespmem:s23+$0xFFFFFFE0] =	vst v55  }
0x75: {  	v58 =	vbroadcast v0, $0x9;
	[tilespmem:s23+$0xFFFFFFF0] =	vst v56  }
0x76: {  	v59 =	vbroadcast v0, $0xA;
	[tilespmem:s23+$0x0] =	vst v57  }
0x77: {  	v60 =	vbroadcast v0, $0xB;
	[tilespmem:s23+$0x10] =	vst v58  }
0x78: {  	v61 =	vbroadcast v0, $0xC;
	[tilespmem:s23+$0x20] =	vst v59  }
0x79: {  	v62 =	vbroadcast v0, $0xD;
	[tilespmem:s23+$0x30] =	vst v60  }
0x7a: {  	v63 =	vbroadcast v0, $0xE;
	[tilespmem:s23+$0x40] =	vst v61  }
0x7b: {  	s22 =	sadd.s32 $0x1, s22;
	v0 =	vbroadcast v0, $0xF;
	[tilespmem:s23+$0x50] =	vst v62  }
0x7c: {  	p0 =	sne.s32 s22, s8;
	[tilespmem:s23+$0x60] =	vst v63  }
.Ltmp3:
0x7d: {  	[tilespmem:s23+$0x70] =	vst v0;
	(pc) =	sbr.rel @p0 .LBB2_1-.Ltmp3, $4  }
0x7e: {  	[hbm4b:s11+s3] =	stream.linear.scatter [tilespmem:s21], [sflag:$0x3], $0x18700, $0x38;
	[tilespmem:$0x1BDE0] =	vst v63  }
0x7f: {  	_ =	swait.ge [sflag:s14], $0x18700  }
0x80: {  	[sflag:s14] =	ssyncset.done $0x0  }
0x81: {  	[sflag:s14] =	ssyncadd.s32 $0xFFFE7900  }
0x82: {  	_ =	sfence.sel $0x180000  }
0x83: {  	[bflag:$0x0] =	sbarrier.arrive $0xFFFF  }
0x84: {  	p0 =	sne.s32 s2, $0x0;
	_ =	strace $0x90000047  }
0x85: {  	s0 =	sadd.s32 @!p0 $0x100000, s0;
	[bflag:$0x2] =	sbarrier.arrive $0xFFFF  }
0x86: {  	[sflag:s0] =	ssyncadd.tile.s32 @!p0 $0x1;
	_ =	shalt  }
.Lfunc_end2:
_tile_overlayer_lowered:
.L_overlay_start_2:
0x87: {  	(tag) =	ssettag $0x2  }
0x88: {  	s0 =	rddreg [dreg:$0x0];
	s2 =	stileid.u32  }
0x89: {  	s1 =	rddreg [dreg:$0x1];
	p0 =	sne.s32 s2, $0x0  }
0x8a: {  	s3 =	rddreg [dreg:$0x2];
	[bflag:$0x3] =	sbarrier.arrive $0xFFFF;
	s2 =	simm.s32 @!p0 $0x1C03  }
0x8b: {  	[timem:s3], [sflag:s2] =	dma.local @!p0 [hbm:s0], s1  }
0x8c: {  	s0 =	simm.s32 @!p0 $0x3  }
0x8d: {  	_ =	swait.ge @!p0 [sflag:s0], s1  }
0x8e: {  	s1 =	ssub.s32 @!p0 $0x0, s1;
	[sflag:s0] =	ssyncset.done @!p0 $0x0  }
0x8f: {  	[sflag:s0] =	ssyncadd.s32 @!p0 s1  }
0x90: {  	[bflag:$0x3] =	sbarrier.arrive $0xFFFF  }
0x91: {  	_ =	shalt  }

</sc_bundles>
